<compile_context>
chip_gen: v7x
topology: tpu7x:2x2x1
jax: 0.10.2.dev20260603
libtpu: 0.0.44.dev20260713+nightly
codegen_flags: <defaults>
</compile_context>

<pallas_src>
import functools

import jax
import jax.numpy as jnp
from jax import lax
from jax.experimental import pallas as pl
from jax.experimental.pallas import tpu as pltpu
from jax.experimental.pallas import tpu_sc as plsc

N_CORES = 2
N_SUBCORES = 16
N_TILES = N_CORES * N_SUBCORES
K = 80
M_BLK = 2000


def _sc_mesh():
    return plsc.VectorSubcoreMesh(core_axis_name="c", subcore_axis_name="s")


def _row_partition(N):
    rps = (N // 8 // N_SUBCORES) * 8
    tail = N - N_SUBCORES * rps
    return rps, tail


def _striped_rows_copy(src, dst, s, N):
    rps, tail = _row_partition(N)
    pltpu.sync_copy(src.at[pl.ds(s * rps, rps)], dst.at[pl.ds(s * rps, rps)])
    if tail:
        @pl.when(s == N_SUBCORES - 1)
        def _():
            pltpu.sync_copy(src.at[pl.ds(N_SUBCORES * rps, tail)],
                            dst.at[pl.ds(N_SUBCORES * rps, tail)])


NBUF = 5


def _make_deg_kernel(E, N):
    ept = E // N_TILES
    nch = ept // K

    @functools.partial(
        pl.kernel,
        out_type=jax.ShapeDtypeStruct((N_CORES, N, 16), jnp.float32),
        mesh=_sc_mesh(),
        compiler_params=pltpu.CompilerParams(use_tc_tiling_on_sc=False),
        scratch_types=[
            pltpu.VMEM((E // K // N_TILES, K), jnp.int32),
            pltpu.VMEM((K, 16), jnp.float32),
            pltpu.VMEM_SHARED((N, 16), jnp.float32),
            pltpu.SemaphoreType.DMA,
        ],
    )
    def deg_kernel(ei2_hbm, zero_hbm, ones_hbm, out_hbm,
                   didx, ones_v, acc_sh, ssem):
        c = lax.axis_index("c")
        s = lax.axis_index("s")
        wid = c * N_SUBCORES + s
        pltpu.sync_copy(ones_hbm, ones_v)
        pltpu.sync_copy(ei2_hbm.at[1].at[pl.ds(wid * nch, nch)], didx)
        _striped_rows_copy(zero_hbm, acc_sh, s, N)
        plsc.subcore_barrier()

        @pl.loop(0, nch, step=NBUF)
        def _(c0):
            for b in range(NBUF):
                pltpu.async_copy(ones_v, acc_sh.at[didx.at[c0 + b]], ssem,
                                 add=True)
            for b in range(NBUF):
                pltpu.make_async_copy(ones_v, acc_sh.at[didx.at[0]],
                                      ssem).wait()

        plsc.subcore_barrier()
        _striped_rows_copy(acc_sh, out_hbm.at[c], s, N)

    return deg_kernel


def _make_agg_kernel(E, N, D, nbuf, stream_idx=False):
    ept = E // N_TILES
    nch = ept // K
    main = nch - nch % nbuf
    ngrp = main // nbuf
    assert ept % K == 0 and main > 0
    nidx = 2 if stream_idx else 1
    idx_rows = nbuf if stream_idx else nch

    @functools.partial(
        pl.kernel,
        out_type=jax.ShapeDtypeStruct((N_CORES, N, D), jnp.float32),
        mesh=_sc_mesh(),
        compiler_params=pltpu.CompilerParams(use_tc_tiling_on_sc=False),
        scratch_types=[
            pltpu.VMEM((nidx, idx_rows, K), jnp.int32),
            pltpu.VMEM((nidx, idx_rows, K), jnp.int32),
            pltpu.VMEM((nbuf, K, D), jnp.float32),
            pltpu.VMEM_SHARED((N, D), jnp.float32),
            pltpu.SemaphoreType.DMA((nbuf,)),
            pltpu.SemaphoreType.DMA((nbuf,)),
            pltpu.SemaphoreType.DMA((2,)),
            pltpu.SemaphoreType.DMA((2,)),
        ],
    )
    def agg_kernel(g_hbm, ei2_hbm, zero_hbm, out_hbm,
                   sidx, didx, rows, acc_sh, gsem, ssem, is1, is2):
        c = lax.axis_index("c")
        s = lax.axis_index("s")
        wid = c * N_SUBCORES + s
        ebase = wid * nch
        ei0 = ei2_hbm.at[0]
        ei1 = ei2_hbm.at[1]
        if stream_idx:
            pltpu.sync_copy(ei0.at[pl.ds(ebase, nbuf)], sidx.at[0])
            pltpu.sync_copy(ei1.at[pl.ds(ebase, nbuf)], didx.at[0])
        else:
            pltpu.sync_copy(ei0.at[pl.ds(ebase, nch)], sidx.at[0])
            pltpu.sync_copy(ei1.at[pl.ds(ebase, nch)], didx.at[0])
        _striped_rows_copy(zero_hbm, acc_sh, s, N)
        plsc.subcore_barrier()

        @pl.loop(0, ngrp)
        def _(gp):
            c0 = gp * nbuf
            if stream_idx:
                slot = lax.rem(gp, 2)
                srow = sidx.at[slot]
                drow = didx.at[slot]
                @pl.when(gp > 0)
                def _():
                    pltpu.make_async_copy(ei0.at[pl.ds(ebase, nbuf)],
                                          sidx.at[slot], is1.at[slot]).wait()
                    pltpu.make_async_copy(ei1.at[pl.ds(ebase, nbuf)],
                                          didx.at[slot], is2.at[slot]).wait()
            else:
                srow = sidx.at[0].at[pl.ds(c0, nbuf)]
                drow = didx.at[0].at[pl.ds(c0, nbuf)]
            for b in range(nbuf):
                @pl.when(gp > 0)
                def _():
                    pltpu.make_async_copy(rows.at[b],
                                          acc_sh.at[didx.at[0].at[0]],
                                          ssem.at[b]).wait()
                pltpu.async_copy(g_hbm.at[srow.at[b]], rows.at[b],
                                 gsem.at[b])
            if stream_idx:
                @pl.when(gp + 1 < ngrp)
                def _():
                    nxt = 1 - slot
                    off = ebase + c0 + nbuf
                    pltpu.async_copy(ei0.at[pl.ds(off, nbuf)], sidx.at[nxt],
                                     is1.at[nxt])
                    pltpu.async_copy(ei1.at[pl.ds(off, nbuf)], didx.at[nxt],
                                     is2.at[nxt])
            for b in range(nbuf):
                pltpu.make_async_copy(g_hbm.at[srow.at[0]], rows.at[b],
                                      gsem.at[b]).wait()
                pltpu.async_copy(rows.at[b], acc_sh.at[drow.at[b]],
                                 ssem.at[b], add=True)

        for b in range(nbuf):
            pltpu.make_async_copy(rows.at[b], acc_sh.at[didx.at[0].at[0]],
                                  ssem.at[b]).wait()
        for t, ch in enumerate(range(main, nch)):
            if stream_idx:
                pltpu.sync_copy(ei0.at[ch + ebase], sidx.at[0].at[t])
                pltpu.sync_copy(ei1.at[ch + ebase], didx.at[0].at[t])
                srow_t = sidx.at[0].at[t]
                drow_t = didx.at[0].at[t]
            else:
                srow_t = sidx.at[0].at[ch]
                drow_t = didx.at[0].at[ch]
            pltpu.async_copy(g_hbm.at[srow_t], rows.at[t],
                             gsem.at[t]).wait()
            pltpu.sync_copy(rows.at[t], acc_sh.at[drow_t], add=True)
        plsc.subcore_barrier()
        _striped_rows_copy(acc_sh, out_hbm.at[c], s, N)

    return agg_kernel


def _dot(a, b):
    return lax.dot_general(a, b, (((1,), (0,)), ((), ())),
                           precision=lax.Precision.HIGHEST,
                           preferred_element_type=jnp.float32)


def _mm_scale_body(x_ref, w_ref, deg_ref, g_ref, dinv_ref):
    degsum = deg_ref[0] + deg_ref[1]
    dinv = lax.rsqrt(degsum[:, 0:1] + 1.0)
    dinv_ref[...] = dinv
    g_ref[...] = _dot(x_ref[...], w_ref[...]) * dinv


def _epi1_body(agg_ref, g1_ref, dinv_ref, b1_ref, w2_ref, g2_ref):
    dinv = dinv_ref[...]
    pre = dinv * (agg_ref[0] + agg_ref[1] + g1_ref[...]) + b1_ref[...]
    r = jnp.maximum(pre, 0.0)
    g2_ref[...] = _dot(r, w2_ref[...]) * dinv


def _epi2_body(agg_ref, g2_ref, dinv_ref, b2_ref, o_ref):
    o_ref[...] = (dinv_ref[...] * (agg_ref[0] + agg_ref[1] + g2_ref[...])
                  + b2_ref[...])


def kernel(x, edge_index, W1, b1, W2, b2):
    N, FEAT = x.shape
    HID = W1.shape[1]
    OUT = W2.shape[1]
    E = edge_index.shape[1]
    grid = (N // M_BLK,)

    ei2 = edge_index.reshape(2, E // K, K)
    z16 = jnp.zeros((N, 16), jnp.float32)
    ones = jnp.ones((K, 16), jnp.float32)
    zH = jnp.zeros((N, HID), jnp.float32)
    zO = jnp.zeros((N, OUT), jnp.float32)

    deg = _make_deg_kernel(E, N)(ei2, z16, ones)

    g1, dinv = pl.pallas_call(
        _mm_scale_body,
        grid=grid,
        in_specs=[pl.BlockSpec((M_BLK, FEAT), lambda i: (i, 0)),
                  pl.BlockSpec((FEAT, HID), lambda i: (0, 0)),
                  pl.BlockSpec((N_CORES, M_BLK, 16), lambda i: (0, i, 0))],
        out_specs=[pl.BlockSpec((M_BLK, HID), lambda i: (i, 0)),
                   pl.BlockSpec((M_BLK, 1), lambda i: (i, 0))],
        out_shape=[jax.ShapeDtypeStruct((N, HID), jnp.float32),
                   jax.ShapeDtypeStruct((N, 1), jnp.float32)],
    )(x, W1, deg)

    agg1 = _make_agg_kernel(E, N, HID, 4, stream_idx=True)(g1, ei2, zH)

    g2 = pl.pallas_call(
        _epi1_body,
        grid=grid,
        in_specs=[pl.BlockSpec((N_CORES, M_BLK, HID), lambda i: (0, i, 0)),
                  pl.BlockSpec((M_BLK, HID), lambda i: (i, 0)),
                  pl.BlockSpec((M_BLK, 1), lambda i: (i, 0)),
                  pl.BlockSpec((1, HID), lambda i: (0, 0)),
                  pl.BlockSpec((HID, OUT), lambda i: (0, 0))],
        out_specs=pl.BlockSpec((M_BLK, OUT), lambda i: (i, 0)),
        out_shape=jax.ShapeDtypeStruct((N, OUT), jnp.float32),
    )(agg1, g1, dinv, b1.reshape(1, HID), W2)

    agg2 = _make_agg_kernel(E, N, OUT, NBUF)(g2, ei2, zO)

    out = pl.pallas_call(
        _epi2_body,
        grid=grid,
        in_specs=[pl.BlockSpec((N_CORES, M_BLK, OUT), lambda i: (0, i, 0)),
                  pl.BlockSpec((M_BLK, OUT), lambda i: (i, 0)),
                  pl.BlockSpec((M_BLK, 1), lambda i: (i, 0)),
                  pl.BlockSpec((1, OUT), lambda i: (0, 0))],
        out_specs=pl.BlockSpec((M_BLK, OUT), lambda i: (i, 0)),
        out_shape=jax.ShapeDtypeStruct((N, OUT), jnp.float32),
    )(agg2, g2, dinv, b2.reshape(1, OUT))

    return out

# --- scband reference (transcript-rebuilt; emitter-appended) ---
"""Pipeline reference for scband-gcn1-64613488001713 (READ-ONLY COPY).

The authoritative reference and input builder live on the scoring server;
editing this copy changes nothing except your own understanding.
"""

import jax, jax.numpy as jnp
import numpy as np

N = 10000
E = 320000
FEAT = 128
HID = 128
OUT = 64


def _glorot(key, shape):
    limit = jnp.sqrt(6.0 / (shape[0] + shape[1]))
    return jax.random.uniform(key, shape, minval=-limit, maxval=limit, dtype=jnp.float32)


def setup_inputs(seed: int = 0) -> dict:
    key = jax.random.key(seed)
    ks = jax.random.split(key, 6)
    x = jax.random.normal(ks[0], (N, FEAT), dtype=jnp.float32)
    edge_index = jax.random.randint(ks[1], (2, E), 0, N, dtype=jnp.int32)
    W1 = _glorot(ks[2], (FEAT, HID))
    b1 = jnp.zeros((HID,), dtype=jnp.float32)
    W2 = _glorot(ks[3], (HID, OUT))
    b2 = jnp.zeros((OUT,), dtype=jnp.float32)
    return {"x": x, "edge_index": edge_index, "W1": W1, "b1": b1, "W2": W2, "b2": b2}


def gcn_conv(x, edge_index, W, b):
    # PyG GCNConv: add self-loops, symmetric normalization D^-1/2 (A+I) D^-1/2 X W + b
    num_nodes = x.shape[0]
    loop = jnp.arange(num_nodes, dtype=edge_index.dtype)
    src = jnp.concatenate([edge_index[0], loop])
    dst = jnp.concatenate([edge_index[1], loop])
    deg = jnp.zeros((num_nodes,), dtype=jnp.float32).at[dst].add(1.0)
    deg_inv_sqrt = jnp.where(deg > 0, deg ** -0.5, 0.0)
    norm = deg_inv_sqrt[src] * deg_inv_sqrt[dst]
    h = x @ W
    msgs = h[src] * norm[:, None]
    out = jnp.zeros((num_nodes, W.shape[1]), dtype=jnp.float32).at[dst].add(msgs)
    return out + b


def reference(x, edge_index, W1, b1, W2, b2):
    # forward(data): conv1 -> relu -> dropout (identity in eval) -> conv2
    h = gcn_conv(x, edge_index, W1, b1)
    h = jax.nn.relu(h)
    out = gcn_conv(h, edge_index, W2, b2)
    return out

if __name__ == "__main__":
    import jax
    _d = setup_inputs()
    print(jax.jit(kernel)(*tuple(_d.values())))

</pallas_src>

<mosaic_0001>
#map = affine_map<(d0, d1) -> (0, 0)>
#map1 = affine_map<(d0, d1) -> (0, 0, 0)>
module attributes {stable_mosaic.version = 14 : i64} {
  func.func @agg_kernel(%arg0: i32, %arg1: i32, %arg2: memref<10000x64xf32, #tpu.memory_space<hbm>>, %arg3: memref<2x4000x80xi32, #tpu.memory_space<hbm>>, %arg4: memref<10000x64xf32, #tpu.memory_space<hbm>>, %arg5: memref<2x10000x64xf32, #tpu.memory_space<hbm>>, %arg6: memref<1x125x80xi32, #tpu.memory_space<vmem>>, %arg7: memref<1x125x80xi32, #tpu.memory_space<vmem>>, %arg8: memref<5x80x64xf32, #tpu.memory_space<vmem>>, %arg9: memref<10000x64xf32, #tpu.memory_space<vmem_shared>>, %arg10: memref<5x!tpu.dma_semaphore, #tpu.memory_space<semaphore_mem>>, %arg11: memref<5x!tpu.dma_semaphore, #tpu.memory_space<semaphore_mem>>, %arg12: memref<2x!tpu.dma_semaphore, #tpu.memory_space<semaphore_mem>>, %arg13: memref<2x!tpu.dma_semaphore, #tpu.memory_space<semaphore_mem>>) attributes {dimension_semantics = [#tpu.dimension_semantics<core_parallel>, #tpu.dimension_semantics<subcore_parallel>], iteration_bounds = array<i64: 2, 16>, scalar_prefetch = 0 : i64, scratch_operands = 8 : i64, tpu.core_type = #tpu.core_type<sc_vector_subcore>, window_params = [{transform_indices = #map}, {transform_indices = #map1}, {transform_indices = #map}, {transform_indices = #map1}]} {
    %mul3A = arith.constant 16 : i32
    %mul3A_0 = arith.muli %arg0, %mul3A : i32
    %add3A = arith.addi %mul3A_0, %arg1 : i32
    %mul3A_1 = arith.constant 125 : i32
    %mul3A_2 = arith.muli %add3A, %mul3A_1 : i32
    %run_scoped3A = arith.constant 0 : i32
    %run_scoped3A_3 = arith.constant 0 : i32
    "tpu.region"() ({
      %run_scoped3A_125 = tpu.sem_alloc : memref<!tpu.dma_semaphore, #tpu.memory_space<semaphore_mem>>
      %dma_start3A = arith.constant 0 : i32
      %dma_start3A_126 = arith.constant 0 : i32
      %dma_start3A_127 = tpu.memref_slice %arg6[%run_scoped3A_3, %dma_start3A, %dma_start3A_126] : memref<1x125x80xi32, #tpu.memory_space<vmem>> -> memref<1x125x80xi32, #tpu.memory_space<vmem>>
      %dma_start3A_128 = tpu.memref_squeeze %dma_start3A_127 : memref<1x125x80xi32, #tpu.memory_space<vmem>> -> memref<125x80xi32, #tpu.memory_space<vmem>>
      %dma_start3A_129 = arith.constant 0 : i32
      %dma_start3A_130 = arith.constant 0 : i32
      %dma_start3A_131 = tpu.memref_slice %arg3[%run_scoped3A, %dma_start3A_129, %dma_start3A_130] : memref<2x4000x80xi32, #tpu.memory_space<hbm>> -> memref<1x4000x80xi32, #tpu.memory_space<hbm>>
      %dma_start3A_132 = tpu.memref_squeeze %dma_start3A_131 : memref<1x4000x80xi32, #tpu.memory_space<hbm>> -> memref<4000x80xi32, #tpu.memory_space<hbm>>
      %dma_start3A_133 = arith.constant 0 : i32
      %dma_start3A_134 = tpu.memref_slice %dma_start3A_132[%mul3A_2, %dma_start3A_133] : memref<4000x80xi32, #tpu.memory_space<hbm>> -> memref<125x80xi32, #tpu.memory_space<hbm>>
      %dma_start3A_135 = arith.constant 0 : i32
      %dma_start3A_136 = arith.constant 0 : i32
      %dma_start3A_137 = tpu.memref_slice %arg6[%run_scoped3A_3, %dma_start3A_135, %dma_start3A_136] : memref<1x125x80xi32, #tpu.memory_space<vmem>> -> memref<1x125x80xi32, #tpu.memory_space<vmem>>
      %dma_start3A_138 = tpu.memref_squeeze %dma_start3A_137 : memref<1x125x80xi32, #tpu.memory_space<vmem>> -> memref<125x80xi32, #tpu.memory_space<vmem>>
      %dma_start3A_139 = arith.constant 0 : i32
      %dma_start3A_140 = arith.constant 0 : i32
      %dma_start3A_141 = tpu.memref_slice %arg3[%run_scoped3A, %dma_start3A_139, %dma_start3A_140] : memref<2x4000x80xi32, #tpu.memory_space<hbm>> -> memref<1x4000x80xi32, #tpu.memory_space<hbm>>
      %dma_start3A_142 = tpu.memref_squeeze %dma_start3A_141 : memref<1x4000x80xi32, #tpu.memory_space<hbm>> -> memref<4000x80xi32, #tpu.memory_space<hbm>>
      %dma_start3A_143 = arith.constant 0 : i32
      %dma_start3A_144 = tpu.memref_slice %dma_start3A_142[%mul3A_2, %dma_start3A_143] : memref<4000x80xi32, #tpu.memory_space<hbm>> -> memref<125x80xi32, #tpu.memory_space<hbm>>
      tpu.enqueue_dma source(%dma_start3A_144 : memref<125x80xi32, #tpu.memory_space<hbm>>) target(%dma_start3A_138 : memref<125x80xi32, #tpu.memory_space<vmem>>) target_semaphore(%run_scoped3A_125 : memref<!tpu.dma_semaphore, #tpu.memory_space<semaphore_mem>>)
      %dma_wait3A_145 = arith.constant 0 : i32
      %dma_wait3A_146 = arith.constant 0 : i32
      %dma_wait3A_147 = tpu.memref_slice %arg6[%run_scoped3A_3, %dma_wait3A_145, %dma_wait3A_146] : memref<1x125x80xi32, #tpu.memory_space<vmem>> -> memref<1x125x80xi32, #tpu.memory_space<vmem>>
      %dma_wait3A_148 = tpu.memref_squeeze %dma_wait3A_147 : memref<1x125x80xi32, #tpu.memory_space<vmem>> -> memref<125x80xi32, #tpu.memory_space<vmem>>
      %dma_wait3A_149 = arith.constant 0 : i32
      %dma_wait3A_150 = arith.constant 0 : i32
      %dma_wait3A_151 = tpu.memref_slice %arg3[%run_scoped3A, %dma_wait3A_149, %dma_wait3A_150] : memref<2x4000x80xi32, #tpu.memory_space<hbm>> -> memref<1x4000x80xi32, #tpu.memory_space<hbm>>
      %dma_wait3A_152 = tpu.memref_squeeze %dma_wait3A_151 : memref<1x4000x80xi32, #tpu.memory_space<hbm>> -> memref<4000x80xi32, #tpu.memory_space<hbm>>
      %dma_wait3A_153 = arith.constant 0 : i32
      %dma_wait3A_154 = tpu.memref_slice %dma_wait3A_152[%mul3A_2, %dma_wait3A_153] : memref<4000x80xi32, #tpu.memory_space<hbm>> -> memref<125x80xi32, #tpu.memory_space<hbm>>
      %dma_wait3A_155 = arith.constant 0 : i32
      %dma_wait3A_156 = arith.constant 0 : i32
      %dma_wait3A_157 = tpu.memref_slice %arg6[%run_scoped3A_3, %dma_wait3A_155, %dma_wait3A_156] : memref<1x125x80xi32, #tpu.memory_space<vmem>> -> memref<1x125x80xi32, #tpu.memory_space<vmem>>
      %dma_wait3A_158 = tpu.memref_squeeze %dma_wait3A_157 : memref<1x125x80xi32, #tpu.memory_space<vmem>> -> memref<125x80xi32, #tpu.memory_space<vmem>>
      %dma_wait3A_159 = arith.constant 0 : i32
      %dma_wait3A_160 = arith.constant 0 : i32
      %dma_wait3A_161 = tpu.memref_slice %arg3[%run_scoped3A, %dma_wait3A_159, %dma_wait3A_160] : memref<2x4000x80xi32, #tpu.memory_space<hbm>> -> memref<1x4000x80xi32, #tpu.memory_space<hbm>>
      %dma_wait3A_162 = tpu.memref_squeeze %dma_wait3A_161 : memref<1x4000x80xi32, #tpu.memory_space<hbm>> -> memref<4000x80xi32, #tpu.memory_space<hbm>>
      %dma_wait3A_163 = arith.constant 0 : i32
      %dma_wait3A_164 = tpu.memref_slice %dma_wait3A_162[%mul3A_2, %dma_wait3A_163] : memref<4000x80xi32, #tpu.memory_space<hbm>> -> memref<125x80xi32, #tpu.memory_space<hbm>>
      tpu.wait_dma2 semaphore(%run_scoped3A_125 : memref<!tpu.dma_semaphore, #tpu.memory_space<semaphore_mem>>) src(%dma_wait3A_164 : memref<125x80xi32, #tpu.memory_space<hbm>>) dst(%dma_wait3A_158 : memref<125x80xi32, #tpu.memory_space<vmem>>)
      tpu.yield
    }) : () -> ()
    %run_scoped3A_4 = arith.constant 1 : i32
    %run_scoped3A_5 = arith.constant 0 : i32
    "tpu.region"() ({
      %run_scoped3A_125 = tpu.sem_alloc : memref<!tpu.dma_semaphore, #tpu.memory_space<semaphore_mem>>
      %dma_start3A = arith.constant 0 : i32
      %dma_start3A_126 = arith.constant 0 : i32
      %dma_start3A_127 = tpu.memref_slice %arg7[%run_scoped3A_5, %dma_start3A, %dma_start3A_126] : memref<1x125x80xi32, #tpu.memory_space<vmem>> -> memref<1x125x80xi32, #tpu.memory_space<vmem>>
      %dma_start3A_128 = tpu.memref_squeeze %dma_start3A_127 : memref<1x125x80xi32, #tpu.memory_space<vmem>> -> memref<125x80xi32, #tpu.memory_space<vmem>>
      %dma_start3A_129 = arith.constant 0 : i32
      %dma_start3A_130 = arith.constant 0 : i32
      %dma_start3A_131 = tpu.memref_slice %arg3[%run_scoped3A_4, %dma_start3A_129, %dma_start3A_130] : memref<2x4000x80xi32, #tpu.memory_space<hbm>> -> memref<1x4000x80xi32, #tpu.memory_space<hbm>>
      %dma_start3A_132 = tpu.memref_squeeze %dma_start3A_131 : memref<1x4000x80xi32, #tpu.memory_space<hbm>> -> memref<4000x80xi32, #tpu.memory_space<hbm>>
      %dma_start3A_133 = arith.constant 0 : i32
      %dma_start3A_134 = tpu.memref_slice %dma_start3A_132[%mul3A_2, %dma_start3A_133] : memref<4000x80xi32, #tpu.memory_space<hbm>> -> memref<125x80xi32, #tpu.memory_space<hbm>>
      %dma_start3A_135 = arith.constant 0 : i32
      %dma_start3A_136 = arith.constant 0 : i32
      %dma_start3A_137 = tpu.memref_slice %arg7[%run_scoped3A_5, %dma_start3A_135, %dma_start3A_136] : memref<1x125x80xi32, #tpu.memory_space<vmem>> -> memref<1x125x80xi32, #tpu.memory_space<vmem>>
      %dma_start3A_138 = tpu.memref_squeeze %dma_start3A_137 : memref<1x125x80xi32, #tpu.memory_space<vmem>> -> memref<125x80xi32, #tpu.memory_space<vmem>>
      %dma_start3A_139 = arith.constant 0 : i32
      %dma_start3A_140 = arith.constant 0 : i32
      %dma_start3A_141 = tpu.memref_slice %arg3[%run_scoped3A_4, %dma_start3A_139, %dma_start3A_140] : memref<2x4000x80xi32, #tpu.memory_space<hbm>> -> memref<1x4000x80xi32, #tpu.memory_space<hbm>>
      %dma_start3A_142 = tpu.memref_squeeze %dma_start3A_141 : memref<1x4000x80xi32, #tpu.memory_space<hbm>> -> memref<4000x80xi32, #tpu.memory_space<hbm>>
      %dma_start3A_143 = arith.constant 0 : i32
      %dma_start3A_144 = tpu.memref_slice %dma_start3A_142[%mul3A_2, %dma_start3A_143] : memref<4000x80xi32, #tpu.memory_space<hbm>> -> memref<125x80xi32, #tpu.memory_space<hbm>>
      tpu.enqueue_dma source(%dma_start3A_144 : memref<125x80xi32, #tpu.memory_space<hbm>>) target(%dma_start3A_138 : memref<125x80xi32, #tpu.memory_space<vmem>>) target_semaphore(%run_scoped3A_125 : memref<!tpu.dma_semaphore, #tpu.memory_space<semaphore_mem>>)
      %dma_wait3A_145 = arith.constant 0 : i32
      %dma_wait3A_146 = arith.constant 0 : i32
      %dma_wait3A_147 = tpu.memref_slice %arg7[%run_scoped3A_5, %dma_wait3A_145, %dma_wait3A_146] : memref<1x125x80xi32, #tpu.memory_space<vmem>> -> memref<1x125x80xi32, #tpu.memory_space<vmem>>
      %dma_wait3A_148 = tpu.memref_squeeze %dma_wait3A_147 : memref<1x125x80xi32, #tpu.memory_space<vmem>> -> memref<125x80xi32, #tpu.memory_space<vmem>>
      %dma_wait3A_149 = arith.constant 0 : i32
      %dma_wait3A_150 = arith.constant 0 : i32
      %dma_wait3A_151 = tpu.memref_slice %arg3[%run_scoped3A_4, %dma_wait3A_149, %dma_wait3A_150] : memref<2x4000x80xi32, #tpu.memory_space<hbm>> -> memref<1x4000x80xi32, #tpu.memory_space<hbm>>
      %dma_wait3A_152 = tpu.memref_squeeze %dma_wait3A_151 : memref<1x4000x80xi32, #tpu.memory_space<hbm>> -> memref<4000x80xi32, #tpu.memory_space<hbm>>
      %dma_wait3A_153 = arith.constant 0 : i32
      %dma_wait3A_154 = tpu.memref_slice %dma_wait3A_152[%mul3A_2, %dma_wait3A_153] : memref<4000x80xi32, #tpu.memory_space<hbm>> -> memref<125x80xi32, #tpu.memory_space<hbm>>
      %dma_wait3A_155 = arith.constant 0 : i32
      %dma_wait3A_156 = arith.constant 0 : i32
      %dma_wait3A_157 = tpu.memref_slice %arg7[%run_scoped3A_5, %dma_wait3A_155, %dma_wait3A_156] : memref<1x125x80xi32, #tpu.memory_space<vmem>> -> memref<1x125x80xi32, #tpu.memory_space<vmem>>
      %dma_wait3A_158 = tpu.memref_squeeze %dma_wait3A_157 : memref<1x125x80xi32, #tpu.memory_space<vmem>> -> memref<125x80xi32, #tpu.memory_space<vmem>>
      %dma_wait3A_159 = arith.constant 0 : i32
      %dma_wait3A_160 = arith.constant 0 : i32
      %dma_wait3A_161 = tpu.memref_slice %arg3[%run_scoped3A_4, %dma_wait3A_159, %dma_wait3A_160] : memref<2x4000x80xi32, #tpu.memory_space<hbm>> -> memref<1x4000x80xi32, #tpu.memory_space<hbm>>
      %dma_wait3A_162 = tpu.memref_squeeze %dma_wait3A_161 : memref<1x4000x80xi32, #tpu.memory_space<hbm>> -> memref<4000x80xi32, #tpu.memory_space<hbm>>
      %dma_wait3A_163 = arith.constant 0 : i32
      %dma_wait3A_164 = tpu.memref_slice %dma_wait3A_162[%mul3A_2, %dma_wait3A_163] : memref<4000x80xi32, #tpu.memory_space<hbm>> -> memref<125x80xi32, #tpu.memory_space<hbm>>
      tpu.wait_dma2 semaphore(%run_scoped3A_125 : memref<!tpu.dma_semaphore, #tpu.memory_space<semaphore_mem>>) src(%dma_wait3A_164 : memref<125x80xi32, #tpu.memory_space<hbm>>) dst(%dma_wait3A_158 : memref<125x80xi32, #tpu.memory_space<vmem>>)
      tpu.yield
    }) : () -> ()
    %mul3A_6 = arith.constant 624 : i32
    %mul3A_7 = arith.muli %arg1, %mul3A_6 : i32
    %mul3A_8 = arith.constant 624 : i32
    %mul3A_9 = arith.muli %arg1, %mul3A_8 : i32
    "tpu.region"() ({
      %run_scoped3A_125 = tpu.sem_alloc : memref<!tpu.dma_semaphore, #tpu.memory_space<semaphore_mem>>
      %dma_start3A = arith.constant 0 : i32
      %dma_start3A_126 = tpu.memref_slice %arg9[%mul3A_9, %dma_start3A] : memref<10000x64xf32, #tpu.memory_space<vmem_shared>> -> memref<624x64xf32, #tpu.memory_space<vmem_shared>>
      %dma_start3A_127 = arith.constant 0 : i32
      %dma_start3A_128 = tpu.memref_slice %arg4[%mul3A_7, %dma_start3A_127] : memref<10000x64xf32, #tpu.memory_space<hbm>> -> memref<624x64xf32, #tpu.memory_space<hbm>>
      tpu.enqueue_dma source(%dma_start3A_128 : memref<624x64xf32, #tpu.memory_space<hbm>>) target(%dma_start3A_126 : memref<624x64xf32, #tpu.memory_space<vmem_shared>>) target_semaphore(%run_scoped3A_125 : memref<!tpu.dma_semaphore, #tpu.memory_space<semaphore_mem>>)
      %dma_wait3A_129 = arith.constant 0 : i32
      %dma_wait3A_130 = tpu.memref_slice %arg9[%mul3A_9, %dma_wait3A_129] : memref<10000x64xf32, #tpu.memory_space<vmem_shared>> -> memref<624x64xf32, #tpu.memory_space<vmem_shared>>
      %dma_wait3A_131 = arith.constant 0 : i32
      %dma_wait3A_132 = tpu.memref_slice %arg4[%mul3A_7, %dma_wait3A_131] : memref<10000x64xf32, #tpu.memory_space<hbm>> -> memref<624x64xf32, #tpu.memory_space<hbm>>
      tpu.wait_dma2 semaphore(%run_scoped3A_125 : memref<!tpu.dma_semaphore, #tpu.memory_space<semaphore_mem>>) src(%dma_wait3A_132 : memref<624x64xf32, #tpu.memory_space<hbm>>) dst(%dma_wait3A_130 : memref<624x64xf32, #tpu.memory_space<vmem_shared>>)
      tpu.yield
    }) : () -> ()
    %eq3A = arith.constant 15 : i32
    %eq3A_10 = arith.cmpi eq, %arg1, %eq3A : i32
    %convert_element_type3A = arith.extui %eq3A_10 : i1 to i32
    %cond3A = arith.constant 0 : i32
    %cond3A_11 = arith.cmpi ne, %convert_element_type3A, %cond3A : i32
    scf.if %cond3A_11 {
      "tpu.region"() ({
        %run_scoped3A_125 = tpu.sem_alloc : memref<!tpu.dma_semaphore, #tpu.memory_space<semaphore_mem>>
        %dma_start3A = arith.constant 9984 : i32
        %dma_start3A_126 = arith.constant 0 : i32
        %dma_start3A_127 = tpu.memref_slice %arg9[%dma_start3A, %dma_start3A_126] : memref<10000x64xf32, #tpu.memory_space<vmem_shared>> -> memref<16x64xf32, #tpu.memory_space<vmem_shared>>
        %dma_start3A_128 = arith.constant 9984 : i32
        %dma_start3A_129 = arith.constant 0 : i32
        %dma_start3A_130 = tpu.memref_slice %arg4[%dma_start3A_128, %dma_start3A_129] : memref<10000x64xf32, #tpu.memory_space<hbm>> -> memref<16x64xf32, #tpu.memory_space<hbm>>
        tpu.enqueue_dma source(%dma_start3A_130 : memref<16x64xf32, #tpu.memory_space<hbm>>) target(%dma_start3A_127 : memref<16x64xf32, #tpu.memory_space<vmem_shared>>) target_semaphore(%run_scoped3A_125 : memref<!tpu.dma_semaphore, #tpu.memory_space<semaphore_mem>>)
        %dma_wait3A_131 = arith.constant 9984 : i32
        %dma_wait3A_132 = arith.constant 0 : i32
        %dma_wait3A_133 = tpu.memref_slice %arg9[%dma_wait3A_131, %dma_wait3A_132] : memref<10000x64xf32, #tpu.memory_space<vmem_shared>> -> memref<16x64xf32, #tpu.memory_space<vmem_shared>>
        %dma_wait3A_134 = arith.constant 9984 : i32
        %dma_wait3A_135 = arith.constant 0 : i32
        %dma_wait3A_136 = tpu.memref_slice %arg4[%dma_wait3A_134, %dma_wait3A_135] : memref<10000x64xf32, #tpu.memory_space<hbm>> -> memref<16x64xf32, #tpu.memory_space<hbm>>
        tpu.wait_dma2 semaphore(%run_scoped3A_125 : memref<!tpu.dma_semaphore, #tpu.memory_space<semaphore_mem>>) src(%dma_wait3A_136 : memref<16x64xf32, #tpu.memory_space<hbm>>) dst(%dma_wait3A_133 : memref<16x64xf32, #tpu.memory_space<vmem_shared>>)
        tpu.yield
      }) : () -> ()
    } else {
    }
    %barrier3A = arith.constant 0 : index
    tpu.barrier barrier_id(%barrier3A)
    %scan3A = arith.constant 0 : i32
    %scan3A_12 = arith.constant 25 : i32
    %scan3A_13 = arith.addi %scan3A, %scan3A_12 : i32
    %scan3A_14 = arith.constant 1 : i32
    scf.for %scan3A_125 = %scan3A to %scan3A_13 step %scan3A_14  : i32 {
      %mul3A_126 = arith.constant 1 : i32
      %mul3A_127 = arith.muli %scan3A_125, %mul3A_126 : i32
      %add3A_128 = arith.constant 0 : i32
      %add3A_129 = arith.addi %add3A_128, %mul3A_127 : i32
      %mul3A_130 = arith.constant 5 : i32
      %mul3A_131 = arith.muli %add3A_129, %mul3A_130 : i32
      %gt3A = arith.constant 0 : i32
      %gt3A_132 = arith.cmpi sgt, %add3A_129, %gt3A : i32
      %convert_element_type3A_133 = arith.extui %gt3A_132 : i1 to i32
      %cond3A_134 = arith.constant 0 : i32
      %cond3A_135 = arith.cmpi ne, %convert_element_type3A_133, %cond3A_134 : i32
      scf.if %cond3A_135 {
        %dma_wait3A_485 = arith.constant 0 : i32
        %dma_wait3A_486 = arith.constant 0 : i32
        %dma_wait3A_487 = arith.constant 0 : i32
        %dma_wait3A_488 = arith.constant 0 : i32
        %dma_wait3A_489 = arith.constant 0 : i32
        %dma_wait3A_490 = arith.constant 0 : i32
        %dma_wait3A_491 = tpu.memref_slice %arg8[%dma_wait3A_485, %dma_wait3A_489, %dma_wait3A_490] : memref<5x80x64xf32, #tpu.memory_space<vmem>> -> memref<1x80x64xf32, #tpu.memory_space<vmem>>
        %dma_wait3A_492 = tpu.memref_squeeze %dma_wait3A_491 : memref<1x80x64xf32, #tpu.memory_space<vmem>> -> memref<80x64xf32, #tpu.memory_space<vmem>>
        %dma_wait3A_493 = arith.constant 0 : i32
        %dma_wait3A_494 = arith.constant 0 : i32
        %dma_wait3A_495 = tpu.memref_slice %arg7[%dma_wait3A_486, %dma_wait3A_493, %dma_wait3A_494] : memref<1x125x80xi32, #tpu.memory_space<vmem>> -> memref<1x125x80xi32, #tpu.memory_space<vmem>>
        %dma_wait3A_496 = tpu.memref_squeeze %dma_wait3A_495 : memref<1x125x80xi32, #tpu.memory_space<vmem>> -> memref<125x80xi32, #tpu.memory_space<vmem>>
        %dma_wait3A_497 = arith.constant 0 : i32
        %dma_wait3A_498 = tpu.memref_slice %dma_wait3A_496[%dma_wait3A_487, %dma_wait3A_497] : memref<125x80xi32, #tpu.memory_space<vmem>> -> memref<1x80xi32, #tpu.memory_space<vmem>>
        %dma_wait3A_499 = tpu.memref_squeeze %dma_wait3A_498 : memref<1x80xi32, #tpu.memory_space<vmem>> -> memref<80xi32, #tpu.memory_space<vmem>>
        %dma_wait3A_500 = arith.constant 0 : i32
        %dma_wait3A_501 = arith.constant 0 : i32
        %dma_wait3A_502 = tpu.memref_slice %arg9[%dma_wait3A_500, %dma_wait3A_501] : memref<10000x64xf32, #tpu.memory_space<vmem_shared>> -> memref<10000x64xf32, #tpu.memory_space<vmem_shared>>
        %dma_wait3A_503 = tpu.memref_slice %arg11[%dma_wait3A_488] : memref<5x!tpu.dma_semaphore, #tpu.memory_space<semaphore_mem>> -> memref<1x!tpu.dma_semaphore, #tpu.memory_space<semaphore_mem>>
        %dma_wait3A_504 = tpu.memref_squeeze %dma_wait3A_503 : memref<1x!tpu.dma_semaphore, #tpu.memory_space<semaphore_mem>> -> memref<!tpu.dma_semaphore, #tpu.memory_space<semaphore_mem>>
        tpu.wait_indirect_dma semaphore(%dma_wait3A_504 : memref<!tpu.dma_semaphore, #tpu.memory_space<semaphore_mem>>) src(%dma_wait3A_492 : memref<80x64xf32, #tpu.memory_space<vmem>>) dst(%dma_wait3A_502 : memref<10000x64xf32, #tpu.memory_space<vmem_shared>>)
      } else {
      }
      %dma_start3A = arith.constant 0 : i32
      %dma_start3A_136 = arith.constant 0 : i32
      %dma_start3A_137 = arith.constant 0 : i32
      %dma_start3A_138 = arith.constant 0 : i32
      %dma_start3A_139 = arith.constant 0 : i32
      %dma_start3A_140 = arith.constant 0 : i32
      %dma_start3A_141 = tpu.memref_slice %arg8[%dma_start3A_137, %dma_start3A_139, %dma_start3A_140] : memref<5x80x64xf32, #tpu.memory_space<vmem>> -> memref<1x80x64xf32, #tpu.memory_space<vmem>>
      %dma_start3A_142 = tpu.memref_squeeze %dma_start3A_141 : memref<1x80x64xf32, #tpu.memory_space<vmem>> -> memref<80x64xf32, #tpu.memory_space<vmem>>
      %dma_start3A_143 = arith.constant 0 : i32
      %dma_start3A_144 = arith.constant 0 : i32
      %dma_start3A_145 = tpu.memref_slice %arg6[%dma_start3A, %dma_start3A_143, %dma_start3A_144] : memref<1x125x80xi32, #tpu.memory_space<vmem>> -> memref<1x125x80xi32, #tpu.memory_space<vmem>>
      %dma_start3A_146 = tpu.memref_squeeze %dma_start3A_145 : memref<1x125x80xi32, #tpu.memory_space<vmem>> -> memref<125x80xi32, #tpu.memory_space<vmem>>
      %dma_start3A_147 = arith.constant 0 : i32
      %dma_start3A_148 = tpu.memref_slice %dma_start3A_146[%mul3A_131, %dma_start3A_147] : memref<125x80xi32, #tpu.memory_space<vmem>> -> memref<5x80xi32, #tpu.memory_space<vmem>>
      %dma_start3A_149 = arith.constant 0 : i32
      %dma_start3A_150 = tpu.memref_slice %dma_start3A_148[%dma_start3A_136, %dma_start3A_149] : memref<5x80xi32, #tpu.memory_space<vmem>> -> memref<1x80xi32, #tpu.memory_space<vmem>>
      %dma_start3A_151 = tpu.memref_squeeze %dma_start3A_150 : memref<1x80xi32, #tpu.memory_space<vmem>> -> memref<80xi32, #tpu.memory_space<vmem>>
      %dma_start3A_152 = arith.constant 0 : i32
      %dma_start3A_153 = arith.constant 0 : i32
      %dma_start3A_154 = tpu.memref_slice %arg2[%dma_start3A_152, %dma_start3A_153] : memref<10000x64xf32, #tpu.memory_space<hbm>> -> memref<10000x64xf32, #tpu.memory_space<hbm>>
      %dma_start3A_155 = tpu.memref_slice %arg10[%dma_start3A_138] : memref<5x!tpu.dma_semaphore, #tpu.memory_space<semaphore_mem>> -> memref<1x!tpu.dma_semaphore, #tpu.memory_space<semaphore_mem>>
      %dma_start3A_156 = tpu.memref_squeeze %dma_start3A_155 : memref<1x!tpu.dma_semaphore, #tpu.memory_space<semaphore_mem>> -> memref<!tpu.dma_semaphore, #tpu.memory_space<semaphore_mem>>
      tpu.enqueue_indirect_dma source(%dma_start3A_154 : memref<10000x64xf32, #tpu.memory_space<hbm>>) target(%dma_start3A_142 : memref<80x64xf32, #tpu.memory_space<vmem>>) offsets(%dma_start3A_151 : memref<80xi32, #tpu.memory_space<vmem>>) semaphore(%dma_start3A_156 : memref<!tpu.dma_semaphore, #tpu.memory_space<semaphore_mem>>)
      %gt3A_157 = arith.constant 0 : i32
      %gt3A_158 = arith.cmpi sgt, %add3A_129, %gt3A_157 : i32
      %convert_element_type3A_159 = arith.extui %gt3A_158 : i1 to i32
      %cond3A_160 = arith.constant 0 : i32
      %cond3A_161 = arith.cmpi ne, %convert_element_type3A_159, %cond3A_160 : i32
      scf.if %cond3A_161 {
        %dma_wait3A_485 = arith.constant 1 : i32
        %dma_wait3A_486 = arith.constant 0 : i32
        %dma_wait3A_487 = arith.constant 0 : i32
        %dma_wait3A_488 = arith.constant 1 : i32
        %dma_wait3A_489 = arith.constant 0 : i32
        %dma_wait3A_490 = arith.constant 0 : i32
        %dma_wait3A_491 = tpu.memref_slice %arg8[%dma_wait3A_485, %dma_wait3A_489, %dma_wait3A_490] : memref<5x80x64xf32, #tpu.memory_space<vmem>> -> memref<1x80x64xf32, #tpu.memory_space<vmem>>
        %dma_wait3A_492 = tpu.memref_squeeze %dma_wait3A_491 : memref<1x80x64xf32, #tpu.memory_space<vmem>> -> memref<80x64xf32, #tpu.memory_space<vmem>>
        %dma_wait3A_493 = arith.constant 0 : i32
        %dma_wait3A_494 = arith.constant 0 : i32
        %dma_wait3A_495 = tpu.memref_slice %arg7[%dma_wait3A_486, %dma_wait3A_493, %dma_wait3A_494] : memref<1x125x80xi32, #tpu.memory_space<vmem>> -> memref<1x125x80xi32, #tpu.memory_space<vmem>>
        %dma_wait3A_496 = tpu.memref_squeeze %dma_wait3A_495 : memref<1x125x80xi32, #tpu.memory_space<vmem>> -> memref<125x80xi32, #tpu.memory_space<vmem>>
        %dma_wait3A_497 = arith.constant 0 : i32
        %dma_wait3A_498 = tpu.memref_slice %dma_wait3A_496[%dma_wait3A_487, %dma_wait3A_497] : memref<125x80xi32, #tpu.memory_space<vmem>> -> memref<1x80xi32, #tpu.memory_space<vmem>>
        %dma_wait3A_499 = tpu.memref_squeeze %dma_wait3A_498 : memref<1x80xi32, #tpu.memory_space<vmem>> -> memref<80xi32, #tpu.memory_space<vmem>>
        %dma_wait3A_500 = arith.constant 0 : i32
        %dma_wait3A_501 = arith.constant 0 : i32
        %dma_wait3A_502 = tpu.memref_slice %arg9[%dma_wait3A_500, %dma_wait3A_501] : memref<10000x64xf32, #tpu.memory_space<vmem_shared>> -> memref<10000x64xf32, #tpu.memory_space<vmem_shared>>
        %dma_wait3A_503 = tpu.memref_slice %arg11[%dma_wait3A_488] : memref<5x!tpu.dma_semaphore, #tpu.memory_space<semaphore_mem>> -> memref<1x!tpu.dma_semaphore, #tpu.memory_space<semaphore_mem>>
        %dma_wait3A_504 = tpu.memref_squeeze %dma_wait3A_503 : memref<1x!tpu.dma_semaphore, #tpu.memory_space<semaphore_mem>> -> memref<!tpu.dma_semaphore, #tpu.memory_space<semaphore_mem>>
        tpu.wait_indirect_dma semaphore(%dma_wait3A_504 : memref<!tpu.dma_semaphore, #tpu.memory_space<semaphore_mem>>) src(%dma_wait3A_492 : memref<80x64xf32, #tpu.memory_space<vmem>>) dst(%dma_wait3A_502 : memref<10000x64xf32, #tpu.memory_space<vmem_shared>>)
      } else {
      }
      %dma_start3A_162 = arith.constant 0 : i32
      %dma_start3A_163 = arith.constant 1 : i32
      %dma_start3A_164 = arith.constant 1 : i32
      %dma_start3A_165 = arith.constant 1 : i32
      %dma_start3A_166 = arith.constant 0 : i32
      %dma_start3A_167 = arith.constant 0 : i32
      %dma_start3A_168 = tpu.memref_slice %arg8[%dma_start3A_164, %dma_start3A_166, %dma_start3A_167] : memref<5x80x64xf32, #tpu.memory_space<vmem>> -> memref<1x80x64xf32, #tpu.memory_space<vmem>>
      %dma_start3A_169 = tpu.memref_squeeze %dma_start3A_168 : memref<1x80x64xf32, #tpu.memory_space<vmem>> -> memref<80x64xf32, #tpu.memory_space<vmem>>
      %dma_start3A_170 = arith.constant 0 : i32
      %dma_start3A_171 = arith.constant 0 : i32
      %dma_start3A_172 = tpu.memref_slice %arg6[%dma_start3A_162, %dma_start3A_170, %dma_start3A_171] : memref<1x125x80xi32, #tpu.memory_space<vmem>> -> memref<1x125x80xi32, #tpu.memory_space<vmem>>
      %dma_start3A_173 = tpu.memref_squeeze %dma_start3A_172 : memref<1x125x80xi32, #tpu.memory_space<vmem>> -> memref<125x80xi32, #tpu.memory_space<vmem>>
      %dma_start3A_174 = arith.constant 0 : i32
      %dma_start3A_175 = tpu.memref_slice %dma_start3A_173[%mul3A_131, %dma_start3A_174] : memref<125x80xi32, #tpu.memory_space<vmem>> -> memref<5x80xi32, #tpu.memory_space<vmem>>
      %dma_start3A_176 = arith.constant 0 : i32
      %dma_start3A_177 = tpu.memref_slice %dma_start3A_175[%dma_start3A_163, %dma_start3A_176] : memref<5x80xi32, #tpu.memory_space<vmem>> -> memref<1x80xi32, #tpu.memory_space<vmem>>
      %dma_start3A_178 = tpu.memref_squeeze %dma_start3A_177 : memref<1x80xi32, #tpu.memory_space<vmem>> -> memref<80xi32, #tpu.memory_space<vmem>>
      %dma_start3A_179 = arith.constant 0 : i32
      %dma_start3A_180 = arith.constant 0 : i32
      %dma_start3A_181 = tpu.memref_slice %arg2[%dma_start3A_179, %dma_start3A_180] : memref<10000x64xf32, #tpu.memory_space<hbm>> -> memref<10000x64xf32, #tpu.memory_space<hbm>>
      %dma_start3A_182 = tpu.memref_slice %arg10[%dma_start3A_165] : memref<5x!tpu.dma_semaphore, #tpu.memory_space<semaphore_mem>> -> memref<1x!tpu.dma_semaphore, #tpu.memory_space<semaphore_mem>>
      %dma_start3A_183 = tpu.memref_squeeze %dma_start3A_182 : memref<1x!tpu.dma_semaphore, #tpu.memory_space<semaphore_mem>> -> memref<!tpu.dma_semaphore, #tpu.memory_space<semaphore_mem>>
      tpu.enqueue_indirect_dma source(%dma_start3A_181 : memref<10000x64xf32, #tpu.memory_space<hbm>>) target(%dma_start3A_169 : memref<80x64xf32, #tpu.memory_space<vmem>>) offsets(%dma_start3A_178 : memref<80xi32, #tpu.memory_space<vmem>>) semaphore(%dma_start3A_183 : memref<!tpu.dma_semaphore, #tpu.memory_space<semaphore_mem>>)
      %gt3A_184 = arith.constant 0 : i32
      %gt3A_185 = arith.cmpi sgt, %add3A_129, %gt3A_184 : i32
      %convert_element_type3A_186 = arith.extui %gt3A_185 : i1 to i32
      %cond3A_187 = arith.constant 0 : i32
      %cond3A_188 = arith.cmpi ne, %convert_element_type3A_186, %cond3A_187 : i32
      scf.if %cond3A_188 {
        %dma_wait3A_485 = arith.constant 2 : i32
        %dma_wait3A_486 = arith.constant 0 : i32
        %dma_wait3A_487 = arith.constant 0 : i32
        %dma_wait3A_488 = arith.constant 2 : i32
        %dma_wait3A_489 = arith.constant 0 : i32
        %dma_wait3A_490 = arith.constant 0 : i32
        %dma_wait3A_491 = tpu.memref_slice %arg8[%dma_wait3A_485, %dma_wait3A_489, %dma_wait3A_490] : memref<5x80x64xf32, #tpu.memory_space<vmem>> -> memref<1x80x64xf32, #tpu.memory_space<vmem>>
        %dma_wait3A_492 = tpu.memref_squeeze %dma_wait3A_491 : memref<1x80x64xf32, #tpu.memory_space<vmem>> -> memref<80x64xf32, #tpu.memory_space<vmem>>
        %dma_wait3A_493 = arith.constant 0 : i32
        %dma_wait3A_494 = arith.constant 0 : i32
        %dma_wait3A_495 = tpu.memref_slice %arg7[%dma_wait3A_486, %dma_wait3A_493, %dma_wait3A_494] : memref<1x125x80xi32, #tpu.memory_space<vmem>> -> memref<1x125x80xi32, #tpu.memory_space<vmem>>
        %dma_wait3A_496 = tpu.memref_squeeze %dma_wait3A_495 : memref<1x125x80xi32, #tpu.memory_space<vmem>> -> memref<125x80xi32, #tpu.memory_space<vmem>>
        %dma_wait3A_497 = arith.constant 0 : i32
        %dma_wait3A_498 = tpu.memref_slice %dma_wait3A_496[%dma_wait3A_487, %dma_wait3A_497] : memref<125x80xi32, #tpu.memory_space<vmem>> -> memref<1x80xi32, #tpu.memory_space<vmem>>
        %dma_wait3A_499 = tpu.memref_squeeze %dma_wait3A_498 : memref<1x80xi32, #tpu.memory_space<vmem>> -> memref<80xi32, #tpu.memory_space<vmem>>
        %dma_wait3A_500 = arith.constant 0 : i32
        %dma_wait3A_501 = arith.constant 0 : i32
        %dma_wait3A_502 = tpu.memref_slice %arg9[%dma_wait3A_500, %dma_wait3A_501] : memref<10000x64xf32, #tpu.memory_space<vmem_shared>> -> memref<10000x64xf32, #tpu.memory_space<vmem_shared>>
        %dma_wait3A_503 = tpu.memref_slice %arg11[%dma_wait3A_488] : memref<5x!tpu.dma_semaphore, #tpu.memory_space<semaphore_mem>> -> memref<1x!tpu.dma_semaphore, #tpu.memory_space<semaphore_mem>>
        %dma_wait3A_504 = tpu.memref_squeeze %dma_wait3A_503 : memref<1x!tpu.dma_semaphore, #tpu.memory_space<semaphore_mem>> -> memref<!tpu.dma_semaphore, #tpu.memory_space<semaphore_mem>>
        tpu.wait_indirect_dma semaphore(%dma_wait3A_504 : memref<!tpu.dma_semaphore, #tpu.memory_space<semaphore_mem>>) src(%dma_wait3A_492 : memref<80x64xf32, #tpu.memory_space<vmem>>) dst(%dma_wait3A_502 : memref<10000x64xf32, #tpu.memory_space<vmem_shared>>)
      } else {
      }
      %dma_start3A_189 = arith.constant 0 : i32
      %dma_start3A_190 = arith.constant 2 : i32
      %dma_start3A_191 = arith.constant 2 : i32
      %dma_start3A_192 = arith.constant 2 : i32
      %dma_start3A_193 = arith.constant 0 : i32
      %dma_start3A_194 = arith.constant 0 : i32
      %dma_start3A_195 = tpu.memref_slice %arg8[%dma_start3A_191, %dma_start3A_193, %dma_start3A_194] : memref<5x80x64xf32, #tpu.memory_space<vmem>> -> memref<1x80x64xf32, #tpu.memory_space<vmem>>
      %dma_start3A_196 = tpu.memref_squeeze %dma_start3A_195 : memref<1x80x64xf32, #tpu.memory_space<vmem>> -> memref<80x64xf32, #tpu.memory_space<vmem>>
      %dma_start3A_197 = arith.constant 0 : i32
      %dma_start3A_198 = arith.constant 0 : i32
      %dma_start3A_199 = tpu.memref_slice %arg6[%dma_start3A_189, %dma_start3A_197, %dma_start3A_198] : memref<1x125x80xi32, #tpu.memory_space<vmem>> -> memref<1x125x80xi32, #tpu.memory_space<vmem>>
      %dma_start3A_200 = tpu.memref_squeeze %dma_start3A_199 : memref<1x125x80xi32, #tpu.memory_space<vmem>> -> memref<125x80xi32, #tpu.memory_space<vmem>>
      %dma_start3A_201 = arith.constant 0 : i32
      %dma_start3A_202 = tpu.memref_slice %dma_start3A_200[%mul3A_131, %dma_start3A_201] : memref<125x80xi32, #tpu.memory_space<vmem>> -> memref<5x80xi32, #tpu.memory_space<vmem>>
      %dma_start3A_203 = arith.constant 0 : i32
      %dma_start3A_204 = tpu.memref_slice %dma_start3A_202[%dma_start3A_190, %dma_start3A_203] : memref<5x80xi32, #tpu.memory_space<vmem>> -> memref<1x80xi32, #tpu.memory_space<vmem>>
      %dma_start3A_205 = tpu.memref_squeeze %dma_start3A_204 : memref<1x80xi32, #tpu.memory_space<vmem>> -> memref<80xi32, #tpu.memory_space<vmem>>
      %dma_start3A_206 = arith.constant 0 : i32
      %dma_start3A_207 = arith.constant 0 : i32
      %dma_start3A_208 = tpu.memref_slice %arg2[%dma_start3A_206, %dma_start3A_207] : memref<10000x64xf32, #tpu.memory_space<hbm>> -> memref<10000x64xf32, #tpu.memory_space<hbm>>
      %dma_start3A_209 = tpu.memref_slice %arg10[%dma_start3A_192] : memref<5x!tpu.dma_semaphore, #tpu.memory_space<semaphore_mem>> -> memref<1x!tpu.dma_semaphore, #tpu.memory_space<semaphore_mem>>
      %dma_start3A_210 = tpu.memref_squeeze %dma_start3A_209 : memref<1x!tpu.dma_semaphore, #tpu.memory_space<semaphore_mem>> -> memref<!tpu.dma_semaphore, #tpu.memory_space<semaphore_mem>>
      tpu.enqueue_indirect_dma source(%dma_start3A_208 : memref<10000x64xf32, #tpu.memory_space<hbm>>) target(%dma_start3A_196 : memref<80x64xf32, #tpu.memory_space<vmem>>) offsets(%dma_start3A_205 : memref<80xi32, #tpu.memory_space<vmem>>) semaphore(%dma_start3A_210 : memref<!tpu.dma_semaphore, #tpu.memory_space<semaphore_mem>>)
      %gt3A_211 = arith.constant 0 : i32
      %gt3A_212 = arith.cmpi sgt, %add3A_129, %gt3A_211 : i32
      %convert_element_type3A_213 = arith.extui %gt3A_212 : i1 to i32
      %cond3A_214 = arith.constant 0 : i32
      %cond3A_215 = arith.cmpi ne, %convert_element_type3A_213, %cond3A_214 : i32
      scf.if %cond3A_215 {
        %dma_wait3A_485 = arith.constant 3 : i32
        %dma_wait3A_486 = arith.constant 0 : i32
        %dma_wait3A_487 = arith.constant 0 : i32
        %dma_wait3A_488 = arith.constant 3 : i32
        %dma_wait3A_489 = arith.constant 0 : i32
        %dma_wait3A_490 = arith.constant 0 : i32
        %dma_wait3A_491 = tpu.memref_slice %arg8[%dma_wait3A_485, %dma_wait3A_489, %dma_wait3A_490] : memref<5x80x64xf32, #tpu.memory_space<vmem>> -> memref<1x80x64xf32, #tpu.memory_space<vmem>>
        %dma_wait3A_492 = tpu.memref_squeeze %dma_wait3A_491 : memref<1x80x64xf32, #tpu.memory_space<vmem>> -> memref<80x64xf32, #tpu.memory_space<vmem>>
        %dma_wait3A_493 = arith.constant 0 : i32
        %dma_wait3A_494 = arith.constant 0 : i32
        %dma_wait3A_495 = tpu.memref_slice %arg7[%dma_wait3A_486, %dma_wait3A_493, %dma_wait3A_494] : memref<1x125x80xi32, #tpu.memory_space<vmem>> -> memref<1x125x80xi32, #tpu.memory_space<vmem>>
        %dma_wait3A_496 = tpu.memref_squeeze %dma_wait3A_495 : memref<1x125x80xi32, #tpu.memory_space<vmem>> -> memref<125x80xi32, #tpu.memory_space<vmem>>
        %dma_wait3A_497 = arith.constant 0 : i32
        %dma_wait3A_498 = tpu.memref_slice %dma_wait3A_496[%dma_wait3A_487, %dma_wait3A_497] : memref<125x80xi32, #tpu.memory_space<vmem>> -> memref<1x80xi32, #tpu.memory_space<vmem>>
        %dma_wait3A_499 = tpu.memref_squeeze %dma_wait3A_498 : memref<1x80xi32, #tpu.memory_space<vmem>> -> memref<80xi32, #tpu.memory_space<vmem>>
        %dma_wait3A_500 = arith.constant 0 : i32
        %dma_wait3A_501 = arith.constant 0 : i32
        %dma_wait3A_502 = tpu.memref_slice %arg9[%dma_wait3A_500, %dma_wait3A_501] : memref<10000x64xf32, #tpu.memory_space<vmem_shared>> -> memref<10000x64xf32, #tpu.memory_space<vmem_shared>>
        %dma_wait3A_503 = tpu.memref_slice %arg11[%dma_wait3A_488] : memref<5x!tpu.dma_semaphore, #tpu.memory_space<semaphore_mem>> -> memref<1x!tpu.dma_semaphore, #tpu.memory_space<semaphore_mem>>
        %dma_wait3A_504 = tpu.memref_squeeze %dma_wait3A_503 : memref<1x!tpu.dma_semaphore, #tpu.memory_space<semaphore_mem>> -> memref<!tpu.dma_semaphore, #tpu.memory_space<semaphore_mem>>
        tpu.wait_indirect_dma semaphore(%dma_wait3A_504 : memref<!tpu.dma_semaphore, #tpu.memory_space<semaphore_mem>>) src(%dma_wait3A_492 : memref<80x64xf32, #tpu.memory_space<vmem>>) dst(%dma_wait3A_502 : memref<10000x64xf32, #tpu.memory_space<vmem_shared>>)
      } else {
      }
      %dma_start3A_216 = arith.constant 0 : i32
      %dma_start3A_217 = arith.constant 3 : i32
      %dma_start3A_218 = arith.constant 3 : i32
      %dma_start3A_219 = arith.constant 3 : i32
      %dma_start3A_220 = arith.constant 0 : i32
      %dma_start3A_221 = arith.constant 0 : i32
      %dma_start3A_222 = tpu.memref_slice %arg8[%dma_start3A_218, %dma_start3A_220, %dma_start3A_221] : memref<5x80x64xf32, #tpu.memory_space<vmem>> -> memref<1x80x64xf32, #tpu.memory_space<vmem>>
      %dma_start3A_223 = tpu.memref_squeeze %dma_start3A_222 : memref<1x80x64xf32, #tpu.memory_space<vmem>> -> memref<80x64xf32, #tpu.memory_space<vmem>>
      %dma_start3A_224 = arith.constant 0 : i32
      %dma_start3A_225 = arith.constant 0 : i32
      %dma_start3A_226 = tpu.memref_slice %arg6[%dma_start3A_216, %dma_start3A_224, %dma_start3A_225] : memref<1x125x80xi32, #tpu.memory_space<vmem>> -> memref<1x125x80xi32, #tpu.memory_space<vmem>>
      %dma_start3A_227 = tpu.memref_squeeze %dma_start3A_226 : memref<1x125x80xi32, #tpu.memory_space<vmem>> -> memref<125x80xi32, #tpu.memory_space<vmem>>
      %dma_start3A_228 = arith.constant 0 : i32
      %dma_start3A_229 = tpu.memref_slice %dma_start3A_227[%mul3A_131, %dma_start3A_228] : memref<125x80xi32, #tpu.memory_space<vmem>> -> memref<5x80xi32, #tpu.memory_space<vmem>>
      %dma_start3A_230 = arith.constant 0 : i32
      %dma_start3A_231 = tpu.memref_slice %dma_start3A_229[%dma_start3A_217, %dma_start3A_230] : memref<5x80xi32, #tpu.memory_space<vmem>> -> memref<1x80xi32, #tpu.memory_space<vmem>>
      %dma_start3A_232 = tpu.memref_squeeze %dma_start3A_231 : memref<1x80xi32, #tpu.memory_space<vmem>> -> memref<80xi32, #tpu.memory_space<vmem>>
      %dma_start3A_233 = arith.constant 0 : i32
      %dma_start3A_234 = arith.constant 0 : i32
      %dma_start3A_235 = tpu.memref_slice %arg2[%dma_start3A_233, %dma_start3A_234] : memref<10000x64xf32, #tpu.memory_space<hbm>> -> memref<10000x64xf32, #tpu.memory_space<hbm>>
      %dma_start3A_236 = tpu.memref_slice %arg10[%dma_start3A_219] : memref<5x!tpu.dma_semaphore, #tpu.memory_space<semaphore_mem>> -> memref<1x!tpu.dma_semaphore, #tpu.memory_space<semaphore_mem>>
      %dma_start3A_237 = tpu.memref_squeeze %dma_start3A_236 : memref<1x!tpu.dma_semaphore, #tpu.memory_space<semaphore_mem>> -> memref<!tpu.dma_semaphore, #tpu.memory_space<semaphore_mem>>
      tpu.enqueue_indirect_dma source(%dma_start3A_235 : memref<10000x64xf32, #tpu.memory_space<hbm>>) target(%dma_start3A_223 : memref<80x64xf32, #tpu.memory_space<vmem>>) offsets(%dma_start3A_232 : memref<80xi32, #tpu.memory_space<vmem>>) semaphore(%dma_start3A_237 : memref<!tpu.dma_semaphore, #tpu.memory_space<semaphore_mem>>)
      %gt3A_238 = arith.constant 0 : i32
      %gt3A_239 = arith.cmpi sgt, %add3A_129, %gt3A_238 : i32
      %convert_element_type3A_240 = arith.extui %gt3A_239 : i1 to i32
      %cond3A_241 = arith.constant 0 : i32
      %cond3A_242 = arith.cmpi ne, %convert_element_type3A_240, %cond3A_241 : i32
      scf.if %cond3A_242 {
        %dma_wait3A_485 = arith.constant 4 : i32
        %dma_wait3A_486 = arith.constant 0 : i32
        %dma_wait3A_487 = arith.constant 0 : i32
        %dma_wait3A_488 = arith.constant 4 : i32
        %dma_wait3A_489 = arith.constant 0 : i32
        %dma_wait3A_490 = arith.constant 0 : i32
        %dma_wait3A_491 = tpu.memref_slice %arg8[%dma_wait3A_485, %dma_wait3A_489, %dma_wait3A_490] : memref<5x80x64xf32, #tpu.memory_space<vmem>> -> memref<1x80x64xf32, #tpu.memory_space<vmem>>
        %dma_wait3A_492 = tpu.memref_squeeze %dma_wait3A_491 : memref<1x80x64xf32, #tpu.memory_space<vmem>> -> memref<80x64xf32, #tpu.memory_space<vmem>>
        %dma_wait3A_493 = arith.constant 0 : i32
        %dma_wait3A_494 = arith.constant 0 : i32
        %dma_wait3A_495 = tpu.memref_slice %arg7[%dma_wait3A_486, %dma_wait3A_493, %dma_wait3A_494] : memref<1x125x80xi32, #tpu.memory_space<vmem>> -> memref<1x125x80xi32, #tpu.memory_space<vmem>>
        %dma_wait3A_496 = tpu.memref_squeeze %dma_wait3A_495 : memref<1x125x80xi32, #tpu.memory_space<vmem>> -> memref<125x80xi32, #tpu.memory_space<vmem>>
        %dma_wait3A_497 = arith.constant 0 : i32
        %dma_wait3A_498 = tpu.memref_slice %dma_wait3A_496[%dma_wait3A_487, %dma_wait3A_497] : memref<125x80xi32, #tpu.memory_space<vmem>> -> memref<1x80xi32, #tpu.memory_space<vmem>>
        %dma_wait3A_499 = tpu.memref_squeeze %dma_wait3A_498 : memref<1x80xi32, #tpu.memory_space<vmem>> -> memref<80xi32, #tpu.memory_space<vmem>>
        %dma_wait3A_500 = arith.constant 0 : i32
        %dma_wait3A_501 = arith.constant 0 : i32
        %dma_wait3A_502 = tpu.memref_slice %arg9[%dma_wait3A_500, %dma_wait3A_501] : memref<10000x64xf32, #tpu.memory_space<vmem_shared>> -> memref<10000x64xf32, #tpu.memory_space<vmem_shared>>
        %dma_wait3A_503 = tpu.memref_slice %arg11[%dma_wait3A_488] : memref<5x!tpu.dma_semaphore, #tpu.memory_space<semaphore_mem>> -> memref<1x!tpu.dma_semaphore, #tpu.memory_space<semaphore_mem>>
        %dma_wait3A_504 = tpu.memref_squeeze %dma_wait3A_503 : memref<1x!tpu.dma_semaphore, #tpu.memory_space<semaphore_mem>> -> memref<!tpu.dma_semaphore, #tpu.memory_space<semaphore_mem>>
        tpu.wait_indirect_dma semaphore(%dma_wait3A_504 : memref<!tpu.dma_semaphore, #tpu.memory_space<semaphore_mem>>) src(%dma_wait3A_492 : memref<80x64xf32, #tpu.memory_space<vmem>>) dst(%dma_wait3A_502 : memref<10000x64xf32, #tpu.memory_space<vmem_shared>>)
      } else {
      }
      %dma_start3A_243 = arith.constant 0 : i32
      %dma_start3A_244 = arith.constant 4 : i32
      %dma_start3A_245 = arith.constant 4 : i32
      %dma_start3A_246 = arith.constant 4 : i32
      %dma_start3A_247 = arith.constant 0 : i32
      %dma_start3A_248 = arith.constant 0 : i32
      %dma_start3A_249 = tpu.memref_slice %arg8[%dma_start3A_245, %dma_start3A_247, %dma_start3A_248] : memref<5x80x64xf32, #tpu.memory_space<vmem>> -> memref<1x80x64xf32, #tpu.memory_space<vmem>>
      %dma_start3A_250 = tpu.memref_squeeze %dma_start3A_249 : memref<1x80x64xf32, #tpu.memory_space<vmem>> -> memref<80x64xf32, #tpu.memory_space<vmem>>
      %dma_start3A_251 = arith.constant 0 : i32
      %dma_start3A_252 = arith.constant 0 : i32
      %dma_start3A_253 = tpu.memref_slice %arg6[%dma_start3A_243, %dma_start3A_251, %dma_start3A_252] : memref<1x125x80xi32, #tpu.memory_space<vmem>> -> memref<1x125x80xi32, #tpu.memory_space<vmem>>
      %dma_start3A_254 = tpu.memref_squeeze %dma_start3A_253 : memref<1x125x80xi32, #tpu.memory_space<vmem>> -> memref<125x80xi32, #tpu.memory_space<vmem>>
      %dma_start3A_255 = arith.constant 0 : i32
      %dma_start3A_256 = tpu.memref_slice %dma_start3A_254[%mul3A_131, %dma_start3A_255] : memref<125x80xi32, #tpu.memory_space<vmem>> -> memref<5x80xi32, #tpu.memory_space<vmem>>
      %dma_start3A_257 = arith.constant 0 : i32
      %dma_start3A_258 = tpu.memref_slice %dma_start3A_256[%dma_start3A_244, %dma_start3A_257] : memref<5x80xi32, #tpu.memory_space<vmem>> -> memref<1x80xi32, #tpu.memory_space<vmem>>
      %dma_start3A_259 = tpu.memref_squeeze %dma_start3A_258 : memref<1x80xi32, #tpu.memory_space<vmem>> -> memref<80xi32, #tpu.memory_space<vmem>>
      %dma_start3A_260 = arith.constant 0 : i32
      %dma_start3A_261 = arith.constant 0 : i32
      %dma_start3A_262 = tpu.memref_slice %arg2[%dma_start3A_260, %dma_start3A_261] : memref<10000x64xf32, #tpu.memory_space<hbm>> -> memref<10000x64xf32, #tpu.memory_space<hbm>>
      %dma_start3A_263 = tpu.memref_slice %arg10[%dma_start3A_246] : memref<5x!tpu.dma_semaphore, #tpu.memory_space<semaphore_mem>> -> memref<1x!tpu.dma_semaphore, #tpu.memory_space<semaphore_mem>>
      %dma_start3A_264 = tpu.memref_squeeze %dma_start3A_263 : memref<1x!tpu.dma_semaphore, #tpu.memory_space<semaphore_mem>> -> memref<!tpu.dma_semaphore, #tpu.memory_space<semaphore_mem>>
      tpu.enqueue_indirect_dma source(%dma_start3A_262 : memref<10000x64xf32, #tpu.memory_space<hbm>>) target(%dma_start3A_250 : memref<80x64xf32, #tpu.memory_space<vmem>>) offsets(%dma_start3A_259 : memref<80xi32, #tpu.memory_space<vmem>>) semaphore(%dma_start3A_264 : memref<!tpu.dma_semaphore, #tpu.memory_space<semaphore_mem>>)
      %dma_wait3A_265 = arith.constant 0 : i32
      %dma_wait3A_266 = arith.constant 0 : i32
      %dma_wait3A_267 = arith.constant 0 : i32
      %dma_wait3A_268 = arith.constant 0 : i32
      %dma_wait3A_269 = arith.constant 0 : i32
      %dma_wait3A_270 = arith.constant 0 : i32
      %dma_wait3A_271 = tpu.memref_slice %arg8[%dma_wait3A_267, %dma_wait3A_269, %dma_wait3A_270] : memref<5x80x64xf32, #tpu.memory_space<vmem>> -> memref<1x80x64xf32, #tpu.memory_space<vmem>>
      %dma_wait3A_272 = tpu.memref_squeeze %dma_wait3A_271 : memref<1x80x64xf32, #tpu.memory_space<vmem>> -> memref<80x64xf32, #tpu.memory_space<vmem>>
      %dma_wait3A_273 = arith.constant 0 : i32
      %dma_wait3A_274 = arith.constant 0 : i32
      %dma_wait3A_275 = tpu.memref_slice %arg6[%dma_wait3A_265, %dma_wait3A_273, %dma_wait3A_274] : memref<1x125x80xi32, #tpu.memory_space<vmem>> -> memref<1x125x80xi32, #tpu.memory_space<vmem>>
      %dma_wait3A_276 = tpu.memref_squeeze %dma_wait3A_275 : memref<1x125x80xi32, #tpu.memory_space<vmem>> -> memref<125x80xi32, #tpu.memory_space<vmem>>
      %dma_wait3A_277 = arith.constant 0 : i32
      %dma_wait3A_278 = tpu.memref_slice %dma_wait3A_276[%mul3A_131, %dma_wait3A_277] : memref<125x80xi32, #tpu.memory_space<vmem>> -> memref<5x80xi32, #tpu.memory_space<vmem>>
      %dma_wait3A_279 = arith.constant 0 : i32
      %dma_wait3A_280 = tpu.memref_slice %dma_wait3A_278[%dma_wait3A_266, %dma_wait3A_279] : memref<5x80xi32, #tpu.memory_space<vmem>> -> memref<1x80xi32, #tpu.memory_space<vmem>>
      %dma_wait3A_281 = tpu.memref_squeeze %dma_wait3A_280 : memref<1x80xi32, #tpu.memory_space<vmem>> -> memref<80xi32, #tpu.memory_space<vmem>>
      %dma_wait3A_282 = arith.constant 0 : i32
      %dma_wait3A_283 = arith.constant 0 : i32
      %dma_wait3A_284 = tpu.memref_slice %arg2[%dma_wait3A_282, %dma_wait3A_283] : memref<10000x64xf32, #tpu.memory_space<hbm>> -> memref<10000x64xf32, #tpu.memory_space<hbm>>
      %dma_wait3A_285 = tpu.memref_slice %arg10[%dma_wait3A_268] : memref<5x!tpu.dma_semaphore, #tpu.memory_space<semaphore_mem>> -> memref<1x!tpu.dma_semaphore, #tpu.memory_space<semaphore_mem>>
      %dma_wait3A_286 = tpu.memref_squeeze %dma_wait3A_285 : memref<1x!tpu.dma_semaphore, #tpu.memory_space<semaphore_mem>> -> memref<!tpu.dma_semaphore, #tpu.memory_space<semaphore_mem>>
      tpu.wait_indirect_dma semaphore(%dma_wait3A_286 : memref<!tpu.dma_semaphore, #tpu.memory_space<semaphore_mem>>) src(%dma_wait3A_284 : memref<10000x64xf32, #tpu.memory_space<hbm>>) dst(%dma_wait3A_272 : memref<80x64xf32, #tpu.memory_space<vmem>>)
      %dma_start3A_287 = arith.constant 0 : i32
      %dma_start3A_288 = arith.constant 0 : i32
      %dma_start3A_289 = arith.constant 0 : i32
      %dma_start3A_290 = arith.constant 0 : i32
      %dma_start3A_291 = arith.constant 0 : i32
      %dma_start3A_292 = arith.constant 0 : i32
      %dma_start3A_293 = tpu.memref_slice %arg8[%dma_start3A_287, %dma_start3A_291, %dma_start3A_292] : memref<5x80x64xf32, #tpu.memory_space<vmem>> -> memref<1x80x64xf32, #tpu.memory_space<vmem>>
      %dma_start3A_294 = tpu.memref_squeeze %dma_start3A_293 : memref<1x80x64xf32, #tpu.memory_space<vmem>> -> memref<80x64xf32, #tpu.memory_space<vmem>>
      %dma_start3A_295 = arith.constant 0 : i32
      %dma_start3A_296 = arith.constant 0 : i32
      %dma_start3A_297 = tpu.memref_slice %arg7[%dma_start3A_288, %dma_start3A_295, %dma_start3A_296] : memref<1x125x80xi32, #tpu.memory_space<vmem>> -> memref<1x125x80xi32, #tpu.memory_space<vmem>>
      %dma_start3A_298 = tpu.memref_squeeze %dma_start3A_297 : memref<1x125x80xi32, #tpu.memory_space<vmem>> -> memref<125x80xi32, #tpu.memory_space<vmem>>
      %dma_start3A_299 = arith.constant 0 : i32
      %dma_start3A_300 = tpu.memref_slice %dma_start3A_298[%mul3A_131, %dma_start3A_299] : memref<125x80xi32, #tpu.memory_space<vmem>> -> memref<5x80xi32, #tpu.memory_space<vmem>>
      %dma_start3A_301 = arith.constant 0 : i32
      %dma_start3A_302 = tpu.memref_slice %dma_start3A_300[%dma_start3A_289, %dma_start3A_301] : memref<5x80xi32, #tpu.memory_space<vmem>> -> memref<1x80xi32, #tpu.memory_space<vmem>>
      %dma_start3A_303 = tpu.memref_squeeze %dma_start3A_302 : memref<1x80xi32, #tpu.memory_space<vmem>> -> memref<80xi32, #tpu.memory_space<vmem>>
      %dma_start3A_304 = arith.constant 0 : i32
      %dma_start3A_305 = arith.constant 0 : i32
      %dma_start3A_306 = tpu.memref_slice %arg9[%dma_start3A_304, %dma_start3A_305] : memref<10000x64xf32, #tpu.memory_space<vmem_shared>> -> memref<10000x64xf32, #tpu.memory_space<vmem_shared>>
      %dma_start3A_307 = tpu.memref_slice %arg11[%dma_start3A_290] : memref<5x!tpu.dma_semaphore, #tpu.memory_space<semaphore_mem>> -> memref<1x!tpu.dma_semaphore, #tpu.memory_space<semaphore_mem>>
      %dma_start3A_308 = tpu.memref_squeeze %dma_start3A_307 : memref<1x!tpu.dma_semaphore, #tpu.memory_space<semaphore_mem>> -> memref<!tpu.dma_semaphore, #tpu.memory_space<semaphore_mem>>
      tpu.enqueue_indirect_dma source(%dma_start3A_294 : memref<80x64xf32, #tpu.memory_space<vmem>>) target(%dma_start3A_306 : memref<10000x64xf32, #tpu.memory_space<vmem_shared>>) offsets(%dma_start3A_303 : memref<80xi32, #tpu.memory_space<vmem>>) semaphore(%dma_start3A_308 : memref<!tpu.dma_semaphore, #tpu.memory_space<semaphore_mem>>) {add = true}
      %dma_wait3A_309 = arith.constant 0 : i32
      %dma_wait3A_310 = arith.constant 0 : i32
      %dma_wait3A_311 = arith.constant 1 : i32
      %dma_wait3A_312 = arith.constant 1 : i32
      %dma_wait3A_313 = arith.constant 0 : i32
      %dma_wait3A_314 = arith.constant 0 : i32
      %dma_wait3A_315 = tpu.memref_slice %arg8[%dma_wait3A_311, %dma_wait3A_313, %dma_wait3A_314] : memref<5x80x64xf32, #tpu.memory_space<vmem>> -> memref<1x80x64xf32, #tpu.memory_space<vmem>>
      %dma_wait3A_316 = tpu.memref_squeeze %dma_wait3A_315 : memref<1x80x64xf32, #tpu.memory_space<vmem>> -> memref<80x64xf32, #tpu.memory_space<vmem>>
      %dma_wait3A_317 = arith.constant 0 : i32
      %dma_wait3A_318 = arith.constant 0 : i32
      %dma_wait3A_319 = tpu.memref_slice %arg6[%dma_wait3A_309, %dma_wait3A_317, %dma_wait3A_318] : memref<1x125x80xi32, #tpu.memory_space<vmem>> -> memref<1x125x80xi32, #tpu.memory_space<vmem>>
      %dma_wait3A_320 = tpu.memref_squeeze %dma_wait3A_319 : memref<1x125x80xi32, #tpu.memory_space<vmem>> -> memref<125x80xi32, #tpu.memory_space<vmem>>
      %dma_wait3A_321 = arith.constant 0 : i32
      %dma_wait3A_322 = tpu.memref_slice %dma_wait3A_320[%mul3A_131, %dma_wait3A_321] : memref<125x80xi32, #tpu.memory_space<vmem>> -> memref<5x80xi32, #tpu.memory_space<vmem>>
      %dma_wait3A_323 = arith.constant 0 : i32
      %dma_wait3A_324 = tpu.memref_slice %dma_wait3A_322[%dma_wait3A_310, %dma_wait3A_323] : memref<5x80xi32, #tpu.memory_space<vmem>> -> memref<1x80xi32, #tpu.memory_space<vmem>>
      %dma_wait3A_325 = tpu.memref_squeeze %dma_wait3A_324 : memref<1x80xi32, #tpu.memory_space<vmem>> -> memref<80xi32, #tpu.memory_space<vmem>>
      %dma_wait3A_326 = arith.constant 0 : i32
      %dma_wait3A_327 = arith.constant 0 : i32
      %dma_wait3A_328 = tpu.memref_slice %arg2[%dma_wait3A_326, %dma_wait3A_327] : memref<10000x64xf32, #tpu.memory_space<hbm>> -> memref<10000x64xf32, #tpu.memory_space<hbm>>
      %dma_wait3A_329 = tpu.memref_slice %arg10[%dma_wait3A_312] : memref<5x!tpu.dma_semaphore, #tpu.memory_space<semaphore_mem>> -> memref<1x!tpu.dma_semaphore, #tpu.memory_space<semaphore_mem>>
      %dma_wait3A_330 = tpu.memref_squeeze %dma_wait3A_329 : memref<1x!tpu.dma_semaphore, #tpu.memory_space<semaphore_mem>> -> memref<!tpu.dma_semaphore, #tpu.memory_space<semaphore_mem>>
      tpu.wait_indirect_dma semaphore(%dma_wait3A_330 : memref<!tpu.dma_semaphore, #tpu.memory_space<semaphore_mem>>) src(%dma_wait3A_328 : memref<10000x64xf32, #tpu.memory_space<hbm>>) dst(%dma_wait3A_316 : memref<80x64xf32, #tpu.memory_space<vmem>>)
      %dma_start3A_331 = arith.constant 1 : i32
      %dma_start3A_332 = arith.constant 0 : i32
      %dma_start3A_333 = arith.constant 1 : i32
      %dma_start3A_334 = arith.constant 1 : i32
      %dma_start3A_335 = arith.constant 0 : i32
      %dma_start3A_336 = arith.constant 0 : i32
      %dma_start3A_337 = tpu.memref_slice %arg8[%dma_start3A_331, %dma_start3A_335, %dma_start3A_336] : memref<5x80x64xf32, #tpu.memory_space<vmem>> -> memref<1x80x64xf32, #tpu.memory_space<vmem>>
      %dma_start3A_338 = tpu.memref_squeeze %dma_start3A_337 : memref<1x80x64xf32, #tpu.memory_space<vmem>> -> memref<80x64xf32, #tpu.memory_space<vmem>>
      %dma_start3A_339 = arith.constant 0 : i32
      %dma_start3A_340 = arith.constant 0 : i32
      %dma_start3A_341 = tpu.memref_slice %arg7[%dma_start3A_332, %dma_start3A_339, %dma_start3A_340] : memref<1x125x80xi32, #tpu.memory_space<vmem>> -> memref<1x125x80xi32, #tpu.memory_space<vmem>>
      %dma_start3A_342 = tpu.memref_squeeze %dma_start3A_341 : memref<1x125x80xi32, #tpu.memory_space<vmem>> -> memref<125x80xi32, #tpu.memory_space<vmem>>
      %dma_start3A_343 = arith.constant 0 : i32
      %dma_start3A_344 = tpu.memref_slice %dma_start3A_342[%mul3A_131, %dma_start3A_343] : memref<125x80xi32, #tpu.memory_space<vmem>> -> memref<5x80xi32, #tpu.memory_space<vmem>>
      %dma_start3A_345 = arith.constant 0 : i32
      %dma_start3A_346 = tpu.memref_slice %dma_start3A_344[%dma_start3A_333, %dma_start3A_345] : memref<5x80xi32, #tpu.memory_space<vmem>> -> memref<1x80xi32, #tpu.memory_space<vmem>>
      %dma_start3A_347 = tpu.memref_squeeze %dma_start3A_346 : memref<1x80xi32, #tpu.memory_space<vmem>> -> memref<80xi32, #tpu.memory_space<vmem>>
      %dma_start3A_348 = arith.constant 0 : i32
      %dma_start3A_349 = arith.constant 0 : i32
      %dma_start3A_350 = tpu.memref_slice %arg9[%dma_start3A_348, %dma_start3A_349] : memref<10000x64xf32, #tpu.memory_space<vmem_shared>> -> memref<10000x64xf32, #tpu.memory_space<vmem_shared>>
      %dma_start3A_351 = tpu.memref_slice %arg11[%dma_start3A_334] : memref<5x!tpu.dma_semaphore, #tpu.memory_space<semaphore_mem>> -> memref<1x!tpu.dma_semaphore, #tpu.memory_space<semaphore_mem>>
      %dma_start3A_352 = tpu.memref_squeeze %dma_start3A_351 : memref<1x!tpu.dma_semaphore, #tpu.memory_space<semaphore_mem>> -> memref<!tpu.dma_semaphore, #tpu.memory_space<semaphore_mem>>
      tpu.enqueue_indirect_dma source(%dma_start3A_338 : memref<80x64xf32, #tpu.memory_space<vmem>>) target(%dma_start3A_350 : memref<10000x64xf32, #tpu.memory_space<vmem_shared>>) offsets(%dma_start3A_347 : memref<80xi32, #tpu.memory_space<vmem>>) semaphore(%dma_start3A_352 : memref<!tpu.dma_semaphore, #tpu.memory_space<semaphore_mem>>) {add = true}
      %dma_wait3A_353 = arith.constant 0 : i32
      %dma_wait3A_354 = arith.constant 0 : i32
      %dma_wait3A_355 = arith.constant 2 : i32
      %dma_wait3A_356 = arith.constant 2 : i32
      %dma_wait3A_357 = arith.constant 0 : i32
      %dma_wait3A_358 = arith.constant 0 : i32
      %dma_wait3A_359 = tpu.memref_slice %arg8[%dma_wait3A_355, %dma_wait3A_357, %dma_wait3A_358] : memref<5x80x64xf32, #tpu.memory_space<vmem>> -> memref<1x80x64xf32, #tpu.memory_space<vmem>>
      %dma_wait3A_360 = tpu.memref_squeeze %dma_wait3A_359 : memref<1x80x64xf32, #tpu.memory_space<vmem>> -> memref<80x64xf32, #tpu.memory_space<vmem>>
      %dma_wait3A_361 = arith.constant 0 : i32
      %dma_wait3A_362 = arith.constant 0 : i32
      %dma_wait3A_363 = tpu.memref_slice %arg6[%dma_wait3A_353, %dma_wait3A_361, %dma_wait3A_362] : memref<1x125x80xi32, #tpu.memory_space<vmem>> -> memref<1x125x80xi32, #tpu.memory_space<vmem>>
      %dma_wait3A_364 = tpu.memref_squeeze %dma_wait3A_363 : memref<1x125x80xi32, #tpu.memory_space<vmem>> -> memref<125x80xi32, #tpu.memory_space<vmem>>
      %dma_wait3A_365 = arith.constant 0 : i32
      %dma_wait3A_366 = tpu.memref_slice %dma_wait3A_364[%mul3A_131, %dma_wait3A_365] : memref<125x80xi32, #tpu.memory_space<vmem>> -> memref<5x80xi32, #tpu.memory_space<vmem>>
      %dma_wait3A_367 = arith.constant 0 : i32
      %dma_wait3A_368 = tpu.memref_slice %dma_wait3A_366[%dma_wait3A_354, %dma_wait3A_367] : memref<5x80xi32, #tpu.memory_space<vmem>> -> memref<1x80xi32, #tpu.memory_space<vmem>>
      %dma_wait3A_369 = tpu.memref_squeeze %dma_wait3A_368 : memref<1x80xi32, #tpu.memory_space<vmem>> -> memref<80xi32, #tpu.memory_space<vmem>>
      %dma_wait3A_370 = arith.constant 0 : i32
      %dma_wait3A_371 = arith.constant 0 : i32
      %dma_wait3A_372 = tpu.memref_slice %arg2[%dma_wait3A_370, %dma_wait3A_371] : memref<10000x64xf32, #tpu.memory_space<hbm>> -> memref<10000x64xf32, #tpu.memory_space<hbm>>
      %dma_wait3A_373 = tpu.memref_slice %arg10[%dma_wait3A_356] : memref<5x!tpu.dma_semaphore, #tpu.memory_space<semaphore_mem>> -> memref<1x!tpu.dma_semaphore, #tpu.memory_space<semaphore_mem>>
      %dma_wait3A_374 = tpu.memref_squeeze %dma_wait3A_373 : memref<1x!tpu.dma_semaphore, #tpu.memory_space<semaphore_mem>> -> memref<!tpu.dma_semaphore, #tpu.memory_space<semaphore_mem>>
      tpu.wait_indirect_dma semaphore(%dma_wait3A_374 : memref<!tpu.dma_semaphore, #tpu.memory_space<semaphore_mem>>) src(%dma_wait3A_372 : memref<10000x64xf32, #tpu.memory_space<hbm>>) dst(%dma_wait3A_360 : memref<80x64xf32, #tpu.memory_space<vmem>>)
      %dma_start3A_375 = arith.constant 2 : i32
      %dma_start3A_376 = arith.constant 0 : i32
      %dma_start3A_377 = arith.constant 2 : i32
      %dma_start3A_378 = arith.constant 2 : i32
      %dma_start3A_379 = arith.constant 0 : i32
      %dma_start3A_380 = arith.constant 0 : i32
      %dma_start3A_381 = tpu.memref_slice %arg8[%dma_start3A_375, %dma_start3A_379, %dma_start3A_380] : memref<5x80x64xf32, #tpu.memory_space<vmem>> -> memref<1x80x64xf32, #tpu.memory_space<vmem>>
      %dma_start3A_382 = tpu.memref_squeeze %dma_start3A_381 : memref<1x80x64xf32, #tpu.memory_space<vmem>> -> memref<80x64xf32, #tpu.memory_space<vmem>>
      %dma_start3A_383 = arith.constant 0 : i32
      %dma_start3A_384 = arith.constant 0 : i32
      %dma_start3A_385 = tpu.memref_slice %arg7[%dma_start3A_376, %dma_start3A_383, %dma_start3A_384] : memref<1x125x80xi32, #tpu.memory_space<vmem>> -> memref<1x125x80xi32, #tpu.memory_space<vmem>>
      %dma_start3A_386 = tpu.memref_squeeze %dma_start3A_385 : memref<1x125x80xi32, #tpu.memory_space<vmem>> -> memref<125x80xi32, #tpu.memory_space<vmem>>
      %dma_start3A_387 = arith.constant 0 : i32
      %dma_start3A_388 = tpu.memref_slice %dma_start3A_386[%mul3A_131, %dma_start3A_387] : memref<125x80xi32, #tpu.memory_space<vmem>> -> memref<5x80xi32, #tpu.memory_space<vmem>>
      %dma_start3A_389 = arith.constant 0 : i32
      %dma_start3A_390 = tpu.memref_slice %dma_start3A_388[%dma_start3A_377, %dma_start3A_389] : memref<5x80xi32, #tpu.memory_space<vmem>> -> memref<1x80xi32, #tpu.memory_space<vmem>>
      %dma_start3A_391 = tpu.memref_squeeze %dma_start3A_390 : memref<1x80xi32, #tpu.memory_space<vmem>> -> memref<80xi32, #tpu.memory_space<vmem>>
      %dma_start3A_392 = arith.constant 0 : i32
      %dma_start3A_393 = arith.constant 0 : i32
      %dma_start3A_394 = tpu.memref_slice %arg9[%dma_start3A_392, %dma_start3A_393] : memref<10000x64xf32, #tpu.memory_space<vmem_shared>> -> memref<10000x64xf32, #tpu.memory_space<vmem_shared>>
      %dma_start3A_395 = tpu.memref_slice %arg11[%dma_start3A_378] : memref<5x!tpu.dma_semaphore, #tpu.memory_space<semaphore_mem>> -> memref<1x!tpu.dma_semaphore, #tpu.memory_space<semaphore_mem>>
      %dma_start3A_396 = tpu.memref_squeeze %dma_start3A_395 : memref<1x!tpu.dma_semaphore, #tpu.memory_space<semaphore_mem>> -> memref<!tpu.dma_semaphore, #tpu.memory_space<semaphore_mem>>
      tpu.enqueue_indirect_dma source(%dma_start3A_382 : memref<80x64xf32, #tpu.memory_space<vmem>>) target(%dma_start3A_394 : memref<10000x64xf32, #tpu.memory_space<vmem_shared>>) offsets(%dma_start3A_391 : memref<80xi32, #tpu.memory_space<vmem>>) semaphore(%dma_start3A_396 : memref<!tpu.dma_semaphore, #tpu.memory_space<semaphore_mem>>) {add = true}
      %dma_wait3A_397 = arith.constant 0 : i32
      %dma_wait3A_398 = arith.constant 0 : i32
      %dma_wait3A_399 = arith.constant 3 : i32
      %dma_wait3A_400 = arith.constant 3 : i32
      %dma_wait3A_401 = arith.constant 0 : i32
      %dma_wait3A_402 = arith.constant 0 : i32
      %dma_wait3A_403 = tpu.memref_slice %arg8[%dma_wait3A_399, %dma_wait3A_401, %dma_wait3A_402] : memref<5x80x64xf32, #tpu.memory_space<vmem>> -> memref<1x80x64xf32, #tpu.memory_space<vmem>>
      %dma_wait3A_404 = tpu.memref_squeeze %dma_wait3A_403 : memref<1x80x64xf32, #tpu.memory_space<vmem>> -> memref<80x64xf32, #tpu.memory_space<vmem>>
      %dma_wait3A_405 = arith.constant 0 : i32
      %dma_wait3A_406 = arith.constant 0 : i32
      %dma_wait3A_407 = tpu.memref_slice %arg6[%dma_wait3A_397, %dma_wait3A_405, %dma_wait3A_406] : memref<1x125x80xi32, #tpu.memory_space<vmem>> -> memref<1x125x80xi32, #tpu.memory_space<vmem>>
      %dma_wait3A_408 = tpu.memref_squeeze %dma_wait3A_407 : memref<1x125x80xi32, #tpu.memory_space<vmem>> -> memref<125x80xi32, #tpu.memory_space<vmem>>
      %dma_wait3A_409 = arith.constant 0 : i32
      %dma_wait3A_410 = tpu.memref_slice %dma_wait3A_408[%mul3A_131, %dma_wait3A_409] : memref<125x80xi32, #tpu.memory_space<vmem>> -> memref<5x80xi32, #tpu.memory_space<vmem>>
      %dma_wait3A_411 = arith.constant 0 : i32
      %dma_wait3A_412 = tpu.memref_slice %dma_wait3A_410[%dma_wait3A_398, %dma_wait3A_411] : memref<5x80xi32, #tpu.memory_space<vmem>> -> memref<1x80xi32, #tpu.memory_space<vmem>>
      %dma_wait3A_413 = tpu.memref_squeeze %dma_wait3A_412 : memref<1x80xi32, #tpu.memory_space<vmem>> -> memref<80xi32, #tpu.memory_space<vmem>>
      %dma_wait3A_414 = arith.constant 0 : i32
      %dma_wait3A_415 = arith.constant 0 : i32
      %dma_wait3A_416 = tpu.memref_slice %arg2[%dma_wait3A_414, %dma_wait3A_415] : memref<10000x64xf32, #tpu.memory_space<hbm>> -> memref<10000x64xf32, #tpu.memory_space<hbm>>
      %dma_wait3A_417 = tpu.memref_slice %arg10[%dma_wait3A_400] : memref<5x!tpu.dma_semaphore, #tpu.memory_space<semaphore_mem>> -> memref<1x!tpu.dma_semaphore, #tpu.memory_space<semaphore_mem>>
      %dma_wait3A_418 = tpu.memref_squeeze %dma_wait3A_417 : memref<1x!tpu.dma_semaphore, #tpu.memory_space<semaphore_mem>> -> memref<!tpu.dma_semaphore, #tpu.memory_space<semaphore_mem>>
      tpu.wait_indirect_dma semaphore(%dma_wait3A_418 : memref<!tpu.dma_semaphore, #tpu.memory_space<semaphore_mem>>) src(%dma_wait3A_416 : memref<10000x64xf32, #tpu.memory_space<hbm>>) dst(%dma_wait3A_404 : memref<80x64xf32, #tpu.memory_space<vmem>>)
      %dma_start3A_419 = arith.constant 3 : i32
      %dma_start3A_420 = arith.constant 0 : i32
      %dma_start3A_421 = arith.constant 3 : i32
      %dma_start3A_422 = arith.constant 3 : i32
      %dma_start3A_423 = arith.constant 0 : i32
      %dma_start3A_424 = arith.constant 0 : i32
      %dma_start3A_425 = tpu.memref_slice %arg8[%dma_start3A_419, %dma_start3A_423, %dma_start3A_424] : memref<5x80x64xf32, #tpu.memory_space<vmem>> -> memref<1x80x64xf32, #tpu.memory_space<vmem>>
      %dma_start3A_426 = tpu.memref_squeeze %dma_start3A_425 : memref<1x80x64xf32, #tpu.memory_space<vmem>> -> memref<80x64xf32, #tpu.memory_space<vmem>>
      %dma_start3A_427 = arith.constant 0 : i32
      %dma_start3A_428 = arith.constant 0 : i32
      %dma_start3A_429 = tpu.memref_slice %arg7[%dma_start3A_420, %dma_start3A_427, %dma_start3A_428] : memref<1x125x80xi32, #tpu.memory_space<vmem>> -> memref<1x125x80xi32, #tpu.memory_space<vmem>>
      %dma_start3A_430 = tpu.memref_squeeze %dma_start3A_429 : memref<1x125x80xi32, #tpu.memory_space<vmem>> -> memref<125x80xi32, #tpu.memory_space<vmem>>
      %dma_start3A_431 = arith.constant 0 : i32
      %dma_start3A_432 = tpu.memref_slice %dma_start3A_430[%mul3A_131, %dma_start3A_431] : memref<125x80xi32, #tpu.memory_space<vmem>> -> memref<5x80xi32, #tpu.memory_space<vmem>>
      %dma_start3A_433 = arith.constant 0 : i32
      %dma_start3A_434 = tpu.memref_slice %dma_start3A_432[%dma_start3A_421, %dma_start3A_433] : memref<5x80xi32, #tpu.memory_space<vmem>> -> memref<1x80xi32, #tpu.memory_space<vmem>>
      %dma_start3A_435 = tpu.memref_squeeze %dma_start3A_434 : memref<1x80xi32, #tpu.memory_space<vmem>> -> memref<80xi32, #tpu.memory_space<vmem>>
      %dma_start3A_436 = arith.constant 0 : i32
      %dma_start3A_437 = arith.constant 0 : i32
      %dma_start3A_438 = tpu.memref_slice %arg9[%dma_start3A_436, %dma_start3A_437] : memref<10000x64xf32, #tpu.memory_space<vmem_shared>> -> memref<10000x64xf32, #tpu.memory_space<vmem_shared>>
      %dma_start3A_439 = tpu.memref_slice %arg11[%dma_start3A_422] : memref<5x!tpu.dma_semaphore, #tpu.memory_space<semaphore_mem>> -> memref<1x!tpu.dma_semaphore, #tpu.memory_space<semaphore_mem>>
      %dma_start3A_440 = tpu.memref_squeeze %dma_start3A_439 : memref<1x!tpu.dma_semaphore, #tpu.memory_space<semaphore_mem>> -> memref<!tpu.dma_semaphore, #tpu.memory_space<semaphore_mem>>
      tpu.enqueue_indirect_dma source(%dma_start3A_426 : memref<80x64xf32, #tpu.memory_space<vmem>>) target(%dma_start3A_438 : memref<10000x64xf32, #tpu.memory_space<vmem_shared>>) offsets(%dma_start3A_435 : memref<80xi32, #tpu.memory_space<vmem>>) semaphore(%dma_start3A_440 : memref<!tpu.dma_semaphore, #tpu.memory_space<semaphore_mem>>) {add = true}
      %dma_wait3A_441 = arith.constant 0 : i32
      %dma_wait3A_442 = arith.constant 0 : i32
      %dma_wait3A_443 = arith.constant 4 : i32
      %dma_wait3A_444 = arith.constant 4 : i32
      %dma_wait3A_445 = arith.constant 0 : i32
      %dma_wait3A_446 = arith.constant 0 : i32
      %dma_wait3A_447 = tpu.memref_slice %arg8[%dma_wait3A_443, %dma_wait3A_445, %dma_wait3A_446] : memref<5x80x64xf32, #tpu.memory_space<vmem>> -> memref<1x80x64xf32, #tpu.memory_space<vmem>>
      %dma_wait3A_448 = tpu.memref_squeeze %dma_wait3A_447 : memref<1x80x64xf32, #tpu.memory_space<vmem>> -> memref<80x64xf32, #tpu.memory_space<vmem>>
      %dma_wait3A_449 = arith.constant 0 : i32
      %dma_wait3A_450 = arith.constant 0 : i32
      %dma_wait3A_451 = tpu.memref_slice %arg6[%dma_wait3A_441, %dma_wait3A_449, %dma_wait3A_450] : memref<1x125x80xi32, #tpu.memory_space<vmem>> -> memref<1x125x80xi32, #tpu.memory_space<vmem>>
      %dma_wait3A_452 = tpu.memref_squeeze %dma_wait3A_451 : memref<1x125x80xi32, #tpu.memory_space<vmem>> -> memref<125x80xi32, #tpu.memory_space<vmem>>
      %dma_wait3A_453 = arith.constant 0 : i32
      %dma_wait3A_454 = tpu.memref_slice %dma_wait3A_452[%mul3A_131, %dma_wait3A_453] : memref<125x80xi32, #tpu.memory_space<vmem>> -> memref<5x80xi32, #tpu.memory_space<vmem>>
      %dma_wait3A_455 = arith.constant 0 : i32
      %dma_wait3A_456 = tpu.memref_slice %dma_wait3A_454[%dma_wait3A_442, %dma_wait3A_455] : memref<5x80xi32, #tpu.memory_space<vmem>> -> memref<1x80xi32, #tpu.memory_space<vmem>>
      %dma_wait3A_457 = tpu.memref_squeeze %dma_wait3A_456 : memref<1x80xi32, #tpu.memory_space<vmem>> -> memref<80xi32, #tpu.memory_space<vmem>>
      %dma_wait3A_458 = arith.constant 0 : i32
      %dma_wait3A_459 = arith.constant 0 : i32
      %dma_wait3A_460 = tpu.memref_slice %arg2[%dma_wait3A_458, %dma_wait3A_459] : memref<10000x64xf32, #tpu.memory_space<hbm>> -> memref<10000x64xf32, #tpu.memory_space<hbm>>
      %dma_wait3A_461 = tpu.memref_slice %arg10[%dma_wait3A_444] : memref<5x!tpu.dma_semaphore, #tpu.memory_space<semaphore_mem>> -> memref<1x!tpu.dma_semaphore, #tpu.memory_space<semaphore_mem>>
      %dma_wait3A_462 = tpu.memref_squeeze %dma_wait3A_461 : memref<1x!tpu.dma_semaphore, #tpu.memory_space<semaphore_mem>> -> memref<!tpu.dma_semaphore, #tpu.memory_space<semaphore_mem>>
      tpu.wait_indirect_dma semaphore(%dma_wait3A_462 : memref<!tpu.dma_semaphore, #tpu.memory_space<semaphore_mem>>) src(%dma_wait3A_460 : memref<10000x64xf32, #tpu.memory_space<hbm>>) dst(%dma_wait3A_448 : memref<80x64xf32, #tpu.memory_space<vmem>>)
      %dma_start3A_463 = arith.constant 4 : i32
      %dma_start3A_464 = arith.constant 0 : i32
      %dma_start3A_465 = arith.constant 4 : i32
      %dma_start3A_466 = arith.constant 4 : i32
      %dma_start3A_467 = arith.constant 0 : i32
      %dma_start3A_468 = arith.constant 0 : i32
      %dma_start3A_469 = tpu.memref_slice %arg8[%dma_start3A_463, %dma_start3A_467, %dma_start3A_468] : memref<5x80x64xf32, #tpu.memory_space<vmem>> -> memref<1x80x64xf32, #tpu.memory_space<vmem>>
      %dma_start3A_470 = tpu.memref_squeeze %dma_start3A_469 : memref<1x80x64xf32, #tpu.memory_space<vmem>> -> memref<80x64xf32, #tpu.memory_space<vmem>>
      %dma_start3A_471 = arith.constant 0 : i32
      %dma_start3A_472 = arith.constant 0 : i32
      %dma_start3A_473 = tpu.memref_slice %arg7[%dma_start3A_464, %dma_start3A_471, %dma_start3A_472] : memref<1x125x80xi32, #tpu.memory_space<vmem>> -> memref<1x125x80xi32, #tpu.memory_space<vmem>>
      %dma_start3A_474 = tpu.memref_squeeze %dma_start3A_473 : memref<1x125x80xi32, #tpu.memory_space<vmem>> -> memref<125x80xi32, #tpu.memory_space<vmem>>
      %dma_start3A_475 = arith.constant 0 : i32
      %dma_start3A_476 = tpu.memref_slice %dma_start3A_474[%mul3A_131, %dma_start3A_475] : memref<125x80xi32, #tpu.memory_space<vmem>> -> memref<5x80xi32, #tpu.memory_space<vmem>>
      %dma_start3A_477 = arith.constant 0 : i32
      %dma_start3A_478 = tpu.memref_slice %dma_start3A_476[%dma_start3A_465, %dma_start3A_477] : memref<5x80xi32, #tpu.memory_space<vmem>> -> memref<1x80xi32, #tpu.memory_space<vmem>>
      %dma_start3A_479 = tpu.memref_squeeze %dma_start3A_478 : memref<1x80xi32, #tpu.memory_space<vmem>> -> memref<80xi32, #tpu.memory_space<vmem>>
      %dma_start3A_480 = arith.constant 0 : i32
      %dma_start3A_481 = arith.constant 0 : i32
      %dma_start3A_482 = tpu.memref_slice %arg9[%dma_start3A_480, %dma_start3A_481] : memref<10000x64xf32, #tpu.memory_space<vmem_shared>> -> memref<10000x64xf32, #tpu.memory_space<vmem_shared>>
      %dma_start3A_483 = tpu.memref_slice %arg11[%dma_start3A_466] : memref<5x!tpu.dma_semaphore, #tpu.memory_space<semaphore_mem>> -> memref<1x!tpu.dma_semaphore, #tpu.memory_space<semaphore_mem>>
      %dma_start3A_484 = tpu.memref_squeeze %dma_start3A_483 : memref<1x!tpu.dma_semaphore, #tpu.memory_space<semaphore_mem>> -> memref<!tpu.dma_semaphore, #tpu.memory_space<semaphore_mem>>
      tpu.enqueue_indirect_dma source(%dma_start3A_470 : memref<80x64xf32, #tpu.memory_space<vmem>>) target(%dma_start3A_482 : memref<10000x64xf32, #tpu.memory_space<vmem_shared>>) offsets(%dma_start3A_479 : memref<80xi32, #tpu.memory_space<vmem>>) semaphore(%dma_start3A_484 : memref<!tpu.dma_semaphore, #tpu.memory_space<semaphore_mem>>) {add = true}
    }
    %scan3A_15 = arith.constant 25 : i32
    %dma_wait3A = arith.constant 0 : i32
    %dma_wait3A_16 = arith.constant 0 : i32
    %dma_wait3A_17 = arith.constant 0 : i32
    %dma_wait3A_18 = arith.constant 0 : i32
    %dma_wait3A_19 = arith.constant 0 : i32
    %dma_wait3A_20 = arith.constant 0 : i32
    %dma_wait3A_21 = tpu.memref_slice %arg8[%dma_wait3A, %dma_wait3A_19, %dma_wait3A_20] : memref<5x80x64xf32, #tpu.memory_space<vmem>> -> memref<1x80x64xf32, #tpu.memory_space<vmem>>
    %dma_wait3A_22 = tpu.memref_squeeze %dma_wait3A_21 : memref<1x80x64xf32, #tpu.memory_space<vmem>> -> memref<80x64xf32, #tpu.memory_space<vmem>>
    %dma_wait3A_23 = arith.constant 0 : i32
    %dma_wait3A_24 = arith.constant 0 : i32
    %dma_wait3A_25 = tpu.memref_slice %arg7[%dma_wait3A_16, %dma_wait3A_23, %dma_wait3A_24] : memref<1x125x80xi32, #tpu.memory_space<vmem>> -> memref<1x125x80xi32, #tpu.memory_space<vmem>>
    %dma_wait3A_26 = tpu.memref_squeeze %dma_wait3A_25 : memref<1x125x80xi32, #tpu.memory_space<vmem>> -> memref<125x80xi32, #tpu.memory_space<vmem>>
    %dma_wait3A_27 = arith.constant 0 : i32
    %dma_wait3A_28 = tpu.memref_slice %dma_wait3A_26[%dma_wait3A_17, %dma_wait3A_27] : memref<125x80xi32, #tpu.memory_space<vmem>> -> memref<1x80xi32, #tpu.memory_space<vmem>>
    %dma_wait3A_29 = tpu.memref_squeeze %dma_wait3A_28 : memref<1x80xi32, #tpu.memory_space<vmem>> -> memref<80xi32, #tpu.memory_space<vmem>>
    %dma_wait3A_30 = arith.constant 0 : i32
    %dma_wait3A_31 = arith.constant 0 : i32
    %dma_wait3A_32 = tpu.memref_slice %arg9[%dma_wait3A_30, %dma_wait3A_31] : memref<10000x64xf32, #tpu.memory_space<vmem_shared>> -> memref<10000x64xf32, #tpu.memory_space<vmem_shared>>
    %dma_wait3A_33 = tpu.memref_slice %arg11[%dma_wait3A_18] : memref<5x!tpu.dma_semaphore, #tpu.memory_space<semaphore_mem>> -> memref<1x!tpu.dma_semaphore, #tpu.memory_space<semaphore_mem>>
    %dma_wait3A_34 = tpu.memref_squeeze %dma_wait3A_33 : memref<1x!tpu.dma_semaphore, #tpu.memory_space<semaphore_mem>> -> memref<!tpu.dma_semaphore, #tpu.memory_space<semaphore_mem>>
    tpu.wait_indirect_dma semaphore(%dma_wait3A_34 : memref<!tpu.dma_semaphore, #tpu.memory_space<semaphore_mem>>) src(%dma_wait3A_22 : memref<80x64xf32, #tpu.memory_space<vmem>>) dst(%dma_wait3A_32 : memref<10000x64xf32, #tpu.memory_space<vmem_shared>>)
    %dma_wait3A_35 = arith.constant 1 : i32
    %dma_wait3A_36 = arith.constant 0 : i32
    %dma_wait3A_37 = arith.constant 0 : i32
    %dma_wait3A_38 = arith.constant 1 : i32
    %dma_wait3A_39 = arith.constant 0 : i32
    %dma_wait3A_40 = arith.constant 0 : i32
    %dma_wait3A_41 = tpu.memref_slice %arg8[%dma_wait3A_35, %dma_wait3A_39, %dma_wait3A_40] : memref<5x80x64xf32, #tpu.memory_space<vmem>> -> memref<1x80x64xf32, #tpu.memory_space<vmem>>
    %dma_wait3A_42 = tpu.memref_squeeze %dma_wait3A_41 : memref<1x80x64xf32, #tpu.memory_space<vmem>> -> memref<80x64xf32, #tpu.memory_space<vmem>>
    %dma_wait3A_43 = arith.constant 0 : i32
    %dma_wait3A_44 = arith.constant 0 : i32
    %dma_wait3A_45 = tpu.memref_slice %arg7[%dma_wait3A_36, %dma_wait3A_43, %dma_wait3A_44] : memref<1x125x80xi32, #tpu.memory_space<vmem>> -> memref<1x125x80xi32, #tpu.memory_space<vmem>>
    %dma_wait3A_46 = tpu.memref_squeeze %dma_wait3A_45 : memref<1x125x80xi32, #tpu.memory_space<vmem>> -> memref<125x80xi32, #tpu.memory_space<vmem>>
    %dma_wait3A_47 = arith.constant 0 : i32
    %dma_wait3A_48 = tpu.memref_slice %dma_wait3A_46[%dma_wait3A_37, %dma_wait3A_47] : memref<125x80xi32, #tpu.memory_space<vmem>> -> memref<1x80xi32, #tpu.memory_space<vmem>>
    %dma_wait3A_49 = tpu.memref_squeeze %dma_wait3A_48 : memref<1x80xi32, #tpu.memory_space<vmem>> -> memref<80xi32, #tpu.memory_space<vmem>>
    %dma_wait3A_50 = arith.constant 0 : i32
    %dma_wait3A_51 = arith.constant 0 : i32
    %dma_wait3A_52 = tpu.memref_slice %arg9[%dma_wait3A_50, %dma_wait3A_51] : memref<10000x64xf32, #tpu.memory_space<vmem_shared>> -> memref<10000x64xf32, #tpu.memory_space<vmem_shared>>
    %dma_wait3A_53 = tpu.memref_slice %arg11[%dma_wait3A_38] : memref<5x!tpu.dma_semaphore, #tpu.memory_space<semaphore_mem>> -> memref<1x!tpu.dma_semaphore, #tpu.memory_space<semaphore_mem>>
    %dma_wait3A_54 = tpu.memref_squeeze %dma_wait3A_53 : memref<1x!tpu.dma_semaphore, #tpu.memory_space<semaphore_mem>> -> memref<!tpu.dma_semaphore, #tpu.memory_space<semaphore_mem>>
    tpu.wait_indirect_dma semaphore(%dma_wait3A_54 : memref<!tpu.dma_semaphore, #tpu.memory_space<semaphore_mem>>) src(%dma_wait3A_42 : memref<80x64xf32, #tpu.memory_space<vmem>>) dst(%dma_wait3A_52 : memref<10000x64xf32, #tpu.memory_space<vmem_shared>>)
    %dma_wait3A_55 = arith.constant 2 : i32
    %dma_wait3A_56 = arith.constant 0 : i32
    %dma_wait3A_57 = arith.constant 0 : i32
    %dma_wait3A_58 = arith.constant 2 : i32
    %dma_wait3A_59 = arith.constant 0 : i32
    %dma_wait3A_60 = arith.constant 0 : i32
    %dma_wait3A_61 = tpu.memref_slice %arg8[%dma_wait3A_55, %dma_wait3A_59, %dma_wait3A_60] : memref<5x80x64xf32, #tpu.memory_space<vmem>> -> memref<1x80x64xf32, #tpu.memory_space<vmem>>
    %dma_wait3A_62 = tpu.memref_squeeze %dma_wait3A_61 : memref<1x80x64xf32, #tpu.memory_space<vmem>> -> memref<80x64xf32, #tpu.memory_space<vmem>>
    %dma_wait3A_63 = arith.constant 0 : i32
    %dma_wait3A_64 = arith.constant 0 : i32
    %dma_wait3A_65 = tpu.memref_slice %arg7[%dma_wait3A_56, %dma_wait3A_63, %dma_wait3A_64] : memref<1x125x80xi32, #tpu.memory_space<vmem>> -> memref<1x125x80xi32, #tpu.memory_space<vmem>>
    %dma_wait3A_66 = tpu.memref_squeeze %dma_wait3A_65 : memref<1x125x80xi32, #tpu.memory_space<vmem>> -> memref<125x80xi32, #tpu.memory_space<vmem>>
    %dma_wait3A_67 = arith.constant 0 : i32
    %dma_wait3A_68 = tpu.memref_slice %dma_wait3A_66[%dma_wait3A_57, %dma_wait3A_67] : memref<125x80xi32, #tpu.memory_space<vmem>> -> memref<1x80xi32, #tpu.memory_space<vmem>>
    %dma_wait3A_69 = tpu.memref_squeeze %dma_wait3A_68 : memref<1x80xi32, #tpu.memory_space<vmem>> -> memref<80xi32, #tpu.memory_space<vmem>>
    %dma_wait3A_70 = arith.constant 0 : i32
    %dma_wait3A_71 = arith.constant 0 : i32
    %dma_wait3A_72 = tpu.memref_slice %arg9[%dma_wait3A_70, %dma_wait3A_71] : memref<10000x64xf32, #tpu.memory_space<vmem_shared>> -> memref<10000x64xf32, #tpu.memory_space<vmem_shared>>
    %dma_wait3A_73 = tpu.memref_slice %arg11[%dma_wait3A_58] : memref<5x!tpu.dma_semaphore, #tpu.memory_space<semaphore_mem>> -> memref<1x!tpu.dma_semaphore, #tpu.memory_space<semaphore_mem>>
    %dma_wait3A_74 = tpu.memref_squeeze %dma_wait3A_73 : memref<1x!tpu.dma_semaphore, #tpu.memory_space<semaphore_mem>> -> memref<!tpu.dma_semaphore, #tpu.memory_space<semaphore_mem>>
    tpu.wait_indirect_dma semaphore(%dma_wait3A_74 : memref<!tpu.dma_semaphore, #tpu.memory_space<semaphore_mem>>) src(%dma_wait3A_62 : memref<80x64xf32, #tpu.memory_space<vmem>>) dst(%dma_wait3A_72 : memref<10000x64xf32, #tpu.memory_space<vmem_shared>>)
    %dma_wait3A_75 = arith.constant 3 : i32
    %dma_wait3A_76 = arith.constant 0 : i32
    %dma_wait3A_77 = arith.constant 0 : i32
    %dma_wait3A_78 = arith.constant 3 : i32
    %dma_wait3A_79 = arith.constant 0 : i32
    %dma_wait3A_80 = arith.constant 0 : i32
    %dma_wait3A_81 = tpu.memref_slice %arg8[%dma_wait3A_75, %dma_wait3A_79, %dma_wait3A_80] : memref<5x80x64xf32, #tpu.memory_space<vmem>> -> memref<1x80x64xf32, #tpu.memory_space<vmem>>
    %dma_wait3A_82 = tpu.memref_squeeze %dma_wait3A_81 : memref<1x80x64xf32, #tpu.memory_space<vmem>> -> memref<80x64xf32, #tpu.memory_space<vmem>>
    %dma_wait3A_83 = arith.constant 0 : i32
    %dma_wait3A_84 = arith.constant 0 : i32
    %dma_wait3A_85 = tpu.memref_slice %arg7[%dma_wait3A_76, %dma_wait3A_83, %dma_wait3A_84] : memref<1x125x80xi32, #tpu.memory_space<vmem>> -> memref<1x125x80xi32, #tpu.memory_space<vmem>>
    %dma_wait3A_86 = tpu.memref_squeeze %dma_wait3A_85 : memref<1x125x80xi32, #tpu.memory_space<vmem>> -> memref<125x80xi32, #tpu.memory_space<vmem>>
    %dma_wait3A_87 = arith.constant 0 : i32
    %dma_wait3A_88 = tpu.memref_slice %dma_wait3A_86[%dma_wait3A_77, %dma_wait3A_87] : memref<125x80xi32, #tpu.memory_space<vmem>> -> memref<1x80xi32, #tpu.memory_space<vmem>>
    %dma_wait3A_89 = tpu.memref_squeeze %dma_wait3A_88 : memref<1x80xi32, #tpu.memory_space<vmem>> -> memref<80xi32, #tpu.memory_space<vmem>>
    %dma_wait3A_90 = arith.constant 0 : i32
    %dma_wait3A_91 = arith.constant 0 : i32
    %dma_wait3A_92 = tpu.memref_slice %arg9[%dma_wait3A_90, %dma_wait3A_91] : memref<10000x64xf32, #tpu.memory_space<vmem_shared>> -> memref<10000x64xf32, #tpu.memory_space<vmem_shared>>
    %dma_wait3A_93 = tpu.memref_slice %arg11[%dma_wait3A_78] : memref<5x!tpu.dma_semaphore, #tpu.memory_space<semaphore_mem>> -> memref<1x!tpu.dma_semaphore, #tpu.memory_space<semaphore_mem>>
    %dma_wait3A_94 = tpu.memref_squeeze %dma_wait3A_93 : memref<1x!tpu.dma_semaphore, #tpu.memory_space<semaphore_mem>> -> memref<!tpu.dma_semaphore, #tpu.memory_space<semaphore_mem>>
    tpu.wait_indirect_dma semaphore(%dma_wait3A_94 : memref<!tpu.dma_semaphore, #tpu.memory_space<semaphore_mem>>) src(%dma_wait3A_82 : memref<80x64xf32, #tpu.memory_space<vmem>>) dst(%dma_wait3A_92 : memref<10000x64xf32, #tpu.memory_space<vmem_shared>>)
    %dma_wait3A_95 = arith.constant 4 : i32
    %dma_wait3A_96 = arith.constant 0 : i32
    %dma_wait3A_97 = arith.constant 0 : i32
    %dma_wait3A_98 = arith.constant 4 : i32
    %dma_wait3A_99 = arith.constant 0 : i32
    %dma_wait3A_100 = arith.constant 0 : i32
    %dma_wait3A_101 = tpu.memref_slice %arg8[%dma_wait3A_95, %dma_wait3A_99, %dma_wait3A_100] : memref<5x80x64xf32, #tpu.memory_space<vmem>> -> memref<1x80x64xf32, #tpu.memory_space<vmem>>
    %dma_wait3A_102 = tpu.memref_squeeze %dma_wait3A_101 : memref<1x80x64xf32, #tpu.memory_space<vmem>> -> memref<80x64xf32, #tpu.memory_space<vmem>>
    %dma_wait3A_103 = arith.constant 0 : i32
    %dma_wait3A_104 = arith.constant 0 : i32
    %dma_wait3A_105 = tpu.memref_slice %arg7[%dma_wait3A_96, %dma_wait3A_103, %dma_wait3A_104] : memref<1x125x80xi32, #tpu.memory_space<vmem>> -> memref<1x125x80xi32, #tpu.memory_space<vmem>>
    %dma_wait3A_106 = tpu.memref_squeeze %dma_wait3A_105 : memref<1x125x80xi32, #tpu.memory_space<vmem>> -> memref<125x80xi32, #tpu.memory_space<vmem>>
    %dma_wait3A_107 = arith.constant 0 : i32
    %dma_wait3A_108 = tpu.memref_slice %dma_wait3A_106[%dma_wait3A_97, %dma_wait3A_107] : memref<125x80xi32, #tpu.memory_space<vmem>> -> memref<1x80xi32, #tpu.memory_space<vmem>>
    %dma_wait3A_109 = tpu.memref_squeeze %dma_wait3A_108 : memref<1x80xi32, #tpu.memory_space<vmem>> -> memref<80xi32, #tpu.memory_space<vmem>>
    %dma_wait3A_110 = arith.constant 0 : i32
    %dma_wait3A_111 = arith.constant 0 : i32
    %dma_wait3A_112 = tpu.memref_slice %arg9[%dma_wait3A_110, %dma_wait3A_111] : memref<10000x64xf32, #tpu.memory_space<vmem_shared>> -> memref<10000x64xf32, #tpu.memory_space<vmem_shared>>
    %dma_wait3A_113 = tpu.memref_slice %arg11[%dma_wait3A_98] : memref<5x!tpu.dma_semaphore, #tpu.memory_space<semaphore_mem>> -> memref<1x!tpu.dma_semaphore, #tpu.memory_space<semaphore_mem>>
    %dma_wait3A_114 = tpu.memref_squeeze %dma_wait3A_113 : memref<1x!tpu.dma_semaphore, #tpu.memory_space<semaphore_mem>> -> memref<!tpu.dma_semaphore, #tpu.memory_space<semaphore_mem>>
    tpu.wait_indirect_dma semaphore(%dma_wait3A_114 : memref<!tpu.dma_semaphore, #tpu.memory_space<semaphore_mem>>) src(%dma_wait3A_102 : memref<80x64xf32, #tpu.memory_space<vmem>>) dst(%dma_wait3A_112 : memref<10000x64xf32, #tpu.memory_space<vmem_shared>>)
    %barrier3A_115 = arith.constant 0 : index
    tpu.barrier barrier_id(%barrier3A_115)
    %mul3A_116 = arith.constant 624 : i32
    %mul3A_117 = arith.muli %arg1, %mul3A_116 : i32
    %mul3A_118 = arith.constant 624 : i32
    %mul3A_119 = arith.muli %arg1, %mul3A_118 : i32
    "tpu.region"() ({
      %run_scoped3A_125 = tpu.sem_alloc : memref<!tpu.dma_semaphore, #tpu.memory_space<semaphore_mem>>
      %dma_start3A = arith.constant 0 : i32
      %dma_start3A_126 = arith.constant 0 : i32
      %dma_start3A_127 = tpu.memref_slice %arg5[%arg0, %dma_start3A, %dma_start3A_126] : memref<2x10000x64xf32, #tpu.memory_space<hbm>> -> memref<1x10000x64xf32, #tpu.memory_space<hbm>>
      %dma_start3A_128 = tpu.memref_squeeze %dma_start3A_127 : memref<1x10000x64xf32, #tpu.memory_space<hbm>> -> memref<10000x64xf32, #tpu.memory_space<hbm>>
      %dma_start3A_129 = arith.constant 0 : i32
      %dma_start3A_130 = tpu.memref_slice %dma_start3A_128[%mul3A_119, %dma_start3A_129] : memref<10000x64xf32, #tpu.memory_space<hbm>> -> memref<624x64xf32, #tpu.memory_space<hbm>>
      %dma_start3A_131 = arith.constant 0 : i32
      %dma_start3A_132 = tpu.memref_slice %arg9[%mul3A_117, %dma_start3A_131] : memref<10000x64xf32, #tpu.memory_space<vmem_shared>> -> memref<624x64xf32, #tpu.memory_space<vmem_shared>>
      tpu.enqueue_dma source(%dma_start3A_132 : memref<624x64xf32, #tpu.memory_space<vmem_shared>>) target(%dma_start3A_130 : memref<624x64xf32, #tpu.memory_space<hbm>>) target_semaphore(%run_scoped3A_125 : memref<!tpu.dma_semaphore, #tpu.memory_space<semaphore_mem>>)
      %dma_wait3A_133 = arith.constant 0 : i32
      %dma_wait3A_134 = arith.constant 0 : i32
      %dma_wait3A_135 = tpu.memref_slice %arg5[%arg0, %dma_wait3A_133, %dma_wait3A_134] : memref<2x10000x64xf32, #tpu.memory_space<hbm>> -> memref<1x10000x64xf32, #tpu.memory_space<hbm>>
      %dma_wait3A_136 = tpu.memref_squeeze %dma_wait3A_135 : memref<1x10000x64xf32, #tpu.memory_space<hbm>> -> memref<10000x64xf32, #tpu.memory_space<hbm>>
      %dma_wait3A_137 = arith.constant 0 : i32
      %dma_wait3A_138 = tpu.memref_slice %dma_wait3A_136[%mul3A_119, %dma_wait3A_137] : memref<10000x64xf32, #tpu.memory_space<hbm>> -> memref<624x64xf32, #tpu.memory_space<hbm>>
      %dma_wait3A_139 = arith.constant 0 : i32
      %dma_wait3A_140 = tpu.memref_slice %arg9[%mul3A_117, %dma_wait3A_139] : memref<10000x64xf32, #tpu.memory_space<vmem_shared>> -> memref<624x64xf32, #tpu.memory_space<vmem_shared>>
      tpu.wait_dma2 semaphore(%run_scoped3A_125 : memref<!tpu.dma_semaphore, #tpu.memory_space<semaphore_mem>>) src(%dma_wait3A_140 : memref<624x64xf32, #tpu.memory_space<vmem_shared>>) dst(%dma_wait3A_138 : memref<624x64xf32, #tpu.memory_space<hbm>>)
      tpu.yield
    }) : () -> ()
    %eq3A_120 = arith.constant 15 : i32
    %eq3A_121 = arith.cmpi eq, %arg1, %eq3A_120 : i32
    %convert_element_type3A_122 = arith.extui %eq3A_121 : i1 to i32
    %cond3A_123 = arith.constant 0 : i32
    %cond3A_124 = arith.cmpi ne, %convert_element_type3A_122, %cond3A_123 : i32
    scf.if %cond3A_124 {
      "tpu.region"() ({
        %run_scoped3A_125 = tpu.sem_alloc : memref<!tpu.dma_semaphore, #tpu.memory_space<semaphore_mem>>
        %dma_start3A = arith.constant 0 : i32
        %dma_start3A_126 = arith.constant 0 : i32
        %dma_start3A_127 = tpu.memref_slice %arg5[%arg0, %dma_start3A, %dma_start3A_126] : memref<2x10000x64xf32, #tpu.memory_space<hbm>> -> memref<1x10000x64xf32, #tpu.memory_space<hbm>>
        %dma_start3A_128 = tpu.memref_squeeze %dma_start3A_127 : memref<1x10000x64xf32, #tpu.memory_space<hbm>> -> memref<10000x64xf32, #tpu.memory_space<hbm>>
        %dma_start3A_129 = arith.constant 9984 : i32
        %dma_start3A_130 = arith.constant 0 : i32
        %dma_start3A_131 = tpu.memref_slice %dma_start3A_128[%dma_start3A_129, %dma_start3A_130] : memref<10000x64xf32, #tpu.memory_space<hbm>> -> memref<16x64xf32, #tpu.memory_space<hbm>>
        %dma_start3A_132 = arith.constant 9984 : i32
        %dma_start3A_133 = arith.constant 0 : i32
        %dma_start3A_134 = tpu.memref_slice %arg9[%dma_start3A_132, %dma_start3A_133] : memref<10000x64xf32, #tpu.memory_space<vmem_shared>> -> memref<16x64xf32, #tpu.memory_space<vmem_shared>>
        tpu.enqueue_dma source(%dma_start3A_134 : memref<16x64xf32, #tpu.memory_space<vmem_shared>>) target(%dma_start3A_131 : memref<16x64xf32, #tpu.memory_space<hbm>>) target_semaphore(%run_scoped3A_125 : memref<!tpu.dma_semaphore, #tpu.memory_space<semaphore_mem>>)
        %dma_wait3A_135 = arith.constant 0 : i32
        %dma_wait3A_136 = arith.constant 0 : i32
        %dma_wait3A_137 = tpu.memref_slice %arg5[%arg0, %dma_wait3A_135, %dma_wait3A_136] : memref<2x10000x64xf32, #tpu.memory_space<hbm>> -> memref<1x10000x64xf32, #tpu.memory_space<hbm>>
        %dma_wait3A_138 = tpu.memref_squeeze %dma_wait3A_137 : memref<1x10000x64xf32, #tpu.memory_space<hbm>> -> memref<10000x64xf32, #tpu.memory_space<hbm>>
        %dma_wait3A_139 = arith.constant 9984 : i32
        %dma_wait3A_140 = arith.constant 0 : i32
        %dma_wait3A_141 = tpu.memref_slice %dma_wait3A_138[%dma_wait3A_139, %dma_wait3A_140] : memref<10000x64xf32, #tpu.memory_space<hbm>> -> memref<16x64xf32, #tpu.memory_space<hbm>>
        %dma_wait3A_142 = arith.constant 9984 : i32
        %dma_wait3A_143 = arith.constant 0 : i32
        %dma_wait3A_144 = tpu.memref_slice %arg9[%dma_wait3A_142, %dma_wait3A_143] : memref<10000x64xf32, #tpu.memory_space<vmem_shared>> -> memref<16x64xf32, #tpu.memory_space<vmem_shared>>
        tpu.wait_dma2 semaphore(%run_scoped3A_125 : memref<!tpu.dma_semaphore, #tpu.memory_space<semaphore_mem>>) src(%dma_wait3A_144 : memref<16x64xf32, #tpu.memory_space<vmem_shared>>) dst(%dma_wait3A_141 : memref<16x64xf32, #tpu.memory_space<hbm>>)
        tpu.yield
      }) : () -> ()
    } else {
    }
    return
  }
}

#map = affine_map<(d0, d1) -> (0, 0, 0)>
#map1 = affine_map<(d0, d1) -> (0, 0)>
module attributes {stable_mosaic.version = 14 : i64} {
  func.func @deg_kernel(%arg0: i32, %arg1: i32, %arg2: memref<2x4000x80xi32, #tpu.memory_space<hbm>>, %arg3: memref<10000x16xf32, #tpu.memory_space<hbm>>, %arg4: memref<80x16xf32, #tpu.memory_space<hbm>>, %arg5: memref<2x10000x16xf32, #tpu.memory_space<hbm>>, %arg6: memref<125x80xi32, #tpu.memory_space<vmem>>, %arg7: memref<80x16xf32, #tpu.memory_space<vmem>>, %arg8: memref<10000x16xf32, #tpu.memory_space<vmem_shared>>, %arg9: memref<!tpu.dma_semaphore, #tpu.memory_space<semaphore_mem>>) attributes {dimension_semantics = [#tpu.dimension_semantics<core_parallel>, #tpu.dimension_semantics<subcore_parallel>], iteration_bounds = array<i64: 2, 16>, scalar_prefetch = 0 : i64, scratch_operands = 4 : i64, tpu.core_type = #tpu.core_type<sc_vector_subcore>, window_params = [{transform_indices = #map}, {transform_indices = #map1}, {transform_indices = #map1}, {transform_indices = #map}]} {
    %mul3A = arith.constant 16 : i32
    %mul3A_0 = arith.muli %arg0, %mul3A : i32
    %add3A = arith.addi %mul3A_0, %arg1 : i32
    "tpu.region"() ({
      %run_scoped3A_23 = tpu.sem_alloc : memref<!tpu.dma_semaphore, #tpu.memory_space<semaphore_mem>>
      tpu.enqueue_dma source(%arg4 : memref<80x16xf32, #tpu.memory_space<hbm>>) target(%arg7 : memref<80x16xf32, #tpu.memory_space<vmem>>) target_semaphore(%run_scoped3A_23 : memref<!tpu.dma_semaphore, #tpu.memory_space<semaphore_mem>>)
      tpu.wait_dma2 semaphore(%run_scoped3A_23 : memref<!tpu.dma_semaphore, #tpu.memory_space<semaphore_mem>>) src(%arg4 : memref<80x16xf32, #tpu.memory_space<hbm>>) dst(%arg7 : memref<80x16xf32, #tpu.memory_space<vmem>>)
      tpu.yield
    }) : () -> ()
    %mul3A_1 = arith.constant 125 : i32
    %mul3A_2 = arith.muli %add3A, %mul3A_1 : i32
    %run_scoped3A = arith.constant 1 : i32
    "tpu.region"() ({
      %run_scoped3A_23 = tpu.sem_alloc : memref<!tpu.dma_semaphore, #tpu.memory_space<semaphore_mem>>
      %dma_start3A = arith.constant 0 : i32
      %dma_start3A_24 = arith.constant 0 : i32
      %dma_start3A_25 = tpu.memref_slice %arg2[%run_scoped3A, %dma_start3A, %dma_start3A_24] : memref<2x4000x80xi32, #tpu.memory_space<hbm>> -> memref<1x4000x80xi32, #tpu.memory_space<hbm>>
      %dma_start3A_26 = tpu.memref_squeeze %dma_start3A_25 : memref<1x4000x80xi32, #tpu.memory_space<hbm>> -> memref<4000x80xi32, #tpu.memory_space<hbm>>
      %dma_start3A_27 = arith.constant 0 : i32
      %dma_start3A_28 = tpu.memref_slice %dma_start3A_26[%mul3A_2, %dma_start3A_27] : memref<4000x80xi32, #tpu.memory_space<hbm>> -> memref<125x80xi32, #tpu.memory_space<hbm>>
      %dma_start3A_29 = arith.constant 0 : i32
      %dma_start3A_30 = arith.constant 0 : i32
      %dma_start3A_31 = tpu.memref_slice %arg2[%run_scoped3A, %dma_start3A_29, %dma_start3A_30] : memref<2x4000x80xi32, #tpu.memory_space<hbm>> -> memref<1x4000x80xi32, #tpu.memory_space<hbm>>
      %dma_start3A_32 = tpu.memref_squeeze %dma_start3A_31 : memref<1x4000x80xi32, #tpu.memory_space<hbm>> -> memref<4000x80xi32, #tpu.memory_space<hbm>>
      %dma_start3A_33 = arith.constant 0 : i32
      %dma_start3A_34 = tpu.memref_slice %dma_start3A_32[%mul3A_2, %dma_start3A_33] : memref<4000x80xi32, #tpu.memory_space<hbm>> -> memref<125x80xi32, #tpu.memory_space<hbm>>
      tpu.enqueue_dma source(%dma_start3A_34 : memref<125x80xi32, #tpu.memory_space<hbm>>) target(%arg6 : memref<125x80xi32, #tpu.memory_space<vmem>>) target_semaphore(%run_scoped3A_23 : memref<!tpu.dma_semaphore, #tpu.memory_space<semaphore_mem>>)
      %dma_wait3A = arith.constant 0 : i32
      %dma_wait3A_35 = arith.constant 0 : i32
      %dma_wait3A_36 = tpu.memref_slice %arg2[%run_scoped3A, %dma_wait3A, %dma_wait3A_35] : memref<2x4000x80xi32, #tpu.memory_space<hbm>> -> memref<1x4000x80xi32, #tpu.memory_space<hbm>>
      %dma_wait3A_37 = tpu.memref_squeeze %dma_wait3A_36 : memref<1x4000x80xi32, #tpu.memory_space<hbm>> -> memref<4000x80xi32, #tpu.memory_space<hbm>>
      %dma_wait3A_38 = arith.constant 0 : i32
      %dma_wait3A_39 = tpu.memref_slice %dma_wait3A_37[%mul3A_2, %dma_wait3A_38] : memref<4000x80xi32, #tpu.memory_space<hbm>> -> memref<125x80xi32, #tpu.memory_space<hbm>>
      %dma_wait3A_40 = arith.constant 0 : i32
      %dma_wait3A_41 = arith.constant 0 : i32
      %dma_wait3A_42 = tpu.memref_slice %arg2[%run_scoped3A, %dma_wait3A_40, %dma_wait3A_41] : memref<2x4000x80xi32, #tpu.memory_space<hbm>> -> memref<1x4000x80xi32, #tpu.memory_space<hbm>>
      %dma_wait3A_43 = tpu.memref_squeeze %dma_wait3A_42 : memref<1x4000x80xi32, #tpu.memory_space<hbm>> -> memref<4000x80xi32, #tpu.memory_space<hbm>>
      %dma_wait3A_44 = arith.constant 0 : i32
      %dma_wait3A_45 = tpu.memref_slice %dma_wait3A_43[%mul3A_2, %dma_wait3A_44] : memref<4000x80xi32, #tpu.memory_space<hbm>> -> memref<125x80xi32, #tpu.memory_space<hbm>>
      tpu.wait_dma2 semaphore(%run_scoped3A_23 : memref<!tpu.dma_semaphore, #tpu.memory_space<semaphore_mem>>) src(%dma_wait3A_45 : memref<125x80xi32, #tpu.memory_space<hbm>>) dst(%arg6 : memref<125x80xi32, #tpu.memory_space<vmem>>)
      tpu.yield
    }) : () -> ()
    %mul3A_3 = arith.constant 624 : i32
    %mul3A_4 = arith.muli %arg1, %mul3A_3 : i32
    %mul3A_5 = arith.constant 624 : i32
    %mul3A_6 = arith.muli %arg1, %mul3A_5 : i32
    "tpu.region"() ({
      %run_scoped3A_23 = tpu.sem_alloc : memref<!tpu.dma_semaphore, #tpu.memory_space<semaphore_mem>>
      %dma_start3A = arith.constant 0 : i32
      %dma_start3A_24 = tpu.memref_slice %arg8[%mul3A_6, %dma_start3A] : memref<10000x16xf32, #tpu.memory_space<vmem_shared>> -> memref<624x16xf32, #tpu.memory_space<vmem_shared>>
      %dma_start3A_25 = arith.constant 0 : i32
      %dma_start3A_26 = tpu.memref_slice %arg3[%mul3A_4, %dma_start3A_25] : memref<10000x16xf32, #tpu.memory_space<hbm>> -> memref<624x16xf32, #tpu.memory_space<hbm>>
      tpu.enqueue_dma source(%dma_start3A_26 : memref<624x16xf32, #tpu.memory_space<hbm>>) target(%dma_start3A_24 : memref<624x16xf32, #tpu.memory_space<vmem_shared>>) target_semaphore(%run_scoped3A_23 : memref<!tpu.dma_semaphore, #tpu.memory_space<semaphore_mem>>)
      %dma_wait3A = arith.constant 0 : i32
      %dma_wait3A_27 = tpu.memref_slice %arg8[%mul3A_6, %dma_wait3A] : memref<10000x16xf32, #tpu.memory_space<vmem_shared>> -> memref<624x16xf32, #tpu.memory_space<vmem_shared>>
      %dma_wait3A_28 = arith.constant 0 : i32
      %dma_wait3A_29 = tpu.memref_slice %arg3[%mul3A_4, %dma_wait3A_28] : memref<10000x16xf32, #tpu.memory_space<hbm>> -> memref<624x16xf32, #tpu.memory_space<hbm>>
      tpu.wait_dma2 semaphore(%run_scoped3A_23 : memref<!tpu.dma_semaphore, #tpu.memory_space<semaphore_mem>>) src(%dma_wait3A_29 : memref<624x16xf32, #tpu.memory_space<hbm>>) dst(%dma_wait3A_27 : memref<624x16xf32, #tpu.memory_space<vmem_shared>>)
      tpu.yield
    }) : () -> ()
    %eq3A = arith.constant 15 : i32
    %eq3A_7 = arith.cmpi eq, %arg1, %eq3A : i32
    %convert_element_type3A = arith.extui %eq3A_7 : i1 to i32
    %cond3A = arith.constant 0 : i32
    %cond3A_8 = arith.cmpi ne, %convert_element_type3A, %cond3A : i32
    scf.if %cond3A_8 {
      "tpu.region"() ({
        %run_scoped3A_23 = tpu.sem_alloc : memref<!tpu.dma_semaphore, #tpu.memory_space<semaphore_mem>>
        %dma_start3A = arith.constant 9984 : i32
        %dma_start3A_24 = arith.constant 0 : i32
        %dma_start3A_25 = tpu.memref_slice %arg8[%dma_start3A, %dma_start3A_24] : memref<10000x16xf32, #tpu.memory_space<vmem_shared>> -> memref<16x16xf32, #tpu.memory_space<vmem_shared>>
        %dma_start3A_26 = arith.constant 9984 : i32
        %dma_start3A_27 = arith.constant 0 : i32
        %dma_start3A_28 = tpu.memref_slice %arg3[%dma_start3A_26, %dma_start3A_27] : memref<10000x16xf32, #tpu.memory_space<hbm>> -> memref<16x16xf32, #tpu.memory_space<hbm>>
        tpu.enqueue_dma source(%dma_start3A_28 : memref<16x16xf32, #tpu.memory_space<hbm>>) target(%dma_start3A_25 : memref<16x16xf32, #tpu.memory_space<vmem_shared>>) target_semaphore(%run_scoped3A_23 : memref<!tpu.dma_semaphore, #tpu.memory_space<semaphore_mem>>)
        %dma_wait3A = arith.constant 9984 : i32
        %dma_wait3A_29 = arith.constant 0 : i32
        %dma_wait3A_30 = tpu.memref_slice %arg8[%dma_wait3A, %dma_wait3A_29] : memref<10000x16xf32, #tpu.memory_space<vmem_shared>> -> memref<16x16xf32, #tpu.memory_space<vmem_shared>>
        %dma_wait3A_31 = arith.constant 9984 : i32
        %dma_wait3A_32 = arith.constant 0 : i32
        %dma_wait3A_33 = tpu.memref_slice %arg3[%dma_wait3A_31, %dma_wait3A_32] : memref<10000x16xf32, #tpu.memory_space<hbm>> -> memref<16x16xf32, #tpu.memory_space<hbm>>
        tpu.wait_dma2 semaphore(%run_scoped3A_23 : memref<!tpu.dma_semaphore, #tpu.memory_space<semaphore_mem>>) src(%dma_wait3A_33 : memref<16x16xf32, #tpu.memory_space<hbm>>) dst(%dma_wait3A_30 : memref<16x16xf32, #tpu.memory_space<vmem_shared>>)
        tpu.yield
      }) : () -> ()
    } else {
    }
    %barrier3A = arith.constant 0 : index
    tpu.barrier barrier_id(%barrier3A)
    %scan3A = arith.constant 0 : i32
    %scan3A_9 = arith.constant 25 : i32
    %scan3A_10 = arith.addi %scan3A, %scan3A_9 : i32
    %scan3A_11 = arith.constant 1 : i32
    scf.for %scan3A_23 = %scan3A to %scan3A_10 step %scan3A_11  : i32 {
      %mul3A_24 = arith.constant 5 : i32
      %mul3A_25 = arith.muli %scan3A_23, %mul3A_24 : i32
      %add3A_26 = arith.constant 0 : i32
      %add3A_27 = arith.addi %add3A_26, %mul3A_25 : i32
      %add3A_28 = arith.constant 0 : i32
      %add3A_29 = arith.addi %add3A_27, %add3A_28 : i32
      %dma_start3A = arith.constant 0 : i32
      %dma_start3A_30 = tpu.memref_slice %arg6[%add3A_29, %dma_start3A] : memref<125x80xi32, #tpu.memory_space<vmem>> -> memref<1x80xi32, #tpu.memory_space<vmem>>
      %dma_start3A_31 = tpu.memref_squeeze %dma_start3A_30 : memref<1x80xi32, #tpu.memory_space<vmem>> -> memref<80xi32, #tpu.memory_space<vmem>>
      %dma_start3A_32 = arith.constant 0 : i32
      %dma_start3A_33 = arith.constant 0 : i32
      %dma_start3A_34 = tpu.memref_slice %arg8[%dma_start3A_32, %dma_start3A_33] : memref<10000x16xf32, #tpu.memory_space<vmem_shared>> -> memref<10000x16xf32, #tpu.memory_space<vmem_shared>>
      tpu.enqueue_indirect_dma source(%arg7 : memref<80x16xf32, #tpu.memory_space<vmem>>) target(%dma_start3A_34 : memref<10000x16xf32, #tpu.memory_space<vmem_shared>>) offsets(%dma_start3A_31 : memref<80xi32, #tpu.memory_space<vmem>>) semaphore(%arg9 : memref<!tpu.dma_semaphore, #tpu.memory_space<semaphore_mem>>) {add = true}
      %add3A_35 = arith.constant 1 : i32
      %add3A_36 = arith.addi %add3A_27, %add3A_35 : i32
      %dma_start3A_37 = arith.constant 0 : i32
      %dma_start3A_38 = tpu.memref_slice %arg6[%add3A_36, %dma_start3A_37] : memref<125x80xi32, #tpu.memory_space<vmem>> -> memref<1x80xi32, #tpu.memory_space<vmem>>
      %dma_start3A_39 = tpu.memref_squeeze %dma_start3A_38 : memref<1x80xi32, #tpu.memory_space<vmem>> -> memref<80xi32, #tpu.memory_space<vmem>>
      %dma_start3A_40 = arith.constant 0 : i32
      %dma_start3A_41 = arith.constant 0 : i32
      %dma_start3A_42 = tpu.memref_slice %arg8[%dma_start3A_40, %dma_start3A_41] : memref<10000x16xf32, #tpu.memory_space<vmem_shared>> -> memref<10000x16xf32, #tpu.memory_space<vmem_shared>>
      tpu.enqueue_indirect_dma source(%arg7 : memref<80x16xf32, #tpu.memory_space<vmem>>) target(%dma_start3A_42 : memref<10000x16xf32, #tpu.memory_space<vmem_shared>>) offsets(%dma_start3A_39 : memref<80xi32, #tpu.memory_space<vmem>>) semaphore(%arg9 : memref<!tpu.dma_semaphore, #tpu.memory_space<semaphore_mem>>) {add = true}
      %add3A_43 = arith.constant 2 : i32
      %add3A_44 = arith.addi %add3A_27, %add3A_43 : i32
      %dma_start3A_45 = arith.constant 0 : i32
      %dma_start3A_46 = tpu.memref_slice %arg6[%add3A_44, %dma_start3A_45] : memref<125x80xi32, #tpu.memory_space<vmem>> -> memref<1x80xi32, #tpu.memory_space<vmem>>
      %dma_start3A_47 = tpu.memref_squeeze %dma_start3A_46 : memref<1x80xi32, #tpu.memory_space<vmem>> -> memref<80xi32, #tpu.memory_space<vmem>>
      %dma_start3A_48 = arith.constant 0 : i32
      %dma_start3A_49 = arith.constant 0 : i32
      %dma_start3A_50 = tpu.memref_slice %arg8[%dma_start3A_48, %dma_start3A_49] : memref<10000x16xf32, #tpu.memory_space<vmem_shared>> -> memref<10000x16xf32, #tpu.memory_space<vmem_shared>>
      tpu.enqueue_indirect_dma source(%arg7 : memref<80x16xf32, #tpu.memory_space<vmem>>) target(%dma_start3A_50 : memref<10000x16xf32, #tpu.memory_space<vmem_shared>>) offsets(%dma_start3A_47 : memref<80xi32, #tpu.memory_space<vmem>>) semaphore(%arg9 : memref<!tpu.dma_semaphore, #tpu.memory_space<semaphore_mem>>) {add = true}
      %add3A_51 = arith.constant 3 : i32
      %add3A_52 = arith.addi %add3A_27, %add3A_51 : i32
      %dma_start3A_53 = arith.constant 0 : i32
      %dma_start3A_54 = tpu.memref_slice %arg6[%add3A_52, %dma_start3A_53] : memref<125x80xi32, #tpu.memory_space<vmem>> -> memref<1x80xi32, #tpu.memory_space<vmem>>
      %dma_start3A_55 = tpu.memref_squeeze %dma_start3A_54 : memref<1x80xi32, #tpu.memory_space<vmem>> -> memref<80xi32, #tpu.memory_space<vmem>>
      %dma_start3A_56 = arith.constant 0 : i32
      %dma_start3A_57 = arith.constant 0 : i32
      %dma_start3A_58 = tpu.memref_slice %arg8[%dma_start3A_56, %dma_start3A_57] : memref<10000x16xf32, #tpu.memory_space<vmem_shared>> -> memref<10000x16xf32, #tpu.memory_space<vmem_shared>>
      tpu.enqueue_indirect_dma source(%arg7 : memref<80x16xf32, #tpu.memory_space<vmem>>) target(%dma_start3A_58 : memref<10000x16xf32, #tpu.memory_space<vmem_shared>>) offsets(%dma_start3A_55 : memref<80xi32, #tpu.memory_space<vmem>>) semaphore(%arg9 : memref<!tpu.dma_semaphore, #tpu.memory_space<semaphore_mem>>) {add = true}
      %add3A_59 = arith.constant 4 : i32
      %add3A_60 = arith.addi %add3A_27, %add3A_59 : i32
      %dma_start3A_61 = arith.constant 0 : i32
      %dma_start3A_62 = tpu.memref_slice %arg6[%add3A_60, %dma_start3A_61] : memref<125x80xi32, #tpu.memory_space<vmem>> -> memref<1x80xi32, #tpu.memory_space<vmem>>
      %dma_start3A_63 = tpu.memref_squeeze %dma_start3A_62 : memref<1x80xi32, #tpu.memory_space<vmem>> -> memref<80xi32, #tpu.memory_space<vmem>>
      %dma_start3A_64 = arith.constant 0 : i32
      %dma_start3A_65 = arith.constant 0 : i32
      %dma_start3A_66 = tpu.memref_slice %arg8[%dma_start3A_64, %dma_start3A_65] : memref<10000x16xf32, #tpu.memory_space<vmem_shared>> -> memref<10000x16xf32, #tpu.memory_space<vmem_shared>>
      tpu.enqueue_indirect_dma source(%arg7 : memref<80x16xf32, #tpu.memory_space<vmem>>) target(%dma_start3A_66 : memref<10000x16xf32, #tpu.memory_space<vmem_shared>>) offsets(%dma_start3A_63 : memref<80xi32, #tpu.memory_space<vmem>>) semaphore(%arg9 : memref<!tpu.dma_semaphore, #tpu.memory_space<semaphore_mem>>) {add = true}
      %dma_wait3A = arith.constant 0 : i32
      %dma_wait3A_67 = arith.constant 0 : i32
      %dma_wait3A_68 = tpu.memref_slice %arg6[%dma_wait3A, %dma_wait3A_67] : memref<125x80xi32, #tpu.memory_space<vmem>> -> memref<1x80xi32, #tpu.memory_space<vmem>>
      %dma_wait3A_69 = tpu.memref_squeeze %dma_wait3A_68 : memref<1x80xi32, #tpu.memory_space<vmem>> -> memref<80xi32, #tpu.memory_space<vmem>>
      %dma_wait3A_70 = arith.constant 0 : i32
      %dma_wait3A_71 = arith.constant 0 : i32
      %dma_wait3A_72 = tpu.memref_slice %arg8[%dma_wait3A_70, %dma_wait3A_71] : memref<10000x16xf32, #tpu.memory_space<vmem_shared>> -> memref<10000x16xf32, #tpu.memory_space<vmem_shared>>
      tpu.wait_indirect_dma semaphore(%arg9 : memref<!tpu.dma_semaphore, #tpu.memory_space<semaphore_mem>>) src(%arg7 : memref<80x16xf32, #tpu.memory_space<vmem>>) dst(%dma_wait3A_72 : memref<10000x16xf32, #tpu.memory_space<vmem_shared>>)
      %dma_wait3A_73 = arith.constant 0 : i32
      %dma_wait3A_74 = arith.constant 0 : i32
      %dma_wait3A_75 = tpu.memref_slice %arg6[%dma_wait3A_73, %dma_wait3A_74] : memref<125x80xi32, #tpu.memory_space<vmem>> -> memref<1x80xi32, #tpu.memory_space<vmem>>
      %dma_wait3A_76 = tpu.memref_squeeze %dma_wait3A_75 : memref<1x80xi32, #tpu.memory_space<vmem>> -> memref<80xi32, #tpu.memory_space<vmem>>
      %dma_wait3A_77 = arith.constant 0 : i32
      %dma_wait3A_78 = arith.constant 0 : i32
      %dma_wait3A_79 = tpu.memref_slice %arg8[%dma_wait3A_77, %dma_wait3A_78] : memref<10000x16xf32, #tpu.memory_space<vmem_shared>> -> memref<10000x16xf32, #tpu.memory_space<vmem_shared>>
      tpu.wait_indirect_dma semaphore(%arg9 : memref<!tpu.dma_semaphore, #tpu.memory_space<semaphore_mem>>) src(%arg7 : memref<80x16xf32, #tpu.memory_space<vmem>>) dst(%dma_wait3A_79 : memref<10000x16xf32, #tpu.memory_space<vmem_shared>>)
      %dma_wait3A_80 = arith.constant 0 : i32
      %dma_wait3A_81 = arith.constant 0 : i32
      %dma_wait3A_82 = tpu.memref_slice %arg6[%dma_wait3A_80, %dma_wait3A_81] : memref<125x80xi32, #tpu.memory_space<vmem>> -> memref<1x80xi32, #tpu.memory_space<vmem>>
      %dma_wait3A_83 = tpu.memref_squeeze %dma_wait3A_82 : memref<1x80xi32, #tpu.memory_space<vmem>> -> memref<80xi32, #tpu.memory_space<vmem>>
      %dma_wait3A_84 = arith.constant 0 : i32
      %dma_wait3A_85 = arith.constant 0 : i32
      %dma_wait3A_86 = tpu.memref_slice %arg8[%dma_wait3A_84, %dma_wait3A_85] : memref<10000x16xf32, #tpu.memory_space<vmem_shared>> -> memref<10000x16xf32, #tpu.memory_space<vmem_shared>>
      tpu.wait_indirect_dma semaphore(%arg9 : memref<!tpu.dma_semaphore, #tpu.memory_space<semaphore_mem>>) src(%arg7 : memref<80x16xf32, #tpu.memory_space<vmem>>) dst(%dma_wait3A_86 : memref<10000x16xf32, #tpu.memory_space<vmem_shared>>)
      %dma_wait3A_87 = arith.constant 0 : i32
      %dma_wait3A_88 = arith.constant 0 : i32
      %dma_wait3A_89 = tpu.memref_slice %arg6[%dma_wait3A_87, %dma_wait3A_88] : memref<125x80xi32, #tpu.memory_space<vmem>> -> memref<1x80xi32, #tpu.memory_space<vmem>>
      %dma_wait3A_90 = tpu.memref_squeeze %dma_wait3A_89 : memref<1x80xi32, #tpu.memory_space<vmem>> -> memref<80xi32, #tpu.memory_space<vmem>>
      %dma_wait3A_91 = arith.constant 0 : i32
      %dma_wait3A_92 = arith.constant 0 : i32
      %dma_wait3A_93 = tpu.memref_slice %arg8[%dma_wait3A_91, %dma_wait3A_92] : memref<10000x16xf32, #tpu.memory_space<vmem_shared>> -> memref<10000x16xf32, #tpu.memory_space<vmem_shared>>
      tpu.wait_indirect_dma semaphore(%arg9 : memref<!tpu.dma_semaphore, #tpu.memory_space<semaphore_mem>>) src(%arg7 : memref<80x16xf32, #tpu.memory_space<vmem>>) dst(%dma_wait3A_93 : memref<10000x16xf32, #tpu.memory_space<vmem_shared>>)
      %dma_wait3A_94 = arith.constant 0 : i32
      %dma_wait3A_95 = arith.constant 0 : i32
      %dma_wait3A_96 = tpu.memref_slice %arg6[%dma_wait3A_94, %dma_wait3A_95] : memref<125x80xi32, #tpu.memory_space<vmem>> -> memref<1x80xi32, #tpu.memory_space<vmem>>
      %dma_wait3A_97 = tpu.memref_squeeze %dma_wait3A_96 : memref<1x80xi32, #tpu.memory_space<vmem>> -> memref<80xi32, #tpu.memory_space<vmem>>
      %dma_wait3A_98 = arith.constant 0 : i32
      %dma_wait3A_99 = arith.constant 0 : i32
      %dma_wait3A_100 = tpu.memref_slice %arg8[%dma_wait3A_98, %dma_wait3A_99] : memref<10000x16xf32, #tpu.memory_space<vmem_shared>> -> memref<10000x16xf32, #tpu.memory_space<vmem_shared>>
      tpu.wait_indirect_dma semaphore(%arg9 : memref<!tpu.dma_semaphore, #tpu.memory_space<semaphore_mem>>) src(%arg7 : memref<80x16xf32, #tpu.memory_space<vmem>>) dst(%dma_wait3A_100 : memref<10000x16xf32, #tpu.memory_space<vmem_shared>>)
    }
    %scan3A_12 = arith.constant 25 : i32
    %barrier3A_13 = arith.constant 0 : index
    tpu.barrier barrier_id(%barrier3A_13)
    %mul3A_14 = arith.constant 624 : i32
    %mul3A_15 = arith.muli %arg1, %mul3A_14 : i32
    %mul3A_16 = arith.constant 624 : i32
    %mul3A_17 = arith.muli %arg1, %mul3A_16 : i32
    "tpu.region"() ({
      %run_scoped3A_23 = tpu.sem_alloc : memref<!tpu.dma_semaphore, #tpu.memory_space<semaphore_mem>>
      %dma_start3A = arith.constant 0 : i32
      %dma_start3A_24 = arith.constant 0 : i32
      %dma_start3A_25 = tpu.memref_slice %arg5[%arg0, %dma_start3A, %dma_start3A_24] : memref<2x10000x16xf32, #tpu.memory_space<hbm>> -> memref<1x10000x16xf32, #tpu.memory_space<hbm>>
      %dma_start3A_26 = tpu.memref_squeeze %dma_start3A_25 : memref<1x10000x16xf32, #tpu.memory_space<hbm>> -> memref<10000x16xf32, #tpu.memory_space<hbm>>
      %dma_start3A_27 = arith.constant 0 : i32
      %dma_start3A_28 = tpu.memref_slice %dma_start3A_26[%mul3A_17, %dma_start3A_27] : memref<10000x16xf32, #tpu.memory_space<hbm>> -> memref<624x16xf32, #tpu.memory_space<hbm>>
      %dma_start3A_29 = arith.constant 0 : i32
      %dma_start3A_30 = tpu.memref_slice %arg8[%mul3A_15, %dma_start3A_29] : memref<10000x16xf32, #tpu.memory_space<vmem_shared>> -> memref<624x16xf32, #tpu.memory_space<vmem_shared>>
      tpu.enqueue_dma source(%dma_start3A_30 : memref<624x16xf32, #tpu.memory_space<vmem_shared>>) target(%dma_start3A_28 : memref<624x16xf32, #tpu.memory_space<hbm>>) target_semaphore(%run_scoped3A_23 : memref<!tpu.dma_semaphore, #tpu.memory_space<semaphore_mem>>)
      %dma_wait3A = arith.constant 0 : i32
      %dma_wait3A_31 = arith.constant 0 : i32
      %dma_wait3A_32 = tpu.memref_slice %arg5[%arg0, %dma_wait3A, %dma_wait3A_31] : memref<2x10000x16xf32, #tpu.memory_space<hbm>> -> memref<1x10000x16xf32, #tpu.memory_space<hbm>>
      %dma_wait3A_33 = tpu.memref_squeeze %dma_wait3A_32 : memref<1x10000x16xf32, #tpu.memory_space<hbm>> -> memref<10000x16xf32, #tpu.memory_space<hbm>>
      %dma_wait3A_34 = arith.constant 0 : i32
      %dma_wait3A_35 = tpu.memref_slice %dma_wait3A_33[%mul3A_17, %dma_wait3A_34] : memref<10000x16xf32, #tpu.memory_space<hbm>> -> memref<624x16xf32, #tpu.memory_space<hbm>>
      %dma_wait3A_36 = arith.constant 0 : i32
      %dma_wait3A_37 = tpu.memref_slice %arg8[%mul3A_15, %dma_wait3A_36] : memref<10000x16xf32, #tpu.memory_space<vmem_shared>> -> memref<624x16xf32, #tpu.memory_space<vmem_shared>>
      tpu.wait_dma2 semaphore(%run_scoped3A_23 : memref<!tpu.dma_semaphore, #tpu.memory_space<semaphore_mem>>) src(%dma_wait3A_37 : memref<624x16xf32, #tpu.memory_space<vmem_shared>>) dst(%dma_wait3A_35 : memref<624x16xf32, #tpu.memory_space<hbm>>)
      tpu.yield
    }) : () -> ()
    %eq3A_18 = arith.constant 15 : i32
    %eq3A_19 = arith.cmpi eq, %arg1, %eq3A_18 : i32
    %convert_element_type3A_20 = arith.extui %eq3A_19 : i1 to i32
    %cond3A_21 = arith.constant 0 : i32
    %cond3A_22 = arith.cmpi ne, %convert_element_type3A_20, %cond3A_21 : i32
    scf.if %cond3A_22 {
      "tpu.region"() ({
        %run_scoped3A_23 = tpu.sem_alloc : memref<!tpu.dma_semaphore, #tpu.memory_space<semaphore_mem>>
        %dma_start3A = arith.constant 0 : i32
        %dma_start3A_24 = arith.constant 0 : i32
        %dma_start3A_25 = tpu.memref_slice %arg5[%arg0, %dma_start3A, %dma_start3A_24] : memref<2x10000x16xf32, #tpu.memory_space<hbm>> -> memref<1x10000x16xf32, #tpu.memory_space<hbm>>
        %dma_start3A_26 = tpu.memref_squeeze %dma_start3A_25 : memref<1x10000x16xf32, #tpu.memory_space<hbm>> -> memref<10000x16xf32, #tpu.memory_space<hbm>>
        %dma_start3A_27 = arith.constant 9984 : i32
        %dma_start3A_28 = arith.constant 0 : i32
        %dma_start3A_29 = tpu.memref_slice %dma_start3A_26[%dma_start3A_27, %dma_start3A_28] : memref<10000x16xf32, #tpu.memory_space<hbm>> -> memref<16x16xf32, #tpu.memory_space<hbm>>
        %dma_start3A_30 = arith.constant 9984 : i32
        %dma_start3A_31 = arith.constant 0 : i32
        %dma_start3A_32 = tpu.memref_slice %arg8[%dma_start3A_30, %dma_start3A_31] : memref<10000x16xf32, #tpu.memory_space<vmem_shared>> -> memref<16x16xf32, #tpu.memory_space<vmem_shared>>
        tpu.enqueue_dma source(%dma_start3A_32 : memref<16x16xf32, #tpu.memory_space<vmem_shared>>) target(%dma_start3A_29 : memref<16x16xf32, #tpu.memory_space<hbm>>) target_semaphore(%run_scoped3A_23 : memref<!tpu.dma_semaphore, #tpu.memory_space<semaphore_mem>>)
        %dma_wait3A = arith.constant 0 : i32
        %dma_wait3A_33 = arith.constant 0 : i32
        %dma_wait3A_34 = tpu.memref_slice %arg5[%arg0, %dma_wait3A, %dma_wait3A_33] : memref<2x10000x16xf32, #tpu.memory_space<hbm>> -> memref<1x10000x16xf32, #tpu.memory_space<hbm>>
        %dma_wait3A_35 = tpu.memref_squeeze %dma_wait3A_34 : memref<1x10000x16xf32, #tpu.memory_space<hbm>> -> memref<10000x16xf32, #tpu.memory_space<hbm>>
        %dma_wait3A_36 = arith.constant 9984 : i32
        %dma_wait3A_37 = arith.constant 0 : i32
        %dma_wait3A_38 = tpu.memref_slice %dma_wait3A_35[%dma_wait3A_36, %dma_wait3A_37] : memref<10000x16xf32, #tpu.memory_space<hbm>> -> memref<16x16xf32, #tpu.memory_space<hbm>>
        %dma_wait3A_39 = arith.constant 9984 : i32
        %dma_wait3A_40 = arith.constant 0 : i32
        %dma_wait3A_41 = tpu.memref_slice %arg8[%dma_wait3A_39, %dma_wait3A_40] : memref<10000x16xf32, #tpu.memory_space<vmem_shared>> -> memref<16x16xf32, #tpu.memory_space<vmem_shared>>
        tpu.wait_dma2 semaphore(%run_scoped3A_23 : memref<!tpu.dma_semaphore, #tpu.memory_space<semaphore_mem>>) src(%dma_wait3A_41 : memref<16x16xf32, #tpu.memory_space<vmem_shared>>) dst(%dma_wait3A_38 : memref<16x16xf32, #tpu.memory_space<hbm>>)
        tpu.yield
      }) : () -> ()
    } else {
    }
    return
  }
}

#map = affine_map<(d0, d1) -> (0, 0)>
#map1 = affine_map<(d0, d1) -> (0, 0, 0)>
module attributes {stable_mosaic.version = 14 : i64} {
  func.func @agg_kernel(%arg0: i32, %arg1: i32, %arg2: memref<10000x128xf32, #tpu.memory_space<hbm>>, %arg3: memref<2x4000x80xi32, #tpu.memory_space<hbm>>, %arg4: memref<10000x128xf32, #tpu.memory_space<hbm>>, %arg5: memref<2x10000x128xf32, #tpu.memory_space<hbm>>, %arg6: memref<2x4x80xi32, #tpu.memory_space<vmem>>, %arg7: memref<2x4x80xi32, #tpu.memory_space<vmem>>, %arg8: memref<4x80x128xf32, #tpu.memory_space<vmem>>, %arg9: memref<10000x128xf32, #tpu.memory_space<vmem_shared>>, %arg10: memref<4x!tpu.dma_semaphore, #tpu.memory_space<semaphore_mem>>, %arg11: memref<4x!tpu.dma_semaphore, #tpu.memory_space<semaphore_mem>>, %arg12: memref<2x!tpu.dma_semaphore, #tpu.memory_space<semaphore_mem>>, %arg13: memref<2x!tpu.dma_semaphore, #tpu.memory_space<semaphore_mem>>) attributes {dimension_semantics = [#tpu.dimension_semantics<core_parallel>, #tpu.dimension_semantics<subcore_parallel>], iteration_bounds = array<i64: 2, 16>, scalar_prefetch = 0 : i64, scratch_operands = 8 : i64, tpu.core_type = #tpu.core_type<sc_vector_subcore>, window_params = [{transform_indices = #map}, {transform_indices = #map1}, {transform_indices = #map}, {transform_indices = #map1}]} {
    %mul3A = arith.constant 16 : i32
    %mul3A_0 = arith.muli %arg0, %mul3A : i32
    %add3A = arith.addi %mul3A_0, %arg1 : i32
    %mul3A_1 = arith.constant 125 : i32
    %mul3A_2 = arith.muli %add3A, %mul3A_1 : i32
    %run_scoped3A = arith.constant 0 : i32
    %run_scoped3A_3 = arith.constant 0 : i32
    "tpu.region"() ({
      %run_scoped3A_159 = tpu.sem_alloc : memref<!tpu.dma_semaphore, #tpu.memory_space<semaphore_mem>>
      %dma_start3A_160 = arith.constant 0 : i32
      %dma_start3A_161 = arith.constant 0 : i32
      %dma_start3A_162 = tpu.memref_slice %arg6[%run_scoped3A_3, %dma_start3A_160, %dma_start3A_161] : memref<2x4x80xi32, #tpu.memory_space<vmem>> -> memref<1x4x80xi32, #tpu.memory_space<vmem>>
      %dma_start3A_163 = tpu.memref_squeeze %dma_start3A_162 : memref<1x4x80xi32, #tpu.memory_space<vmem>> -> memref<4x80xi32, #tpu.memory_space<vmem>>
      %dma_start3A_164 = arith.constant 0 : i32
      %dma_start3A_165 = arith.constant 0 : i32
      %dma_start3A_166 = tpu.memref_slice %arg3[%run_scoped3A, %dma_start3A_164, %dma_start3A_165] : memref<2x4000x80xi32, #tpu.memory_space<hbm>> -> memref<1x4000x80xi32, #tpu.memory_space<hbm>>
      %dma_start3A_167 = tpu.memref_squeeze %dma_start3A_166 : memref<1x4000x80xi32, #tpu.memory_space<hbm>> -> memref<4000x80xi32, #tpu.memory_space<hbm>>
      %dma_start3A_168 = arith.constant 0 : i32
      %dma_start3A_169 = tpu.memref_slice %dma_start3A_167[%mul3A_2, %dma_start3A_168] : memref<4000x80xi32, #tpu.memory_space<hbm>> -> memref<4x80xi32, #tpu.memory_space<hbm>>
      %dma_start3A_170 = arith.constant 0 : i32
      %dma_start3A_171 = arith.constant 0 : i32
      %dma_start3A_172 = tpu.memref_slice %arg6[%run_scoped3A_3, %dma_start3A_170, %dma_start3A_171] : memref<2x4x80xi32, #tpu.memory_space<vmem>> -> memref<1x4x80xi32, #tpu.memory_space<vmem>>
      %dma_start3A_173 = tpu.memref_squeeze %dma_start3A_172 : memref<1x4x80xi32, #tpu.memory_space<vmem>> -> memref<4x80xi32, #tpu.memory_space<vmem>>
      %dma_start3A_174 = arith.constant 0 : i32
      %dma_start3A_175 = arith.constant 0 : i32
      %dma_start3A_176 = tpu.memref_slice %arg3[%run_scoped3A, %dma_start3A_174, %dma_start3A_175] : memref<2x4000x80xi32, #tpu.memory_space<hbm>> -> memref<1x4000x80xi32, #tpu.memory_space<hbm>>
      %dma_start3A_177 = tpu.memref_squeeze %dma_start3A_176 : memref<1x4000x80xi32, #tpu.memory_space<hbm>> -> memref<4000x80xi32, #tpu.memory_space<hbm>>
      %dma_start3A_178 = arith.constant 0 : i32
      %dma_start3A_179 = tpu.memref_slice %dma_start3A_177[%mul3A_2, %dma_start3A_178] : memref<4000x80xi32, #tpu.memory_space<hbm>> -> memref<4x80xi32, #tpu.memory_space<hbm>>
      tpu.enqueue_dma source(%dma_start3A_179 : memref<4x80xi32, #tpu.memory_space<hbm>>) target(%dma_start3A_173 : memref<4x80xi32, #tpu.memory_space<vmem>>) target_semaphore(%run_scoped3A_159 : memref<!tpu.dma_semaphore, #tpu.memory_space<semaphore_mem>>)
      %dma_wait3A_180 = arith.constant 0 : i32
      %dma_wait3A_181 = arith.constant 0 : i32
      %dma_wait3A_182 = tpu.memref_slice %arg6[%run_scoped3A_3, %dma_wait3A_180, %dma_wait3A_181] : memref<2x4x80xi32, #tpu.memory_space<vmem>> -> memref<1x4x80xi32, #tpu.memory_space<vmem>>
      %dma_wait3A_183 = tpu.memref_squeeze %dma_wait3A_182 : memref<1x4x80xi32, #tpu.memory_space<vmem>> -> memref<4x80xi32, #tpu.memory_space<vmem>>
      %dma_wait3A_184 = arith.constant 0 : i32
      %dma_wait3A_185 = arith.constant 0 : i32
      %dma_wait3A_186 = tpu.memref_slice %arg3[%run_scoped3A, %dma_wait3A_184, %dma_wait3A_185] : memref<2x4000x80xi32, #tpu.memory_space<hbm>> -> memref<1x4000x80xi32, #tpu.memory_space<hbm>>
      %dma_wait3A_187 = tpu.memref_squeeze %dma_wait3A_186 : memref<1x4000x80xi32, #tpu.memory_space<hbm>> -> memref<4000x80xi32, #tpu.memory_space<hbm>>
      %dma_wait3A_188 = arith.constant 0 : i32
      %dma_wait3A_189 = tpu.memref_slice %dma_wait3A_187[%mul3A_2, %dma_wait3A_188] : memref<4000x80xi32, #tpu.memory_space<hbm>> -> memref<4x80xi32, #tpu.memory_space<hbm>>
      %dma_wait3A_190 = arith.constant 0 : i32
      %dma_wait3A_191 = arith.constant 0 : i32
      %dma_wait3A_192 = tpu.memref_slice %arg6[%run_scoped3A_3, %dma_wait3A_190, %dma_wait3A_191] : memref<2x4x80xi32, #tpu.memory_space<vmem>> -> memref<1x4x80xi32, #tpu.memory_space<vmem>>
      %dma_wait3A_193 = tpu.memref_squeeze %dma_wait3A_192 : memref<1x4x80xi32, #tpu.memory_space<vmem>> -> memref<4x80xi32, #tpu.memory_space<vmem>>
      %dma_wait3A_194 = arith.constant 0 : i32
      %dma_wait3A_195 = arith.constant 0 : i32
      %dma_wait3A_196 = tpu.memref_slice %arg3[%run_scoped3A, %dma_wait3A_194, %dma_wait3A_195] : memref<2x4000x80xi32, #tpu.memory_space<hbm>> -> memref<1x4000x80xi32, #tpu.memory_space<hbm>>
      %dma_wait3A_197 = tpu.memref_squeeze %dma_wait3A_196 : memref<1x4000x80xi32, #tpu.memory_space<hbm>> -> memref<4000x80xi32, #tpu.memory_space<hbm>>
      %dma_wait3A_198 = arith.constant 0 : i32
      %dma_wait3A_199 = tpu.memref_slice %dma_wait3A_197[%mul3A_2, %dma_wait3A_198] : memref<4000x80xi32, #tpu.memory_space<hbm>> -> memref<4x80xi32, #tpu.memory_space<hbm>>
      tpu.wait_dma2 semaphore(%run_scoped3A_159 : memref<!tpu.dma_semaphore, #tpu.memory_space<semaphore_mem>>) src(%dma_wait3A_199 : memref<4x80xi32, #tpu.memory_space<hbm>>) dst(%dma_wait3A_193 : memref<4x80xi32, #tpu.memory_space<vmem>>)
      tpu.yield
    }) : () -> ()
    %run_scoped3A_4 = arith.constant 1 : i32
    %run_scoped3A_5 = arith.constant 0 : i32
    "tpu.region"() ({
      %run_scoped3A_159 = tpu.sem_alloc : memref<!tpu.dma_semaphore, #tpu.memory_space<semaphore_mem>>
      %dma_start3A_160 = arith.constant 0 : i32
      %dma_start3A_161 = arith.constant 0 : i32
      %dma_start3A_162 = tpu.memref_slice %arg7[%run_scoped3A_5, %dma_start3A_160, %dma_start3A_161] : memref<2x4x80xi32, #tpu.memory_space<vmem>> -> memref<1x4x80xi32, #tpu.memory_space<vmem>>
      %dma_start3A_163 = tpu.memref_squeeze %dma_start3A_162 : memref<1x4x80xi32, #tpu.memory_space<vmem>> -> memref<4x80xi32, #tpu.memory_space<vmem>>
      %dma_start3A_164 = arith.constant 0 : i32
      %dma_start3A_165 = arith.constant 0 : i32
      %dma_start3A_166 = tpu.memref_slice %arg3[%run_scoped3A_4, %dma_start3A_164, %dma_start3A_165] : memref<2x4000x80xi32, #tpu.memory_space<hbm>> -> memref<1x4000x80xi32, #tpu.memory_space<hbm>>
      %dma_start3A_167 = tpu.memref_squeeze %dma_start3A_166 : memref<1x4000x80xi32, #tpu.memory_space<hbm>> -> memref<4000x80xi32, #tpu.memory_space<hbm>>
      %dma_start3A_168 = arith.constant 0 : i32
      %dma_start3A_169 = tpu.memref_slice %dma_start3A_167[%mul3A_2, %dma_start3A_168] : memref<4000x80xi32, #tpu.memory_space<hbm>> -> memref<4x80xi32, #tpu.memory_space<hbm>>
      %dma_start3A_170 = arith.constant 0 : i32
      %dma_start3A_171 = arith.constant 0 : i32
      %dma_start3A_172 = tpu.memref_slice %arg7[%run_scoped3A_5, %dma_start3A_170, %dma_start3A_171] : memref<2x4x80xi32, #tpu.memory_space<vmem>> -> memref<1x4x80xi32, #tpu.memory_space<vmem>>
      %dma_start3A_173 = tpu.memref_squeeze %dma_start3A_172 : memref<1x4x80xi32, #tpu.memory_space<vmem>> -> memref<4x80xi32, #tpu.memory_space<vmem>>
      %dma_start3A_174 = arith.constant 0 : i32
      %dma_start3A_175 = arith.constant 0 : i32
      %dma_start3A_176 = tpu.memref_slice %arg3[%run_scoped3A_4, %dma_start3A_174, %dma_start3A_175] : memref<2x4000x80xi32, #tpu.memory_space<hbm>> -> memref<1x4000x80xi32, #tpu.memory_space<hbm>>
      %dma_start3A_177 = tpu.memref_squeeze %dma_start3A_176 : memref<1x4000x80xi32, #tpu.memory_space<hbm>> -> memref<4000x80xi32, #tpu.memory_space<hbm>>
      %dma_start3A_178 = arith.constant 0 : i32
      %dma_start3A_179 = tpu.memref_slice %dma_start3A_177[%mul3A_2, %dma_start3A_178] : memref<4000x80xi32, #tpu.memory_space<hbm>> -> memref<4x80xi32, #tpu.memory_space<hbm>>
      tpu.enqueue_dma source(%dma_start3A_179 : memref<4x80xi32, #tpu.memory_space<hbm>>) target(%dma_start3A_173 : memref<4x80xi32, #tpu.memory_space<vmem>>) target_semaphore(%run_scoped3A_159 : memref<!tpu.dma_semaphore, #tpu.memory_space<semaphore_mem>>)
      %dma_wait3A_180 = arith.constant 0 : i32
      %dma_wait3A_181 = arith.constant 0 : i32
      %dma_wait3A_182 = tpu.memref_slice %arg7[%run_scoped3A_5, %dma_wait3A_180, %dma_wait3A_181] : memref<2x4x80xi32, #tpu.memory_space<vmem>> -> memref<1x4x80xi32, #tpu.memory_space<vmem>>
      %dma_wait3A_183 = tpu.memref_squeeze %dma_wait3A_182 : memref<1x4x80xi32, #tpu.memory_space<vmem>> -> memref<4x80xi32, #tpu.memory_space<vmem>>
      %dma_wait3A_184 = arith.constant 0 : i32
      %dma_wait3A_185 = arith.constant 0 : i32
      %dma_wait3A_186 = tpu.memref_slice %arg3[%run_scoped3A_4, %dma_wait3A_184, %dma_wait3A_185] : memref<2x4000x80xi32, #tpu.memory_space<hbm>> -> memref<1x4000x80xi32, #tpu.memory_space<hbm>>
      %dma_wait3A_187 = tpu.memref_squeeze %dma_wait3A_186 : memref<1x4000x80xi32, #tpu.memory_space<hbm>> -> memref<4000x80xi32, #tpu.memory_space<hbm>>
      %dma_wait3A_188 = arith.constant 0 : i32
      %dma_wait3A_189 = tpu.memref_slice %dma_wait3A_187[%mul3A_2, %dma_wait3A_188] : memref<4000x80xi32, #tpu.memory_space<hbm>> -> memref<4x80xi32, #tpu.memory_space<hbm>>
      %dma_wait3A_190 = arith.constant 0 : i32
      %dma_wait3A_191 = arith.constant 0 : i32
      %dma_wait3A_192 = tpu.memref_slice %arg7[%run_scoped3A_5, %dma_wait3A_190, %dma_wait3A_191] : memref<2x4x80xi32, #tpu.memory_space<vmem>> -> memref<1x4x80xi32, #tpu.memory_space<vmem>>
      %dma_wait3A_193 = tpu.memref_squeeze %dma_wait3A_192 : memref<1x4x80xi32, #tpu.memory_space<vmem>> -> memref<4x80xi32, #tpu.memory_space<vmem>>
      %dma_wait3A_194 = arith.constant 0 : i32
      %dma_wait3A_195 = arith.constant 0 : i32
      %dma_wait3A_196 = tpu.memref_slice %arg3[%run_scoped3A_4, %dma_wait3A_194, %dma_wait3A_195] : memref<2x4000x80xi32, #tpu.memory_space<hbm>> -> memref<1x4000x80xi32, #tpu.memory_space<hbm>>
      %dma_wait3A_197 = tpu.memref_squeeze %dma_wait3A_196 : memref<1x4000x80xi32, #tpu.memory_space<hbm>> -> memref<4000x80xi32, #tpu.memory_space<hbm>>
      %dma_wait3A_198 = arith.constant 0 : i32
      %dma_wait3A_199 = tpu.memref_slice %dma_wait3A_197[%mul3A_2, %dma_wait3A_198] : memref<4000x80xi32, #tpu.memory_space<hbm>> -> memref<4x80xi32, #tpu.memory_space<hbm>>
      tpu.wait_dma2 semaphore(%run_scoped3A_159 : memref<!tpu.dma_semaphore, #tpu.memory_space<semaphore_mem>>) src(%dma_wait3A_199 : memref<4x80xi32, #tpu.memory_space<hbm>>) dst(%dma_wait3A_193 : memref<4x80xi32, #tpu.memory_space<vmem>>)
      tpu.yield
    }) : () -> ()
    %mul3A_6 = arith.constant 624 : i32
    %mul3A_7 = arith.muli %arg1, %mul3A_6 : i32
    %mul3A_8 = arith.constant 624 : i32
    %mul3A_9 = arith.muli %arg1, %mul3A_8 : i32
    "tpu.region"() ({
      %run_scoped3A_159 = tpu.sem_alloc : memref<!tpu.dma_semaphore, #tpu.memory_space<semaphore_mem>>
      %dma_start3A_160 = arith.constant 0 : i32
      %dma_start3A_161 = tpu.memref_slice %arg9[%mul3A_9, %dma_start3A_160] : memref<10000x128xf32, #tpu.memory_space<vmem_shared>> -> memref<624x128xf32, #tpu.memory_space<vmem_shared>>
      %dma_start3A_162 = arith.constant 0 : i32
      %dma_start3A_163 = tpu.memref_slice %arg4[%mul3A_7, %dma_start3A_162] : memref<10000x128xf32, #tpu.memory_space<hbm>> -> memref<624x128xf32, #tpu.memory_space<hbm>>
      tpu.enqueue_dma source(%dma_start3A_163 : memref<624x128xf32, #tpu.memory_space<hbm>>) target(%dma_start3A_161 : memref<624x128xf32, #tpu.memory_space<vmem_shared>>) target_semaphore(%run_scoped3A_159 : memref<!tpu.dma_semaphore, #tpu.memory_space<semaphore_mem>>)
      %dma_wait3A_164 = arith.constant 0 : i32
      %dma_wait3A_165 = tpu.memref_slice %arg9[%mul3A_9, %dma_wait3A_164] : memref<10000x128xf32, #tpu.memory_space<vmem_shared>> -> memref<624x128xf32, #tpu.memory_space<vmem_shared>>
      %dma_wait3A_166 = arith.constant 0 : i32
      %dma_wait3A_167 = tpu.memref_slice %arg4[%mul3A_7, %dma_wait3A_166] : memref<10000x128xf32, #tpu.memory_space<hbm>> -> memref<624x128xf32, #tpu.memory_space<hbm>>
      tpu.wait_dma2 semaphore(%run_scoped3A_159 : memref<!tpu.dma_semaphore, #tpu.memory_space<semaphore_mem>>) src(%dma_wait3A_167 : memref<624x128xf32, #tpu.memory_space<hbm>>) dst(%dma_wait3A_165 : memref<624x128xf32, #tpu.memory_space<vmem_shared>>)
      tpu.yield
    }) : () -> ()
    %eq3A = arith.constant 15 : i32
    %eq3A_10 = arith.cmpi eq, %arg1, %eq3A : i32
    %convert_element_type3A = arith.extui %eq3A_10 : i1 to i32
    %cond3A = arith.constant 0 : i32
    %cond3A_11 = arith.cmpi ne, %convert_element_type3A, %cond3A : i32
    scf.if %cond3A_11 {
      "tpu.region"() ({
        %run_scoped3A_159 = tpu.sem_alloc : memref<!tpu.dma_semaphore, #tpu.memory_space<semaphore_mem>>
        %dma_start3A_160 = arith.constant 9984 : i32
        %dma_start3A_161 = arith.constant 0 : i32
        %dma_start3A_162 = tpu.memref_slice %arg9[%dma_start3A_160, %dma_start3A_161] : memref<10000x128xf32, #tpu.memory_space<vmem_shared>> -> memref<16x128xf32, #tpu.memory_space<vmem_shared>>
        %dma_start3A_163 = arith.constant 9984 : i32
        %dma_start3A_164 = arith.constant 0 : i32
        %dma_start3A_165 = tpu.memref_slice %arg4[%dma_start3A_163, %dma_start3A_164] : memref<10000x128xf32, #tpu.memory_space<hbm>> -> memref<16x128xf32, #tpu.memory_space<hbm>>
        tpu.enqueue_dma source(%dma_start3A_165 : memref<16x128xf32, #tpu.memory_space<hbm>>) target(%dma_start3A_162 : memref<16x128xf32, #tpu.memory_space<vmem_shared>>) target_semaphore(%run_scoped3A_159 : memref<!tpu.dma_semaphore, #tpu.memory_space<semaphore_mem>>)
        %dma_wait3A_166 = arith.constant 9984 : i32
        %dma_wait3A_167 = arith.constant 0 : i32
        %dma_wait3A_168 = tpu.memref_slice %arg9[%dma_wait3A_166, %dma_wait3A_167] : memref<10000x128xf32, #tpu.memory_space<vmem_shared>> -> memref<16x128xf32, #tpu.memory_space<vmem_shared>>
        %dma_wait3A_169 = arith.constant 9984 : i32
        %dma_wait3A_170 = arith.constant 0 : i32
        %dma_wait3A_171 = tpu.memref_slice %arg4[%dma_wait3A_169, %dma_wait3A_170] : memref<10000x128xf32, #tpu.memory_space<hbm>> -> memref<16x128xf32, #tpu.memory_space<hbm>>
        tpu.wait_dma2 semaphore(%run_scoped3A_159 : memref<!tpu.dma_semaphore, #tpu.memory_space<semaphore_mem>>) src(%dma_wait3A_171 : memref<16x128xf32, #tpu.memory_space<hbm>>) dst(%dma_wait3A_168 : memref<16x128xf32, #tpu.memory_space<vmem_shared>>)
        tpu.yield
      }) : () -> ()
    } else {
    }
    %barrier3A = arith.constant 0 : index
    tpu.barrier barrier_id(%barrier3A)
    %scan3A = arith.constant 0 : i32
    %scan3A_12 = arith.constant 1 : i32
    %scan3A_13 = arith.constant 0 : i32
    %scan3A_14 = arith.constant 31 : i32
    %scan3A_15 = arith.addi %scan3A_13, %scan3A_14 : i32
    %scan3A_16 = arith.constant 1 : i32
    scf.for %scan3A_159 = %scan3A_13 to %scan3A_15 step %scan3A_16  : i32 {
      %mul3A_160 = arith.constant 1 : i32
      %mul3A_161 = arith.muli %scan3A_159, %mul3A_160 : i32
      %add3A_162 = arith.constant 0 : i32
      %add3A_163 = arith.addi %add3A_162, %mul3A_161 : i32
      %mul3A_164 = arith.constant 4 : i32
      %mul3A_165 = arith.muli %add3A_163, %mul3A_164 : i32
      %rem3A = arith.constant 2 : i32
      %rem3A_166 = arith.remsi %add3A_163, %rem3A : i32
      %gt3A = arith.constant 0 : i32
      %gt3A_167 = arith.cmpi sgt, %add3A_163, %gt3A : i32
      %convert_element_type3A_168 = arith.extui %gt3A_167 : i1 to i32
      %cond3A_169 = arith.constant 0 : i32
      %cond3A_170 = arith.cmpi ne, %convert_element_type3A_168, %cond3A_169 : i32
      scf.if %cond3A_170 {
        %dma_wait3A_425 = arith.constant 0 : i32
        %dma_wait3A_426 = arith.constant 0 : i32
        %dma_wait3A_427 = tpu.memref_slice %arg6[%rem3A_166, %dma_wait3A_425, %dma_wait3A_426] : memref<2x4x80xi32, #tpu.memory_space<vmem>> -> memref<1x4x80xi32, #tpu.memory_space<vmem>>
        %dma_wait3A_428 = tpu.memref_squeeze %dma_wait3A_427 : memref<1x4x80xi32, #tpu.memory_space<vmem>> -> memref<4x80xi32, #tpu.memory_space<vmem>>
        %dma_wait3A_429 = arith.constant 0 : i32
        %dma_wait3A_430 = arith.constant 0 : i32
        %dma_wait3A_431 = tpu.memref_slice %arg3[%scan3A, %dma_wait3A_429, %dma_wait3A_430] : memref<2x4000x80xi32, #tpu.memory_space<hbm>> -> memref<1x4000x80xi32, #tpu.memory_space<hbm>>
        %dma_wait3A_432 = tpu.memref_squeeze %dma_wait3A_431 : memref<1x4000x80xi32, #tpu.memory_space<hbm>> -> memref<4000x80xi32, #tpu.memory_space<hbm>>
        %dma_wait3A_433 = arith.constant 0 : i32
        %dma_wait3A_434 = tpu.memref_slice %dma_wait3A_432[%mul3A_2, %dma_wait3A_433] : memref<4000x80xi32, #tpu.memory_space<hbm>> -> memref<4x80xi32, #tpu.memory_space<hbm>>
        %dma_wait3A_435 = tpu.memref_slice %arg12[%rem3A_166] : memref<2x!tpu.dma_semaphore, #tpu.memory_space<semaphore_mem>> -> memref<1x!tpu.dma_semaphore, #tpu.memory_space<semaphore_mem>>
        %dma_wait3A_436 = tpu.memref_squeeze %dma_wait3A_435 : memref<1x!tpu.dma_semaphore, #tpu.memory_space<semaphore_mem>> -> memref<!tpu.dma_semaphore, #tpu.memory_space<semaphore_mem>>
        %dma_wait3A_437 = arith.constant 0 : i32
        %dma_wait3A_438 = arith.constant 0 : i32
        %dma_wait3A_439 = tpu.memref_slice %arg6[%rem3A_166, %dma_wait3A_437, %dma_wait3A_438] : memref<2x4x80xi32, #tpu.memory_space<vmem>> -> memref<1x4x80xi32, #tpu.memory_space<vmem>>
        %dma_wait3A_440 = tpu.memref_squeeze %dma_wait3A_439 : memref<1x4x80xi32, #tpu.memory_space<vmem>> -> memref<4x80xi32, #tpu.memory_space<vmem>>
        %dma_wait3A_441 = arith.constant 0 : i32
        %dma_wait3A_442 = arith.constant 0 : i32
        %dma_wait3A_443 = tpu.memref_slice %arg3[%scan3A, %dma_wait3A_441, %dma_wait3A_442] : memref<2x4000x80xi32, #tpu.memory_space<hbm>> -> memref<1x4000x80xi32, #tpu.memory_space<hbm>>
        %dma_wait3A_444 = tpu.memref_squeeze %dma_wait3A_443 : memref<1x4000x80xi32, #tpu.memory_space<hbm>> -> memref<4000x80xi32, #tpu.memory_space<hbm>>
        %dma_wait3A_445 = arith.constant 0 : i32
        %dma_wait3A_446 = tpu.memref_slice %dma_wait3A_444[%mul3A_2, %dma_wait3A_445] : memref<4000x80xi32, #tpu.memory_space<hbm>> -> memref<4x80xi32, #tpu.memory_space<hbm>>
        tpu.wait_dma2 semaphore(%dma_wait3A_436 : memref<!tpu.dma_semaphore, #tpu.memory_space<semaphore_mem>>) src(%dma_wait3A_446 : memref<4x80xi32, #tpu.memory_space<hbm>>) dst(%dma_wait3A_440 : memref<4x80xi32, #tpu.memory_space<vmem>>)
        %dma_wait3A_447 = arith.constant 0 : i32
        %dma_wait3A_448 = arith.constant 0 : i32
        %dma_wait3A_449 = tpu.memref_slice %arg7[%rem3A_166, %dma_wait3A_447, %dma_wait3A_448] : memref<2x4x80xi32, #tpu.memory_space<vmem>> -> memref<1x4x80xi32, #tpu.memory_space<vmem>>
        %dma_wait3A_450 = tpu.memref_squeeze %dma_wait3A_449 : memref<1x4x80xi32, #tpu.memory_space<vmem>> -> memref<4x80xi32, #tpu.memory_space<vmem>>
        %dma_wait3A_451 = arith.constant 0 : i32
        %dma_wait3A_452 = arith.constant 0 : i32
        %dma_wait3A_453 = tpu.memref_slice %arg3[%scan3A_12, %dma_wait3A_451, %dma_wait3A_452] : memref<2x4000x80xi32, #tpu.memory_space<hbm>> -> memref<1x4000x80xi32, #tpu.memory_space<hbm>>
        %dma_wait3A_454 = tpu.memref_squeeze %dma_wait3A_453 : memref<1x4000x80xi32, #tpu.memory_space<hbm>> -> memref<4000x80xi32, #tpu.memory_space<hbm>>
        %dma_wait3A_455 = arith.constant 0 : i32
        %dma_wait3A_456 = tpu.memref_slice %dma_wait3A_454[%mul3A_2, %dma_wait3A_455] : memref<4000x80xi32, #tpu.memory_space<hbm>> -> memref<4x80xi32, #tpu.memory_space<hbm>>
        %dma_wait3A_457 = tpu.memref_slice %arg13[%rem3A_166] : memref<2x!tpu.dma_semaphore, #tpu.memory_space<semaphore_mem>> -> memref<1x!tpu.dma_semaphore, #tpu.memory_space<semaphore_mem>>
        %dma_wait3A_458 = tpu.memref_squeeze %dma_wait3A_457 : memref<1x!tpu.dma_semaphore, #tpu.memory_space<semaphore_mem>> -> memref<!tpu.dma_semaphore, #tpu.memory_space<semaphore_mem>>
        %dma_wait3A_459 = arith.constant 0 : i32
        %dma_wait3A_460 = arith.constant 0 : i32
        %dma_wait3A_461 = tpu.memref_slice %arg7[%rem3A_166, %dma_wait3A_459, %dma_wait3A_460] : memref<2x4x80xi32, #tpu.memory_space<vmem>> -> memref<1x4x80xi32, #tpu.memory_space<vmem>>
        %dma_wait3A_462 = tpu.memref_squeeze %dma_wait3A_461 : memref<1x4x80xi32, #tpu.memory_space<vmem>> -> memref<4x80xi32, #tpu.memory_space<vmem>>
        %dma_wait3A_463 = arith.constant 0 : i32
        %dma_wait3A_464 = arith.constant 0 : i32
        %dma_wait3A_465 = tpu.memref_slice %arg3[%scan3A_12, %dma_wait3A_463, %dma_wait3A_464] : memref<2x4000x80xi32, #tpu.memory_space<hbm>> -> memref<1x4000x80xi32, #tpu.memory_space<hbm>>
        %dma_wait3A_466 = tpu.memref_squeeze %dma_wait3A_465 : memref<1x4000x80xi32, #tpu.memory_space<hbm>> -> memref<4000x80xi32, #tpu.memory_space<hbm>>
        %dma_wait3A_467 = arith.constant 0 : i32
        %dma_wait3A_468 = tpu.memref_slice %dma_wait3A_466[%mul3A_2, %dma_wait3A_467] : memref<4000x80xi32, #tpu.memory_space<hbm>> -> memref<4x80xi32, #tpu.memory_space<hbm>>
        tpu.wait_dma2 semaphore(%dma_wait3A_458 : memref<!tpu.dma_semaphore, #tpu.memory_space<semaphore_mem>>) src(%dma_wait3A_468 : memref<4x80xi32, #tpu.memory_space<hbm>>) dst(%dma_wait3A_462 : memref<4x80xi32, #tpu.memory_space<vmem>>)
      } else {
      }
      %gt3A_171 = arith.constant 0 : i32
      %gt3A_172 = arith.cmpi sgt, %add3A_163, %gt3A_171 : i32
      %convert_element_type3A_173 = arith.extui %gt3A_172 : i1 to i32
      %cond3A_174 = arith.constant 0 : i32
      %cond3A_175 = arith.cmpi ne, %convert_element_type3A_173, %cond3A_174 : i32
      scf.if %cond3A_175 {
        %dma_wait3A_425 = arith.constant 0 : i32
        %dma_wait3A_426 = arith.constant 0 : i32
        %dma_wait3A_427 = arith.constant 0 : i32
        %dma_wait3A_428 = arith.constant 0 : i32
        %dma_wait3A_429 = arith.constant 0 : i32
        %dma_wait3A_430 = arith.constant 0 : i32
        %dma_wait3A_431 = tpu.memref_slice %arg8[%dma_wait3A_425, %dma_wait3A_429, %dma_wait3A_430] : memref<4x80x128xf32, #tpu.memory_space<vmem>> -> memref<1x80x128xf32, #tpu.memory_space<vmem>>
        %dma_wait3A_432 = tpu.memref_squeeze %dma_wait3A_431 : memref<1x80x128xf32, #tpu.memory_space<vmem>> -> memref<80x128xf32, #tpu.memory_space<vmem>>
        %dma_wait3A_433 = arith.constant 0 : i32
        %dma_wait3A_434 = arith.constant 0 : i32
        %dma_wait3A_435 = tpu.memref_slice %arg7[%dma_wait3A_426, %dma_wait3A_433, %dma_wait3A_434] : memref<2x4x80xi32, #tpu.memory_space<vmem>> -> memref<1x4x80xi32, #tpu.memory_space<vmem>>
        %dma_wait3A_436 = tpu.memref_squeeze %dma_wait3A_435 : memref<1x4x80xi32, #tpu.memory_space<vmem>> -> memref<4x80xi32, #tpu.memory_space<vmem>>
        %dma_wait3A_437 = arith.constant 0 : i32
        %dma_wait3A_438 = tpu.memref_slice %dma_wait3A_436[%dma_wait3A_427, %dma_wait3A_437] : memref<4x80xi32, #tpu.memory_space<vmem>> -> memref<1x80xi32, #tpu.memory_space<vmem>>
        %dma_wait3A_439 = tpu.memref_squeeze %dma_wait3A_438 : memref<1x80xi32, #tpu.memory_space<vmem>> -> memref<80xi32, #tpu.memory_space<vmem>>
        %dma_wait3A_440 = arith.constant 0 : i32
        %dma_wait3A_441 = arith.constant 0 : i32
        %dma_wait3A_442 = tpu.memref_slice %arg9[%dma_wait3A_440, %dma_wait3A_441] : memref<10000x128xf32, #tpu.memory_space<vmem_shared>> -> memref<10000x128xf32, #tpu.memory_space<vmem_shared>>
        %dma_wait3A_443 = tpu.memref_slice %arg11[%dma_wait3A_428] : memref<4x!tpu.dma_semaphore, #tpu.memory_space<semaphore_mem>> -> memref<1x!tpu.dma_semaphore, #tpu.memory_space<semaphore_mem>>
        %dma_wait3A_444 = tpu.memref_squeeze %dma_wait3A_443 : memref<1x!tpu.dma_semaphore, #tpu.memory_space<semaphore_mem>> -> memref<!tpu.dma_semaphore, #tpu.memory_space<semaphore_mem>>
        tpu.wait_indirect_dma semaphore(%dma_wait3A_444 : memref<!tpu.dma_semaphore, #tpu.memory_space<semaphore_mem>>) src(%dma_wait3A_432 : memref<80x128xf32, #tpu.memory_space<vmem>>) dst(%dma_wait3A_442 : memref<10000x128xf32, #tpu.memory_space<vmem_shared>>)
      } else {
      }
      %dma_start3A_176 = arith.constant 0 : i32
      %dma_start3A_177 = arith.constant 0 : i32
      %dma_start3A_178 = arith.constant 0 : i32
      %dma_start3A_179 = arith.constant 0 : i32
      %dma_start3A_180 = arith.constant 0 : i32
      %dma_start3A_181 = tpu.memref_slice %arg8[%dma_start3A_177, %dma_start3A_179, %dma_start3A_180] : memref<4x80x128xf32, #tpu.memory_space<vmem>> -> memref<1x80x128xf32, #tpu.memory_space<vmem>>
      %dma_start3A_182 = tpu.memref_squeeze %dma_start3A_181 : memref<1x80x128xf32, #tpu.memory_space<vmem>> -> memref<80x128xf32, #tpu.memory_space<vmem>>
      %dma_start3A_183 = arith.constant 0 : i32
      %dma_start3A_184 = arith.constant 0 : i32
      %dma_start3A_185 = tpu.memref_slice %arg6[%rem3A_166, %dma_start3A_183, %dma_start3A_184] : memref<2x4x80xi32, #tpu.memory_space<vmem>> -> memref<1x4x80xi32, #tpu.memory_space<vmem>>
      %dma_start3A_186 = tpu.memref_squeeze %dma_start3A_185 : memref<1x4x80xi32, #tpu.memory_space<vmem>> -> memref<4x80xi32, #tpu.memory_space<vmem>>
      %dma_start3A_187 = arith.constant 0 : i32
      %dma_start3A_188 = tpu.memref_slice %dma_start3A_186[%dma_start3A_176, %dma_start3A_187] : memref<4x80xi32, #tpu.memory_space<vmem>> -> memref<1x80xi32, #tpu.memory_space<vmem>>
      %dma_start3A_189 = tpu.memref_squeeze %dma_start3A_188 : memref<1x80xi32, #tpu.memory_space<vmem>> -> memref<80xi32, #tpu.memory_space<vmem>>
      %dma_start3A_190 = arith.constant 0 : i32
      %dma_start3A_191 = arith.constant 0 : i32
      %dma_start3A_192 = tpu.memref_slice %arg2[%dma_start3A_190, %dma_start3A_191] : memref<10000x128xf32, #tpu.memory_space<hbm>> -> memref<10000x128xf32, #tpu.memory_space<hbm>>
      %dma_start3A_193 = tpu.memref_slice %arg10[%dma_start3A_178] : memref<4x!tpu.dma_semaphore, #tpu.memory_space<semaphore_mem>> -> memref<1x!tpu.dma_semaphore, #tpu.memory_space<semaphore_mem>>
      %dma_start3A_194 = tpu.memref_squeeze %dma_start3A_193 : memref<1x!tpu.dma_semaphore, #tpu.memory_space<semaphore_mem>> -> memref<!tpu.dma_semaphore, #tpu.memory_space<semaphore_mem>>
      tpu.enqueue_indirect_dma source(%dma_start3A_192 : memref<10000x128xf32, #tpu.memory_space<hbm>>) target(%dma_start3A_182 : memref<80x128xf32, #tpu.memory_space<vmem>>) offsets(%dma_start3A_189 : memref<80xi32, #tpu.memory_space<vmem>>) semaphore(%dma_start3A_194 : memref<!tpu.dma_semaphore, #tpu.memory_space<semaphore_mem>>)
      %gt3A_195 = arith.constant 0 : i32
      %gt3A_196 = arith.cmpi sgt, %add3A_163, %gt3A_195 : i32
      %convert_element_type3A_197 = arith.extui %gt3A_196 : i1 to i32
      %cond3A_198 = arith.constant 0 : i32
      %cond3A_199 = arith.cmpi ne, %convert_element_type3A_197, %cond3A_198 : i32
      scf.if %cond3A_199 {
        %dma_wait3A_425 = arith.constant 1 : i32
        %dma_wait3A_426 = arith.constant 0 : i32
        %dma_wait3A_427 = arith.constant 0 : i32
        %dma_wait3A_428 = arith.constant 1 : i32
        %dma_wait3A_429 = arith.constant 0 : i32
        %dma_wait3A_430 = arith.constant 0 : i32
        %dma_wait3A_431 = tpu.memref_slice %arg8[%dma_wait3A_425, %dma_wait3A_429, %dma_wait3A_430] : memref<4x80x128xf32, #tpu.memory_space<vmem>> -> memref<1x80x128xf32, #tpu.memory_space<vmem>>
        %dma_wait3A_432 = tpu.memref_squeeze %dma_wait3A_431 : memref<1x80x128xf32, #tpu.memory_space<vmem>> -> memref<80x128xf32, #tpu.memory_space<vmem>>
        %dma_wait3A_433 = arith.constant 0 : i32
        %dma_wait3A_434 = arith.constant 0 : i32
        %dma_wait3A_435 = tpu.memref_slice %arg7[%dma_wait3A_426, %dma_wait3A_433, %dma_wait3A_434] : memref<2x4x80xi32, #tpu.memory_space<vmem>> -> memref<1x4x80xi32, #tpu.memory_space<vmem>>
        %dma_wait3A_436 = tpu.memref_squeeze %dma_wait3A_435 : memref<1x4x80xi32, #tpu.memory_space<vmem>> -> memref<4x80xi32, #tpu.memory_space<vmem>>
        %dma_wait3A_437 = arith.constant 0 : i32
        %dma_wait3A_438 = tpu.memref_slice %dma_wait3A_436[%dma_wait3A_427, %dma_wait3A_437] : memref<4x80xi32, #tpu.memory_space<vmem>> -> memref<1x80xi32, #tpu.memory_space<vmem>>
        %dma_wait3A_439 = tpu.memref_squeeze %dma_wait3A_438 : memref<1x80xi32, #tpu.memory_space<vmem>> -> memref<80xi32, #tpu.memory_space<vmem>>
        %dma_wait3A_440 = arith.constant 0 : i32
        %dma_wait3A_441 = arith.constant 0 : i32
        %dma_wait3A_442 = tpu.memref_slice %arg9[%dma_wait3A_440, %dma_wait3A_441] : memref<10000x128xf32, #tpu.memory_space<vmem_shared>> -> memref<10000x128xf32, #tpu.memory_space<vmem_shared>>
        %dma_wait3A_443 = tpu.memref_slice %arg11[%dma_wait3A_428] : memref<4x!tpu.dma_semaphore, #tpu.memory_space<semaphore_mem>> -> memref<1x!tpu.dma_semaphore, #tpu.memory_space<semaphore_mem>>
        %dma_wait3A_444 = tpu.memref_squeeze %dma_wait3A_443 : memref<1x!tpu.dma_semaphore, #tpu.memory_space<semaphore_mem>> -> memref<!tpu.dma_semaphore, #tpu.memory_space<semaphore_mem>>
        tpu.wait_indirect_dma semaphore(%dma_wait3A_444 : memref<!tpu.dma_semaphore, #tpu.memory_space<semaphore_mem>>) src(%dma_wait3A_432 : memref<80x128xf32, #tpu.memory_space<vmem>>) dst(%dma_wait3A_442 : memref<10000x128xf32, #tpu.memory_space<vmem_shared>>)
      } else {
      }
      %dma_start3A_200 = arith.constant 1 : i32
      %dma_start3A_201 = arith.constant 1 : i32
      %dma_start3A_202 = arith.constant 1 : i32
      %dma_start3A_203 = arith.constant 0 : i32
      %dma_start3A_204 = arith.constant 0 : i32
      %dma_start3A_205 = tpu.memref_slice %arg8[%dma_start3A_201, %dma_start3A_203, %dma_start3A_204] : memref<4x80x128xf32, #tpu.memory_space<vmem>> -> memref<1x80x128xf32, #tpu.memory_space<vmem>>
      %dma_start3A_206 = tpu.memref_squeeze %dma_start3A_205 : memref<1x80x128xf32, #tpu.memory_space<vmem>> -> memref<80x128xf32, #tpu.memory_space<vmem>>
      %dma_start3A_207 = arith.constant 0 : i32
      %dma_start3A_208 = arith.constant 0 : i32
      %dma_start3A_209 = tpu.memref_slice %arg6[%rem3A_166, %dma_start3A_207, %dma_start3A_208] : memref<2x4x80xi32, #tpu.memory_space<vmem>> -> memref<1x4x80xi32, #tpu.memory_space<vmem>>
      %dma_start3A_210 = tpu.memref_squeeze %dma_start3A_209 : memref<1x4x80xi32, #tpu.memory_space<vmem>> -> memref<4x80xi32, #tpu.memory_space<vmem>>
      %dma_start3A_211 = arith.constant 0 : i32
      %dma_start3A_212 = tpu.memref_slice %dma_start3A_210[%dma_start3A_200, %dma_start3A_211] : memref<4x80xi32, #tpu.memory_space<vmem>> -> memref<1x80xi32, #tpu.memory_space<vmem>>
      %dma_start3A_213 = tpu.memref_squeeze %dma_start3A_212 : memref<1x80xi32, #tpu.memory_space<vmem>> -> memref<80xi32, #tpu.memory_space<vmem>>
      %dma_start3A_214 = arith.constant 0 : i32
      %dma_start3A_215 = arith.constant 0 : i32
      %dma_start3A_216 = tpu.memref_slice %arg2[%dma_start3A_214, %dma_start3A_215] : memref<10000x128xf32, #tpu.memory_space<hbm>> -> memref<10000x128xf32, #tpu.memory_space<hbm>>
      %dma_start3A_217 = tpu.memref_slice %arg10[%dma_start3A_202] : memref<4x!tpu.dma_semaphore, #tpu.memory_space<semaphore_mem>> -> memref<1x!tpu.dma_semaphore, #tpu.memory_space<semaphore_mem>>
      %dma_start3A_218 = tpu.memref_squeeze %dma_start3A_217 : memref<1x!tpu.dma_semaphore, #tpu.memory_space<semaphore_mem>> -> memref<!tpu.dma_semaphore, #tpu.memory_space<semaphore_mem>>
      tpu.enqueue_indirect_dma source(%dma_start3A_216 : memref<10000x128xf32, #tpu.memory_space<hbm>>) target(%dma_start3A_206 : memref<80x128xf32, #tpu.memory_space<vmem>>) offsets(%dma_start3A_213 : memref<80xi32, #tpu.memory_space<vmem>>) semaphore(%dma_start3A_218 : memref<!tpu.dma_semaphore, #tpu.memory_space<semaphore_mem>>)
      %gt3A_219 = arith.constant 0 : i32
      %gt3A_220 = arith.cmpi sgt, %add3A_163, %gt3A_219 : i32
      %convert_element_type3A_221 = arith.extui %gt3A_220 : i1 to i32
      %cond3A_222 = arith.constant 0 : i32
      %cond3A_223 = arith.cmpi ne, %convert_element_type3A_221, %cond3A_222 : i32
      scf.if %cond3A_223 {
        %dma_wait3A_425 = arith.constant 2 : i32
        %dma_wait3A_426 = arith.constant 0 : i32
        %dma_wait3A_427 = arith.constant 0 : i32
        %dma_wait3A_428 = arith.constant 2 : i32
        %dma_wait3A_429 = arith.constant 0 : i32
        %dma_wait3A_430 = arith.constant 0 : i32
        %dma_wait3A_431 = tpu.memref_slice %arg8[%dma_wait3A_425, %dma_wait3A_429, %dma_wait3A_430] : memref<4x80x128xf32, #tpu.memory_space<vmem>> -> memref<1x80x128xf32, #tpu.memory_space<vmem>>
        %dma_wait3A_432 = tpu.memref_squeeze %dma_wait3A_431 : memref<1x80x128xf32, #tpu.memory_space<vmem>> -> memref<80x128xf32, #tpu.memory_space<vmem>>
        %dma_wait3A_433 = arith.constant 0 : i32
        %dma_wait3A_434 = arith.constant 0 : i32
        %dma_wait3A_435 = tpu.memref_slice %arg7[%dma_wait3A_426, %dma_wait3A_433, %dma_wait3A_434] : memref<2x4x80xi32, #tpu.memory_space<vmem>> -> memref<1x4x80xi32, #tpu.memory_space<vmem>>
        %dma_wait3A_436 = tpu.memref_squeeze %dma_wait3A_435 : memref<1x4x80xi32, #tpu.memory_space<vmem>> -> memref<4x80xi32, #tpu.memory_space<vmem>>
        %dma_wait3A_437 = arith.constant 0 : i32
        %dma_wait3A_438 = tpu.memref_slice %dma_wait3A_436[%dma_wait3A_427, %dma_wait3A_437] : memref<4x80xi32, #tpu.memory_space<vmem>> -> memref<1x80xi32, #tpu.memory_space<vmem>>
        %dma_wait3A_439 = tpu.memref_squeeze %dma_wait3A_438 : memref<1x80xi32, #tpu.memory_space<vmem>> -> memref<80xi32, #tpu.memory_space<vmem>>
        %dma_wait3A_440 = arith.constant 0 : i32
        %dma_wait3A_441 = arith.constant 0 : i32
        %dma_wait3A_442 = tpu.memref_slice %arg9[%dma_wait3A_440, %dma_wait3A_441] : memref<10000x128xf32, #tpu.memory_space<vmem_shared>> -> memref<10000x128xf32, #tpu.memory_space<vmem_shared>>
        %dma_wait3A_443 = tpu.memref_slice %arg11[%dma_wait3A_428] : memref<4x!tpu.dma_semaphore, #tpu.memory_space<semaphore_mem>> -> memref<1x!tpu.dma_semaphore, #tpu.memory_space<semaphore_mem>>
        %dma_wait3A_444 = tpu.memref_squeeze %dma_wait3A_443 : memref<1x!tpu.dma_semaphore, #tpu.memory_space<semaphore_mem>> -> memref<!tpu.dma_semaphore, #tpu.memory_space<semaphore_mem>>
        tpu.wait_indirect_dma semaphore(%dma_wait3A_444 : memref<!tpu.dma_semaphore, #tpu.memory_space<semaphore_mem>>) src(%dma_wait3A_432 : memref<80x128xf32, #tpu.memory_space<vmem>>) dst(%dma_wait3A_442 : memref<10000x128xf32, #tpu.memory_space<vmem_shared>>)
      } else {
      }
      %dma_start3A_224 = arith.constant 2 : i32
      %dma_start3A_225 = arith.constant 2 : i32
      %dma_start3A_226 = arith.constant 2 : i32
      %dma_start3A_227 = arith.constant 0 : i32
      %dma_start3A_228 = arith.constant 0 : i32
      %dma_start3A_229 = tpu.memref_slice %arg8[%dma_start3A_225, %dma_start3A_227, %dma_start3A_228] : memref<4x80x128xf32, #tpu.memory_space<vmem>> -> memref<1x80x128xf32, #tpu.memory_space<vmem>>
      %dma_start3A_230 = tpu.memref_squeeze %dma_start3A_229 : memref<1x80x128xf32, #tpu.memory_space<vmem>> -> memref<80x128xf32, #tpu.memory_space<vmem>>
      %dma_start3A_231 = arith.constant 0 : i32
      %dma_start3A_232 = arith.constant 0 : i32
      %dma_start3A_233 = tpu.memref_slice %arg6[%rem3A_166, %dma_start3A_231, %dma_start3A_232] : memref<2x4x80xi32, #tpu.memory_space<vmem>> -> memref<1x4x80xi32, #tpu.memory_space<vmem>>
      %dma_start3A_234 = tpu.memref_squeeze %dma_start3A_233 : memref<1x4x80xi32, #tpu.memory_space<vmem>> -> memref<4x80xi32, #tpu.memory_space<vmem>>
      %dma_start3A_235 = arith.constant 0 : i32
      %dma_start3A_236 = tpu.memref_slice %dma_start3A_234[%dma_start3A_224, %dma_start3A_235] : memref<4x80xi32, #tpu.memory_space<vmem>> -> memref<1x80xi32, #tpu.memory_space<vmem>>
      %dma_start3A_237 = tpu.memref_squeeze %dma_start3A_236 : memref<1x80xi32, #tpu.memory_space<vmem>> -> memref<80xi32, #tpu.memory_space<vmem>>
      %dma_start3A_238 = arith.constant 0 : i32
      %dma_start3A_239 = arith.constant 0 : i32
      %dma_start3A_240 = tpu.memref_slice %arg2[%dma_start3A_238, %dma_start3A_239] : memref<10000x128xf32, #tpu.memory_space<hbm>> -> memref<10000x128xf32, #tpu.memory_space<hbm>>
      %dma_start3A_241 = tpu.memref_slice %arg10[%dma_start3A_226] : memref<4x!tpu.dma_semaphore, #tpu.memory_space<semaphore_mem>> -> memref<1x!tpu.dma_semaphore, #tpu.memory_space<semaphore_mem>>
      %dma_start3A_242 = tpu.memref_squeeze %dma_start3A_241 : memref<1x!tpu.dma_semaphore, #tpu.memory_space<semaphore_mem>> -> memref<!tpu.dma_semaphore, #tpu.memory_space<semaphore_mem>>
      tpu.enqueue_indirect_dma source(%dma_start3A_240 : memref<10000x128xf32, #tpu.memory_space<hbm>>) target(%dma_start3A_230 : memref<80x128xf32, #tpu.memory_space<vmem>>) offsets(%dma_start3A_237 : memref<80xi32, #tpu.memory_space<vmem>>) semaphore(%dma_start3A_242 : memref<!tpu.dma_semaphore, #tpu.memory_space<semaphore_mem>>)
      %gt3A_243 = arith.constant 0 : i32
      %gt3A_244 = arith.cmpi sgt, %add3A_163, %gt3A_243 : i32
      %convert_element_type3A_245 = arith.extui %gt3A_244 : i1 to i32
      %cond3A_246 = arith.constant 0 : i32
      %cond3A_247 = arith.cmpi ne, %convert_element_type3A_245, %cond3A_246 : i32
      scf.if %cond3A_247 {
        %dma_wait3A_425 = arith.constant 3 : i32
        %dma_wait3A_426 = arith.constant 0 : i32
        %dma_wait3A_427 = arith.constant 0 : i32
        %dma_wait3A_428 = arith.constant 3 : i32
        %dma_wait3A_429 = arith.constant 0 : i32
        %dma_wait3A_430 = arith.constant 0 : i32
        %dma_wait3A_431 = tpu.memref_slice %arg8[%dma_wait3A_425, %dma_wait3A_429, %dma_wait3A_430] : memref<4x80x128xf32, #tpu.memory_space<vmem>> -> memref<1x80x128xf32, #tpu.memory_space<vmem>>
        %dma_wait3A_432 = tpu.memref_squeeze %dma_wait3A_431 : memref<1x80x128xf32, #tpu.memory_space<vmem>> -> memref<80x128xf32, #tpu.memory_space<vmem>>
        %dma_wait3A_433 = arith.constant 0 : i32
        %dma_wait3A_434 = arith.constant 0 : i32
        %dma_wait3A_435 = tpu.memref_slice %arg7[%dma_wait3A_426, %dma_wait3A_433, %dma_wait3A_434] : memref<2x4x80xi32, #tpu.memory_space<vmem>> -> memref<1x4x80xi32, #tpu.memory_space<vmem>>
        %dma_wait3A_436 = tpu.memref_squeeze %dma_wait3A_435 : memref<1x4x80xi32, #tpu.memory_space<vmem>> -> memref<4x80xi32, #tpu.memory_space<vmem>>
        %dma_wait3A_437 = arith.constant 0 : i32
        %dma_wait3A_438 = tpu.memref_slice %dma_wait3A_436[%dma_wait3A_427, %dma_wait3A_437] : memref<4x80xi32, #tpu.memory_space<vmem>> -> memref<1x80xi32, #tpu.memory_space<vmem>>
        %dma_wait3A_439 = tpu.memref_squeeze %dma_wait3A_438 : memref<1x80xi32, #tpu.memory_space<vmem>> -> memref<80xi32, #tpu.memory_space<vmem>>
        %dma_wait3A_440 = arith.constant 0 : i32
        %dma_wait3A_441 = arith.constant 0 : i32
        %dma_wait3A_442 = tpu.memref_slice %arg9[%dma_wait3A_440, %dma_wait3A_441] : memref<10000x128xf32, #tpu.memory_space<vmem_shared>> -> memref<10000x128xf32, #tpu.memory_space<vmem_shared>>
        %dma_wait3A_443 = tpu.memref_slice %arg11[%dma_wait3A_428] : memref<4x!tpu.dma_semaphore, #tpu.memory_space<semaphore_mem>> -> memref<1x!tpu.dma_semaphore, #tpu.memory_space<semaphore_mem>>
        %dma_wait3A_444 = tpu.memref_squeeze %dma_wait3A_443 : memref<1x!tpu.dma_semaphore, #tpu.memory_space<semaphore_mem>> -> memref<!tpu.dma_semaphore, #tpu.memory_space<semaphore_mem>>
        tpu.wait_indirect_dma semaphore(%dma_wait3A_444 : memref<!tpu.dma_semaphore, #tpu.memory_space<semaphore_mem>>) src(%dma_wait3A_432 : memref<80x128xf32, #tpu.memory_space<vmem>>) dst(%dma_wait3A_442 : memref<10000x128xf32, #tpu.memory_space<vmem_shared>>)
      } else {
      }
      %dma_start3A_248 = arith.constant 3 : i32
      %dma_start3A_249 = arith.constant 3 : i32
      %dma_start3A_250 = arith.constant 3 : i32
      %dma_start3A_251 = arith.constant 0 : i32
      %dma_start3A_252 = arith.constant 0 : i32
      %dma_start3A_253 = tpu.memref_slice %arg8[%dma_start3A_249, %dma_start3A_251, %dma_start3A_252] : memref<4x80x128xf32, #tpu.memory_space<vmem>> -> memref<1x80x128xf32, #tpu.memory_space<vmem>>
      %dma_start3A_254 = tpu.memref_squeeze %dma_start3A_253 : memref<1x80x128xf32, #tpu.memory_space<vmem>> -> memref<80x128xf32, #tpu.memory_space<vmem>>
      %dma_start3A_255 = arith.constant 0 : i32
      %dma_start3A_256 = arith.constant 0 : i32
      %dma_start3A_257 = tpu.memref_slice %arg6[%rem3A_166, %dma_start3A_255, %dma_start3A_256] : memref<2x4x80xi32, #tpu.memory_space<vmem>> -> memref<1x4x80xi32, #tpu.memory_space<vmem>>
      %dma_start3A_258 = tpu.memref_squeeze %dma_start3A_257 : memref<1x4x80xi32, #tpu.memory_space<vmem>> -> memref<4x80xi32, #tpu.memory_space<vmem>>
      %dma_start3A_259 = arith.constant 0 : i32
      %dma_start3A_260 = tpu.memref_slice %dma_start3A_258[%dma_start3A_248, %dma_start3A_259] : memref<4x80xi32, #tpu.memory_space<vmem>> -> memref<1x80xi32, #tpu.memory_space<vmem>>
      %dma_start3A_261 = tpu.memref_squeeze %dma_start3A_260 : memref<1x80xi32, #tpu.memory_space<vmem>> -> memref<80xi32, #tpu.memory_space<vmem>>
      %dma_start3A_262 = arith.constant 0 : i32
      %dma_start3A_263 = arith.constant 0 : i32
      %dma_start3A_264 = tpu.memref_slice %arg2[%dma_start3A_262, %dma_start3A_263] : memref<10000x128xf32, #tpu.memory_space<hbm>> -> memref<10000x128xf32, #tpu.memory_space<hbm>>
      %dma_start3A_265 = tpu.memref_slice %arg10[%dma_start3A_250] : memref<4x!tpu.dma_semaphore, #tpu.memory_space<semaphore_mem>> -> memref<1x!tpu.dma_semaphore, #tpu.memory_space<semaphore_mem>>
      %dma_start3A_266 = tpu.memref_squeeze %dma_start3A_265 : memref<1x!tpu.dma_semaphore, #tpu.memory_space<semaphore_mem>> -> memref<!tpu.dma_semaphore, #tpu.memory_space<semaphore_mem>>
      tpu.enqueue_indirect_dma source(%dma_start3A_264 : memref<10000x128xf32, #tpu.memory_space<hbm>>) target(%dma_start3A_254 : memref<80x128xf32, #tpu.memory_space<vmem>>) offsets(%dma_start3A_261 : memref<80xi32, #tpu.memory_space<vmem>>) semaphore(%dma_start3A_266 : memref<!tpu.dma_semaphore, #tpu.memory_space<semaphore_mem>>)
      %add3A_267 = arith.constant 1 : i32
      %add3A_268 = arith.addi %add3A_163, %add3A_267 : i32
      %lt3A = arith.constant 31 : i32
      %lt3A_269 = arith.cmpi slt, %add3A_268, %lt3A : i32
      %convert_element_type3A_270 = arith.extui %lt3A_269 : i1 to i32
      %cond3A_271 = arith.constant 0 : i32
      %cond3A_272 = arith.cmpi ne, %convert_element_type3A_270, %cond3A_271 : i32
      scf.if %cond3A_272 {
        %sub3A = arith.constant 1 : i32
        %sub3A_425 = arith.subi %sub3A, %rem3A_166 : i32
        %add3A_426 = arith.addi %mul3A_2, %mul3A_165 : i32
        %add3A_427 = arith.constant 4 : i32
        %add3A_428 = arith.addi %add3A_426, %add3A_427 : i32
        %dma_start3A_429 = arith.constant 0 : i32
        %dma_start3A_430 = arith.constant 0 : i32
        %dma_start3A_431 = tpu.memref_slice %arg6[%sub3A_425, %dma_start3A_429, %dma_start3A_430] : memref<2x4x80xi32, #tpu.memory_space<vmem>> -> memref<1x4x80xi32, #tpu.memory_space<vmem>>
        %dma_start3A_432 = tpu.memref_squeeze %dma_start3A_431 : memref<1x4x80xi32, #tpu.memory_space<vmem>> -> memref<4x80xi32, #tpu.memory_space<vmem>>
        %dma_start3A_433 = arith.constant 0 : i32
        %dma_start3A_434 = arith.constant 0 : i32
        %dma_start3A_435 = tpu.memref_slice %arg3[%scan3A, %dma_start3A_433, %dma_start3A_434] : memref<2x4000x80xi32, #tpu.memory_space<hbm>> -> memref<1x4000x80xi32, #tpu.memory_space<hbm>>
        %dma_start3A_436 = tpu.memref_squeeze %dma_start3A_435 : memref<1x4000x80xi32, #tpu.memory_space<hbm>> -> memref<4000x80xi32, #tpu.memory_space<hbm>>
        %dma_start3A_437 = arith.constant 0 : i32
        %dma_start3A_438 = tpu.memref_slice %dma_start3A_436[%add3A_428, %dma_start3A_437] : memref<4000x80xi32, #tpu.memory_space<hbm>> -> memref<4x80xi32, #tpu.memory_space<hbm>>
        %dma_start3A_439 = tpu.memref_slice %arg12[%sub3A_425] : memref<2x!tpu.dma_semaphore, #tpu.memory_space<semaphore_mem>> -> memref<1x!tpu.dma_semaphore, #tpu.memory_space<semaphore_mem>>
        %dma_start3A_440 = tpu.memref_squeeze %dma_start3A_439 : memref<1x!tpu.dma_semaphore, #tpu.memory_space<semaphore_mem>> -> memref<!tpu.dma_semaphore, #tpu.memory_space<semaphore_mem>>
        %dma_start3A_441 = arith.constant 0 : i32
        %dma_start3A_442 = arith.constant 0 : i32
        %dma_start3A_443 = tpu.memref_slice %arg6[%sub3A_425, %dma_start3A_441, %dma_start3A_442] : memref<2x4x80xi32, #tpu.memory_space<vmem>> -> memref<1x4x80xi32, #tpu.memory_space<vmem>>
        %dma_start3A_444 = tpu.memref_squeeze %dma_start3A_443 : memref<1x4x80xi32, #tpu.memory_space<vmem>> -> memref<4x80xi32, #tpu.memory_space<vmem>>
        %dma_start3A_445 = arith.constant 0 : i32
        %dma_start3A_446 = arith.constant 0 : i32
        %dma_start3A_447 = tpu.memref_slice %arg3[%scan3A, %dma_start3A_445, %dma_start3A_446] : memref<2x4000x80xi32, #tpu.memory_space<hbm>> -> memref<1x4000x80xi32, #tpu.memory_space<hbm>>
        %dma_start3A_448 = tpu.memref_squeeze %dma_start3A_447 : memref<1x4000x80xi32, #tpu.memory_space<hbm>> -> memref<4000x80xi32, #tpu.memory_space<hbm>>
        %dma_start3A_449 = arith.constant 0 : i32
        %dma_start3A_450 = tpu.memref_slice %dma_start3A_448[%add3A_428, %dma_start3A_449] : memref<4000x80xi32, #tpu.memory_space<hbm>> -> memref<4x80xi32, #tpu.memory_space<hbm>>
        tpu.enqueue_dma source(%dma_start3A_450 : memref<4x80xi32, #tpu.memory_space<hbm>>) target(%dma_start3A_444 : memref<4x80xi32, #tpu.memory_space<vmem>>) target_semaphore(%dma_start3A_440 : memref<!tpu.dma_semaphore, #tpu.memory_space<semaphore_mem>>)
        %dma_start3A_451 = arith.constant 0 : i32
        %dma_start3A_452 = arith.constant 0 : i32
        %dma_start3A_453 = tpu.memref_slice %arg7[%sub3A_425, %dma_start3A_451, %dma_start3A_452] : memref<2x4x80xi32, #tpu.memory_space<vmem>> -> memref<1x4x80xi32, #tpu.memory_space<vmem>>
        %dma_start3A_454 = tpu.memref_squeeze %dma_start3A_453 : memref<1x4x80xi32, #tpu.memory_space<vmem>> -> memref<4x80xi32, #tpu.memory_space<vmem>>
        %dma_start3A_455 = arith.constant 0 : i32
        %dma_start3A_456 = arith.constant 0 : i32
        %dma_start3A_457 = tpu.memref_slice %arg3[%scan3A_12, %dma_start3A_455, %dma_start3A_456] : memref<2x4000x80xi32, #tpu.memory_space<hbm>> -> memref<1x4000x80xi32, #tpu.memory_space<hbm>>
        %dma_start3A_458 = tpu.memref_squeeze %dma_start3A_457 : memref<1x4000x80xi32, #tpu.memory_space<hbm>> -> memref<4000x80xi32, #tpu.memory_space<hbm>>
        %dma_start3A_459 = arith.constant 0 : i32
        %dma_start3A_460 = tpu.memref_slice %dma_start3A_458[%add3A_428, %dma_start3A_459] : memref<4000x80xi32, #tpu.memory_space<hbm>> -> memref<4x80xi32, #tpu.memory_space<hbm>>
        %dma_start3A_461 = tpu.memref_slice %arg13[%sub3A_425] : memref<2x!tpu.dma_semaphore, #tpu.memory_space<semaphore_mem>> -> memref<1x!tpu.dma_semaphore, #tpu.memory_space<semaphore_mem>>
        %dma_start3A_462 = tpu.memref_squeeze %dma_start3A_461 : memref<1x!tpu.dma_semaphore, #tpu.memory_space<semaphore_mem>> -> memref<!tpu.dma_semaphore, #tpu.memory_space<semaphore_mem>>
        %dma_start3A_463 = arith.constant 0 : i32
        %dma_start3A_464 = arith.constant 0 : i32
        %dma_start3A_465 = tpu.memref_slice %arg7[%sub3A_425, %dma_start3A_463, %dma_start3A_464] : memref<2x4x80xi32, #tpu.memory_space<vmem>> -> memref<1x4x80xi32, #tpu.memory_space<vmem>>
        %dma_start3A_466 = tpu.memref_squeeze %dma_start3A_465 : memref<1x4x80xi32, #tpu.memory_space<vmem>> -> memref<4x80xi32, #tpu.memory_space<vmem>>
        %dma_start3A_467 = arith.constant 0 : i32
        %dma_start3A_468 = arith.constant 0 : i32
        %dma_start3A_469 = tpu.memref_slice %arg3[%scan3A_12, %dma_start3A_467, %dma_start3A_468] : memref<2x4000x80xi32, #tpu.memory_space<hbm>> -> memref<1x4000x80xi32, #tpu.memory_space<hbm>>
        %dma_start3A_470 = tpu.memref_squeeze %dma_start3A_469 : memref<1x4000x80xi32, #tpu.memory_space<hbm>> -> memref<4000x80xi32, #tpu.memory_space<hbm>>
        %dma_start3A_471 = arith.constant 0 : i32
        %dma_start3A_472 = tpu.memref_slice %dma_start3A_470[%add3A_428, %dma_start3A_471] : memref<4000x80xi32, #tpu.memory_space<hbm>> -> memref<4x80xi32, #tpu.memory_space<hbm>>
        tpu.enqueue_dma source(%dma_start3A_472 : memref<4x80xi32, #tpu.memory_space<hbm>>) target(%dma_start3A_466 : memref<4x80xi32, #tpu.memory_space<vmem>>) target_semaphore(%dma_start3A_462 : memref<!tpu.dma_semaphore, #tpu.memory_space<semaphore_mem>>)
      } else {
      }
      %dma_wait3A_273 = arith.constant 0 : i32
      %dma_wait3A_274 = arith.constant 0 : i32
      %dma_wait3A_275 = arith.constant 0 : i32
      %dma_wait3A_276 = arith.constant 0 : i32
      %dma_wait3A_277 = arith.constant 0 : i32
      %dma_wait3A_278 = tpu.memref_slice %arg8[%dma_wait3A_274, %dma_wait3A_276, %dma_wait3A_277] : memref<4x80x128xf32, #tpu.memory_space<vmem>> -> memref<1x80x128xf32, #tpu.memory_space<vmem>>
      %dma_wait3A_279 = tpu.memref_squeeze %dma_wait3A_278 : memref<1x80x128xf32, #tpu.memory_space<vmem>> -> memref<80x128xf32, #tpu.memory_space<vmem>>
      %dma_wait3A_280 = arith.constant 0 : i32
      %dma_wait3A_281 = arith.constant 0 : i32
      %dma_wait3A_282 = tpu.memref_slice %arg6[%rem3A_166, %dma_wait3A_280, %dma_wait3A_281] : memref<2x4x80xi32, #tpu.memory_space<vmem>> -> memref<1x4x80xi32, #tpu.memory_space<vmem>>
      %dma_wait3A_283 = tpu.memref_squeeze %dma_wait3A_282 : memref<1x4x80xi32, #tpu.memory_space<vmem>> -> memref<4x80xi32, #tpu.memory_space<vmem>>
      %dma_wait3A_284 = arith.constant 0 : i32
      %dma_wait3A_285 = tpu.memref_slice %dma_wait3A_283[%dma_wait3A_273, %dma_wait3A_284] : memref<4x80xi32, #tpu.memory_space<vmem>> -> memref<1x80xi32, #tpu.memory_space<vmem>>
      %dma_wait3A_286 = tpu.memref_squeeze %dma_wait3A_285 : memref<1x80xi32, #tpu.memory_space<vmem>> -> memref<80xi32, #tpu.memory_space<vmem>>
      %dma_wait3A_287 = arith.constant 0 : i32
      %dma_wait3A_288 = arith.constant 0 : i32
      %dma_wait3A_289 = tpu.memref_slice %arg2[%dma_wait3A_287, %dma_wait3A_288] : memref<10000x128xf32, #tpu.memory_space<hbm>> -> memref<10000x128xf32, #tpu.memory_space<hbm>>
      %dma_wait3A_290 = tpu.memref_slice %arg10[%dma_wait3A_275] : memref<4x!tpu.dma_semaphore, #tpu.memory_space<semaphore_mem>> -> memref<1x!tpu.dma_semaphore, #tpu.memory_space<semaphore_mem>>
      %dma_wait3A_291 = tpu.memref_squeeze %dma_wait3A_290 : memref<1x!tpu.dma_semaphore, #tpu.memory_space<semaphore_mem>> -> memref<!tpu.dma_semaphore, #tpu.memory_space<semaphore_mem>>
      tpu.wait_indirect_dma semaphore(%dma_wait3A_291 : memref<!tpu.dma_semaphore, #tpu.memory_space<semaphore_mem>>) src(%dma_wait3A_289 : memref<10000x128xf32, #tpu.memory_space<hbm>>) dst(%dma_wait3A_279 : memref<80x128xf32, #tpu.memory_space<vmem>>)
      %dma_start3A_292 = arith.constant 0 : i32
      %dma_start3A_293 = arith.constant 0 : i32
      %dma_start3A_294 = arith.constant 0 : i32
      %dma_start3A_295 = arith.constant 0 : i32
      %dma_start3A_296 = arith.constant 0 : i32
      %dma_start3A_297 = tpu.memref_slice %arg8[%dma_start3A_292, %dma_start3A_295, %dma_start3A_296] : memref<4x80x128xf32, #tpu.memory_space<vmem>> -> memref<1x80x128xf32, #tpu.memory_space<vmem>>
      %dma_start3A_298 = tpu.memref_squeeze %dma_start3A_297 : memref<1x80x128xf32, #tpu.memory_space<vmem>> -> memref<80x128xf32, #tpu.memory_space<vmem>>
      %dma_start3A_299 = arith.constant 0 : i32
      %dma_start3A_300 = arith.constant 0 : i32
      %dma_start3A_301 = tpu.memref_slice %arg7[%rem3A_166, %dma_start3A_299, %dma_start3A_300] : memref<2x4x80xi32, #tpu.memory_space<vmem>> -> memref<1x4x80xi32, #tpu.memory_space<vmem>>
      %dma_start3A_302 = tpu.memref_squeeze %dma_start3A_301 : memref<1x4x80xi32, #tpu.memory_space<vmem>> -> memref<4x80xi32, #tpu.memory_space<vmem>>
      %dma_start3A_303 = arith.constant 0 : i32
      %dma_start3A_304 = tpu.memref_slice %dma_start3A_302[%dma_start3A_293, %dma_start3A_303] : memref<4x80xi32, #tpu.memory_space<vmem>> -> memref<1x80xi32, #tpu.memory_space<vmem>>
      %dma_start3A_305 = tpu.memref_squeeze %dma_start3A_304 : memref<1x80xi32, #tpu.memory_space<vmem>> -> memref<80xi32, #tpu.memory_space<vmem>>
      %dma_start3A_306 = arith.constant 0 : i32
      %dma_start3A_307 = arith.constant 0 : i32
      %dma_start3A_308 = tpu.memref_slice %arg9[%dma_start3A_306, %dma_start3A_307] : memref<10000x128xf32, #tpu.memory_space<vmem_shared>> -> memref<10000x128xf32, #tpu.memory_space<vmem_shared>>
      %dma_start3A_309 = tpu.memref_slice %arg11[%dma_start3A_294] : memref<4x!tpu.dma_semaphore, #tpu.memory_space<semaphore_mem>> -> memref<1x!tpu.dma_semaphore, #tpu.memory_space<semaphore_mem>>
      %dma_start3A_310 = tpu.memref_squeeze %dma_start3A_309 : memref<1x!tpu.dma_semaphore, #tpu.memory_space<semaphore_mem>> -> memref<!tpu.dma_semaphore, #tpu.memory_space<semaphore_mem>>
      tpu.enqueue_indirect_dma source(%dma_start3A_298 : memref<80x128xf32, #tpu.memory_space<vmem>>) target(%dma_start3A_308 : memref<10000x128xf32, #tpu.memory_space<vmem_shared>>) offsets(%dma_start3A_305 : memref<80xi32, #tpu.memory_space<vmem>>) semaphore(%dma_start3A_310 : memref<!tpu.dma_semaphore, #tpu.memory_space<semaphore_mem>>) {add = true}
      %dma_wait3A_311 = arith.constant 0 : i32
      %dma_wait3A_312 = arith.constant 1 : i32
      %dma_wait3A_313 = arith.constant 1 : i32
      %dma_wait3A_314 = arith.constant 0 : i32
      %dma_wait3A_315 = arith.constant 0 : i32
      %dma_wait3A_316 = tpu.memref_slice %arg8[%dma_wait3A_312, %dma_wait3A_314, %dma_wait3A_315] : memref<4x80x128xf32, #tpu.memory_space<vmem>> -> memref<1x80x128xf32, #tpu.memory_space<vmem>>
      %dma_wait3A_317 = tpu.memref_squeeze %dma_wait3A_316 : memref<1x80x128xf32, #tpu.memory_space<vmem>> -> memref<80x128xf32, #tpu.memory_space<vmem>>
      %dma_wait3A_318 = arith.constant 0 : i32
      %dma_wait3A_319 = arith.constant 0 : i32
      %dma_wait3A_320 = tpu.memref_slice %arg6[%rem3A_166, %dma_wait3A_318, %dma_wait3A_319] : memref<2x4x80xi32, #tpu.memory_space<vmem>> -> memref<1x4x80xi32, #tpu.memory_space<vmem>>
      %dma_wait3A_321 = tpu.memref_squeeze %dma_wait3A_320 : memref<1x4x80xi32, #tpu.memory_space<vmem>> -> memref<4x80xi32, #tpu.memory_space<vmem>>
      %dma_wait3A_322 = arith.constant 0 : i32
      %dma_wait3A_323 = tpu.memref_slice %dma_wait3A_321[%dma_wait3A_311, %dma_wait3A_322] : memref<4x80xi32, #tpu.memory_space<vmem>> -> memref<1x80xi32, #tpu.memory_space<vmem>>
      %dma_wait3A_324 = tpu.memref_squeeze %dma_wait3A_323 : memref<1x80xi32, #tpu.memory_space<vmem>> -> memref<80xi32, #tpu.memory_space<vmem>>
      %dma_wait3A_325 = arith.constant 0 : i32
      %dma_wait3A_326 = arith.constant 0 : i32
      %dma_wait3A_327 = tpu.memref_slice %arg2[%dma_wait3A_325, %dma_wait3A_326] : memref<10000x128xf32, #tpu.memory_space<hbm>> -> memref<10000x128xf32, #tpu.memory_space<hbm>>
      %dma_wait3A_328 = tpu.memref_slice %arg10[%dma_wait3A_313] : memref<4x!tpu.dma_semaphore, #tpu.memory_space<semaphore_mem>> -> memref<1x!tpu.dma_semaphore, #tpu.memory_space<semaphore_mem>>
      %dma_wait3A_329 = tpu.memref_squeeze %dma_wait3A_328 : memref<1x!tpu.dma_semaphore, #tpu.memory_space<semaphore_mem>> -> memref<!tpu.dma_semaphore, #tpu.memory_space<semaphore_mem>>
      tpu.wait_indirect_dma semaphore(%dma_wait3A_329 : memref<!tpu.dma_semaphore, #tpu.memory_space<semaphore_mem>>) src(%dma_wait3A_327 : memref<10000x128xf32, #tpu.memory_space<hbm>>) dst(%dma_wait3A_317 : memref<80x128xf32, #tpu.memory_space<vmem>>)
      %dma_start3A_330 = arith.constant 1 : i32
      %dma_start3A_331 = arith.constant 1 : i32
      %dma_start3A_332 = arith.constant 1 : i32
      %dma_start3A_333 = arith.constant 0 : i32
      %dma_start3A_334 = arith.constant 0 : i32
      %dma_start3A_335 = tpu.memref_slice %arg8[%dma_start3A_330, %dma_start3A_333, %dma_start3A_334] : memref<4x80x128xf32, #tpu.memory_space<vmem>> -> memref<1x80x128xf32, #tpu.memory_space<vmem>>
      %dma_start3A_336 = tpu.memref_squeeze %dma_start3A_335 : memref<1x80x128xf32, #tpu.memory_space<vmem>> -> memref<80x128xf32, #tpu.memory_space<vmem>>
      %dma_start3A_337 = arith.constant 0 : i32
      %dma_start3A_338 = arith.constant 0 : i32
      %dma_start3A_339 = tpu.memref_slice %arg7[%rem3A_166, %dma_start3A_337, %dma_start3A_338] : memref<2x4x80xi32, #tpu.memory_space<vmem>> -> memref<1x4x80xi32, #tpu.memory_space<vmem>>
      %dma_start3A_340 = tpu.memref_squeeze %dma_start3A_339 : memref<1x4x80xi32, #tpu.memory_space<vmem>> -> memref<4x80xi32, #tpu.memory_space<vmem>>
      %dma_start3A_341 = arith.constant 0 : i32
      %dma_start3A_342 = tpu.memref_slice %dma_start3A_340[%dma_start3A_331, %dma_start3A_341] : memref<4x80xi32, #tpu.memory_space<vmem>> -> memref<1x80xi32, #tpu.memory_space<vmem>>
      %dma_start3A_343 = tpu.memref_squeeze %dma_start3A_342 : memref<1x80xi32, #tpu.memory_space<vmem>> -> memref<80xi32, #tpu.memory_space<vmem>>
      %dma_start3A_344 = arith.constant 0 : i32
      %dma_start3A_345 = arith.constant 0 : i32
      %dma_start3A_346 = tpu.memref_slice %arg9[%dma_start3A_344, %dma_start3A_345] : memref<10000x128xf32, #tpu.memory_space<vmem_shared>> -> memref<10000x128xf32, #tpu.memory_space<vmem_shared>>
      %dma_start3A_347 = tpu.memref_slice %arg11[%dma_start3A_332] : memref<4x!tpu.dma_semaphore, #tpu.memory_space<semaphore_mem>> -> memref<1x!tpu.dma_semaphore, #tpu.memory_space<semaphore_mem>>
      %dma_start3A_348 = tpu.memref_squeeze %dma_start3A_347 : memref<1x!tpu.dma_semaphore, #tpu.memory_space<semaphore_mem>> -> memref<!tpu.dma_semaphore, #tpu.memory_space<semaphore_mem>>
      tpu.enqueue_indirect_dma source(%dma_start3A_336 : memref<80x128xf32, #tpu.memory_space<vmem>>) target(%dma_start3A_346 : memref<10000x128xf32, #tpu.memory_space<vmem_shared>>) offsets(%dma_start3A_343 : memref<80xi32, #tpu.memory_space<vmem>>) semaphore(%dma_start3A_348 : memref<!tpu.dma_semaphore, #tpu.memory_space<semaphore_mem>>) {add = true}
      %dma_wait3A_349 = arith.constant 0 : i32
      %dma_wait3A_350 = arith.constant 2 : i32
      %dma_wait3A_351 = arith.constant 2 : i32
      %dma_wait3A_352 = arith.constant 0 : i32
      %dma_wait3A_353 = arith.constant 0 : i32
      %dma_wait3A_354 = tpu.memref_slice %arg8[%dma_wait3A_350, %dma_wait3A_352, %dma_wait3A_353] : memref<4x80x128xf32, #tpu.memory_space<vmem>> -> memref<1x80x128xf32, #tpu.memory_space<vmem>>
      %dma_wait3A_355 = tpu.memref_squeeze %dma_wait3A_354 : memref<1x80x128xf32, #tpu.memory_space<vmem>> -> memref<80x128xf32, #tpu.memory_space<vmem>>
      %dma_wait3A_356 = arith.constant 0 : i32
      %dma_wait3A_357 = arith.constant 0 : i32
      %dma_wait3A_358 = tpu.memref_slice %arg6[%rem3A_166, %dma_wait3A_356, %dma_wait3A_357] : memref<2x4x80xi32, #tpu.memory_space<vmem>> -> memref<1x4x80xi32, #tpu.memory_space<vmem>>
      %dma_wait3A_359 = tpu.memref_squeeze %dma_wait3A_358 : memref<1x4x80xi32, #tpu.memory_space<vmem>> -> memref<4x80xi32, #tpu.memory_space<vmem>>
      %dma_wait3A_360 = arith.constant 0 : i32
      %dma_wait3A_361 = tpu.memref_slice %dma_wait3A_359[%dma_wait3A_349, %dma_wait3A_360] : memref<4x80xi32, #tpu.memory_space<vmem>> -> memref<1x80xi32, #tpu.memory_space<vmem>>
      %dma_wait3A_362 = tpu.memref_squeeze %dma_wait3A_361 : memref<1x80xi32, #tpu.memory_space<vmem>> -> memref<80xi32, #tpu.memory_space<vmem>>
      %dma_wait3A_363 = arith.constant 0 : i32
      %dma_wait3A_364 = arith.constant 0 : i32
      %dma_wait3A_365 = tpu.memref_slice %arg2[%dma_wait3A_363, %dma_wait3A_364] : memref<10000x128xf32, #tpu.memory_space<hbm>> -> memref<10000x128xf32, #tpu.memory_space<hbm>>
      %dma_wait3A_366 = tpu.memref_slice %arg10[%dma_wait3A_351] : memref<4x!tpu.dma_semaphore, #tpu.memory_space<semaphore_mem>> -> memref<1x!tpu.dma_semaphore, #tpu.memory_space<semaphore_mem>>
      %dma_wait3A_367 = tpu.memref_squeeze %dma_wait3A_366 : memref<1x!tpu.dma_semaphore, #tpu.memory_space<semaphore_mem>> -> memref<!tpu.dma_semaphore, #tpu.memory_space<semaphore_mem>>
      tpu.wait_indirect_dma semaphore(%dma_wait3A_367 : memref<!tpu.dma_semaphore, #tpu.memory_space<semaphore_mem>>) src(%dma_wait3A_365 : memref<10000x128xf32, #tpu.memory_space<hbm>>) dst(%dma_wait3A_355 : memref<80x128xf32, #tpu.memory_space<vmem>>)
      %dma_start3A_368 = arith.constant 2 : i32
      %dma_start3A_369 = arith.constant 2 : i32
      %dma_start3A_370 = arith.constant 2 : i32
      %dma_start3A_371 = arith.constant 0 : i32
      %dma_start3A_372 = arith.constant 0 : i32
      %dma_start3A_373 = tpu.memref_slice %arg8[%dma_start3A_368, %dma_start3A_371, %dma_start3A_372] : memref<4x80x128xf32, #tpu.memory_space<vmem>> -> memref<1x80x128xf32, #tpu.memory_space<vmem>>
      %dma_start3A_374 = tpu.memref_squeeze %dma_start3A_373 : memref<1x80x128xf32, #tpu.memory_space<vmem>> -> memref<80x128xf32, #tpu.memory_space<vmem>>
      %dma_start3A_375 = arith.constant 0 : i32
      %dma_start3A_376 = arith.constant 0 : i32
      %dma_start3A_377 = tpu.memref_slice %arg7[%rem3A_166, %dma_start3A_375, %dma_start3A_376] : memref<2x4x80xi32, #tpu.memory_space<vmem>> -> memref<1x4x80xi32, #tpu.memory_space<vmem>>
      %dma_start3A_378 = tpu.memref_squeeze %dma_start3A_377 : memref<1x4x80xi32, #tpu.memory_space<vmem>> -> memref<4x80xi32, #tpu.memory_space<vmem>>
      %dma_start3A_379 = arith.constant 0 : i32
      %dma_start3A_380 = tpu.memref_slice %dma_start3A_378[%dma_start3A_369, %dma_start3A_379] : memref<4x80xi32, #tpu.memory_space<vmem>> -> memref<1x80xi32, #tpu.memory_space<vmem>>
      %dma_start3A_381 = tpu.memref_squeeze %dma_start3A_380 : memref<1x80xi32, #tpu.memory_space<vmem>> -> memref<80xi32, #tpu.memory_space<vmem>>
      %dma_start3A_382 = arith.constant 0 : i32
      %dma_start3A_383 = arith.constant 0 : i32
      %dma_start3A_384 = tpu.memref_slice %arg9[%dma_start3A_382, %dma_start3A_383] : memref<10000x128xf32, #tpu.memory_space<vmem_shared>> -> memref<10000x128xf32, #tpu.memory_space<vmem_shared>>
      %dma_start3A_385 = tpu.memref_slice %arg11[%dma_start3A_370] : memref<4x!tpu.dma_semaphore, #tpu.memory_space<semaphore_mem>> -> memref<1x!tpu.dma_semaphore, #tpu.memory_space<semaphore_mem>>
      %dma_start3A_386 = tpu.memref_squeeze %dma_start3A_385 : memref<1x!tpu.dma_semaphore, #tpu.memory_space<semaphore_mem>> -> memref<!tpu.dma_semaphore, #tpu.memory_space<semaphore_mem>>
      tpu.enqueue_indirect_dma source(%dma_start3A_374 : memref<80x128xf32, #tpu.memory_space<vmem>>) target(%dma_start3A_384 : memref<10000x128xf32, #tpu.memory_space<vmem_shared>>) offsets(%dma_start3A_381 : memref<80xi32, #tpu.memory_space<vmem>>) semaphore(%dma_start3A_386 : memref<!tpu.dma_semaphore, #tpu.memory_space<semaphore_mem>>) {add = true}
      %dma_wait3A_387 = arith.constant 0 : i32
      %dma_wait3A_388 = arith.constant 3 : i32
      %dma_wait3A_389 = arith.constant 3 : i32
      %dma_wait3A_390 = arith.constant 0 : i32
      %dma_wait3A_391 = arith.constant 0 : i32
      %dma_wait3A_392 = tpu.memref_slice %arg8[%dma_wait3A_388, %dma_wait3A_390, %dma_wait3A_391] : memref<4x80x128xf32, #tpu.memory_space<vmem>> -> memref<1x80x128xf32, #tpu.memory_space<vmem>>
      %dma_wait3A_393 = tpu.memref_squeeze %dma_wait3A_392 : memref<1x80x128xf32, #tpu.memory_space<vmem>> -> memref<80x128xf32, #tpu.memory_space<vmem>>
      %dma_wait3A_394 = arith.constant 0 : i32
      %dma_wait3A_395 = arith.constant 0 : i32
      %dma_wait3A_396 = tpu.memref_slice %arg6[%rem3A_166, %dma_wait3A_394, %dma_wait3A_395] : memref<2x4x80xi32, #tpu.memory_space<vmem>> -> memref<1x4x80xi32, #tpu.memory_space<vmem>>
      %dma_wait3A_397 = tpu.memref_squeeze %dma_wait3A_396 : memref<1x4x80xi32, #tpu.memory_space<vmem>> -> memref<4x80xi32, #tpu.memory_space<vmem>>
      %dma_wait3A_398 = arith.constant 0 : i32
      %dma_wait3A_399 = tpu.memref_slice %dma_wait3A_397[%dma_wait3A_387, %dma_wait3A_398] : memref<4x80xi32, #tpu.memory_space<vmem>> -> memref<1x80xi32, #tpu.memory_space<vmem>>
      %dma_wait3A_400 = tpu.memref_squeeze %dma_wait3A_399 : memref<1x80xi32, #tpu.memory_space<vmem>> -> memref<80xi32, #tpu.memory_space<vmem>>
      %dma_wait3A_401 = arith.constant 0 : i32
      %dma_wait3A_402 = arith.constant 0 : i32
      %dma_wait3A_403 = tpu.memref_slice %arg2[%dma_wait3A_401, %dma_wait3A_402] : memref<10000x128xf32, #tpu.memory_space<hbm>> -> memref<10000x128xf32, #tpu.memory_space<hbm>>
      %dma_wait3A_404 = tpu.memref_slice %arg10[%dma_wait3A_389] : memref<4x!tpu.dma_semaphore, #tpu.memory_space<semaphore_mem>> -> memref<1x!tpu.dma_semaphore, #tpu.memory_space<semaphore_mem>>
      %dma_wait3A_405 = tpu.memref_squeeze %dma_wait3A_404 : memref<1x!tpu.dma_semaphore, #tpu.memory_space<semaphore_mem>> -> memref<!tpu.dma_semaphore, #tpu.memory_space<semaphore_mem>>
      tpu.wait_indirect_dma semaphore(%dma_wait3A_405 : memref<!tpu.dma_semaphore, #tpu.memory_space<semaphore_mem>>) src(%dma_wait3A_403 : memref<10000x128xf32, #tpu.memory_space<hbm>>) dst(%dma_wait3A_393 : memref<80x128xf32, #tpu.memory_space<vmem>>)
      %dma_start3A_406 = arith.constant 3 : i32
      %dma_start3A_407 = arith.constant 3 : i32
      %dma_start3A_408 = arith.constant 3 : i32
      %dma_start3A_409 = arith.constant 0 : i32
      %dma_start3A_410 = arith.constant 0 : i32
      %dma_start3A_411 = tpu.memref_slice %arg8[%dma_start3A_406, %dma_start3A_409, %dma_start3A_410] : memref<4x80x128xf32, #tpu.memory_space<vmem>> -> memref<1x80x128xf32, #tpu.memory_space<vmem>>
      %dma_start3A_412 = tpu.memref_squeeze %dma_start3A_411 : memref<1x80x128xf32, #tpu.memory_space<vmem>> -> memref<80x128xf32, #tpu.memory_space<vmem>>
      %dma_start3A_413 = arith.constant 0 : i32
      %dma_start3A_414 = arith.constant 0 : i32
      %dma_start3A_415 = tpu.memref_slice %arg7[%rem3A_166, %dma_start3A_413, %dma_start3A_414] : memref<2x4x80xi32, #tpu.memory_space<vmem>> -> memref<1x4x80xi32, #tpu.memory_space<vmem>>
      %dma_start3A_416 = tpu.memref_squeeze %dma_start3A_415 : memref<1x4x80xi32, #tpu.memory_space<vmem>> -> memref<4x80xi32, #tpu.memory_space<vmem>>
      %dma_start3A_417 = arith.constant 0 : i32
      %dma_start3A_418 = tpu.memref_slice %dma_start3A_416[%dma_start3A_407, %dma_start3A_417] : memref<4x80xi32, #tpu.memory_space<vmem>> -> memref<1x80xi32, #tpu.memory_space<vmem>>
      %dma_start3A_419 = tpu.memref_squeeze %dma_start3A_418 : memref<1x80xi32, #tpu.memory_space<vmem>> -> memref<80xi32, #tpu.memory_space<vmem>>
      %dma_start3A_420 = arith.constant 0 : i32
      %dma_start3A_421 = arith.constant 0 : i32
      %dma_start3A_422 = tpu.memref_slice %arg9[%dma_start3A_420, %dma_start3A_421] : memref<10000x128xf32, #tpu.memory_space<vmem_shared>> -> memref<10000x128xf32, #tpu.memory_space<vmem_shared>>
      %dma_start3A_423 = tpu.memref_slice %arg11[%dma_start3A_408] : memref<4x!tpu.dma_semaphore, #tpu.memory_space<semaphore_mem>> -> memref<1x!tpu.dma_semaphore, #tpu.memory_space<semaphore_mem>>
      %dma_start3A_424 = tpu.memref_squeeze %dma_start3A_423 : memref<1x!tpu.dma_semaphore, #tpu.memory_space<semaphore_mem>> -> memref<!tpu.dma_semaphore, #tpu.memory_space<semaphore_mem>>
      tpu.enqueue_indirect_dma source(%dma_start3A_412 : memref<80x128xf32, #tpu.memory_space<vmem>>) target(%dma_start3A_422 : memref<10000x128xf32, #tpu.memory_space<vmem_shared>>) offsets(%dma_start3A_419 : memref<80xi32, #tpu.memory_space<vmem>>) semaphore(%dma_start3A_424 : memref<!tpu.dma_semaphore, #tpu.memory_space<semaphore_mem>>) {add = true}
    }
    %scan3A_17 = arith.constant 31 : i32
    %dma_wait3A = arith.constant 0 : i32
    %dma_wait3A_18 = arith.constant 0 : i32
    %dma_wait3A_19 = arith.constant 0 : i32
    %dma_wait3A_20 = arith.constant 0 : i32
    %dma_wait3A_21 = arith.constant 0 : i32
    %dma_wait3A_22 = arith.constant 0 : i32
    %dma_wait3A_23 = tpu.memref_slice %arg8[%dma_wait3A, %dma_wait3A_21, %dma_wait3A_22] : memref<4x80x128xf32, #tpu.memory_space<vmem>> -> memref<1x80x128xf32, #tpu.memory_space<vmem>>
    %dma_wait3A_24 = tpu.memref_squeeze %dma_wait3A_23 : memref<1x80x128xf32, #tpu.memory_space<vmem>> -> memref<80x128xf32, #tpu.memory_space<vmem>>
    %dma_wait3A_25 = arith.constant 0 : i32
    %dma_wait3A_26 = arith.constant 0 : i32
    %dma_wait3A_27 = tpu.memref_slice %arg7[%dma_wait3A_18, %dma_wait3A_25, %dma_wait3A_26] : memref<2x4x80xi32, #tpu.memory_space<vmem>> -> memref<1x4x80xi32, #tpu.memory_space<vmem>>
    %dma_wait3A_28 = tpu.memref_squeeze %dma_wait3A_27 : memref<1x4x80xi32, #tpu.memory_space<vmem>> -> memref<4x80xi32, #tpu.memory_space<vmem>>
    %dma_wait3A_29 = arith.constant 0 : i32
    %dma_wait3A_30 = tpu.memref_slice %dma_wait3A_28[%dma_wait3A_19, %dma_wait3A_29] : memref<4x80xi32, #tpu.memory_space<vmem>> -> memref<1x80xi32, #tpu.memory_space<vmem>>
    %dma_wait3A_31 = tpu.memref_squeeze %dma_wait3A_30 : memref<1x80xi32, #tpu.memory_space<vmem>> -> memref<80xi32, #tpu.memory_space<vmem>>
    %dma_wait3A_32 = arith.constant 0 : i32
    %dma_wait3A_33 = arith.constant 0 : i32
    %dma_wait3A_34 = tpu.memref_slice %arg9[%dma_wait3A_32, %dma_wait3A_33] : memref<10000x128xf32, #tpu.memory_space<vmem_shared>> -> memref<10000x128xf32, #tpu.memory_space<vmem_shared>>
    %dma_wait3A_35 = tpu.memref_slice %arg11[%dma_wait3A_20] : memref<4x!tpu.dma_semaphore, #tpu.memory_space<semaphore_mem>> -> memref<1x!tpu.dma_semaphore, #tpu.memory_space<semaphore_mem>>
    %dma_wait3A_36 = tpu.memref_squeeze %dma_wait3A_35 : memref<1x!tpu.dma_semaphore, #tpu.memory_space<semaphore_mem>> -> memref<!tpu.dma_semaphore, #tpu.memory_space<semaphore_mem>>
    tpu.wait_indirect_dma semaphore(%dma_wait3A_36 : memref<!tpu.dma_semaphore, #tpu.memory_space<semaphore_mem>>) src(%dma_wait3A_24 : memref<80x128xf32, #tpu.memory_space<vmem>>) dst(%dma_wait3A_34 : memref<10000x128xf32, #tpu.memory_space<vmem_shared>>)
    %dma_wait3A_37 = arith.constant 1 : i32
    %dma_wait3A_38 = arith.constant 0 : i32
    %dma_wait3A_39 = arith.constant 0 : i32
    %dma_wait3A_40 = arith.constant 1 : i32
    %dma_wait3A_41 = arith.constant 0 : i32
    %dma_wait3A_42 = arith.constant 0 : i32
    %dma_wait3A_43 = tpu.memref_slice %arg8[%dma_wait3A_37, %dma_wait3A_41, %dma_wait3A_42] : memref<4x80x128xf32, #tpu.memory_space<vmem>> -> memref<1x80x128xf32, #tpu.memory_space<vmem>>
    %dma_wait3A_44 = tpu.memref_squeeze %dma_wait3A_43 : memref<1x80x128xf32, #tpu.memory_space<vmem>> -> memref<80x128xf32, #tpu.memory_space<vmem>>
    %dma_wait3A_45 = arith.constant 0 : i32
    %dma_wait3A_46 = arith.constant 0 : i32
    %dma_wait3A_47 = tpu.memref_slice %arg7[%dma_wait3A_38, %dma_wait3A_45, %dma_wait3A_46] : memref<2x4x80xi32, #tpu.memory_space<vmem>> -> memref<1x4x80xi32, #tpu.memory_space<vmem>>
    %dma_wait3A_48 = tpu.memref_squeeze %dma_wait3A_47 : memref<1x4x80xi32, #tpu.memory_space<vmem>> -> memref<4x80xi32, #tpu.memory_space<vmem>>
    %dma_wait3A_49 = arith.constant 0 : i32
    %dma_wait3A_50 = tpu.memref_slice %dma_wait3A_48[%dma_wait3A_39, %dma_wait3A_49] : memref<4x80xi32, #tpu.memory_space<vmem>> -> memref<1x80xi32, #tpu.memory_space<vmem>>
    %dma_wait3A_51 = tpu.memref_squeeze %dma_wait3A_50 : memref<1x80xi32, #tpu.memory_space<vmem>> -> memref<80xi32, #tpu.memory_space<vmem>>
    %dma_wait3A_52 = arith.constant 0 : i32
    %dma_wait3A_53 = arith.constant 0 : i32
    %dma_wait3A_54 = tpu.memref_slice %arg9[%dma_wait3A_52, %dma_wait3A_53] : memref<10000x128xf32, #tpu.memory_space<vmem_shared>> -> memref<10000x128xf32, #tpu.memory_space<vmem_shared>>
    %dma_wait3A_55 = tpu.memref_slice %arg11[%dma_wait3A_40] : memref<4x!tpu.dma_semaphore, #tpu.memory_space<semaphore_mem>> -> memref<1x!tpu.dma_semaphore, #tpu.memory_space<semaphore_mem>>
    %dma_wait3A_56 = tpu.memref_squeeze %dma_wait3A_55 : memref<1x!tpu.dma_semaphore, #tpu.memory_space<semaphore_mem>> -> memref<!tpu.dma_semaphore, #tpu.memory_space<semaphore_mem>>
    tpu.wait_indirect_dma semaphore(%dma_wait3A_56 : memref<!tpu.dma_semaphore, #tpu.memory_space<semaphore_mem>>) src(%dma_wait3A_44 : memref<80x128xf32, #tpu.memory_space<vmem>>) dst(%dma_wait3A_54 : memref<10000x128xf32, #tpu.memory_space<vmem_shared>>)
    %dma_wait3A_57 = arith.constant 2 : i32
    %dma_wait3A_58 = arith.constant 0 : i32
    %dma_wait3A_59 = arith.constant 0 : i32
    %dma_wait3A_60 = arith.constant 2 : i32
    %dma_wait3A_61 = arith.constant 0 : i32
    %dma_wait3A_62 = arith.constant 0 : i32
    %dma_wait3A_63 = tpu.memref_slice %arg8[%dma_wait3A_57, %dma_wait3A_61, %dma_wait3A_62] : memref<4x80x128xf32, #tpu.memory_space<vmem>> -> memref<1x80x128xf32, #tpu.memory_space<vmem>>
    %dma_wait3A_64 = tpu.memref_squeeze %dma_wait3A_63 : memref<1x80x128xf32, #tpu.memory_space<vmem>> -> memref<80x128xf32, #tpu.memory_space<vmem>>
    %dma_wait3A_65 = arith.constant 0 : i32
    %dma_wait3A_66 = arith.constant 0 : i32
    %dma_wait3A_67 = tpu.memref_slice %arg7[%dma_wait3A_58, %dma_wait3A_65, %dma_wait3A_66] : memref<2x4x80xi32, #tpu.memory_space<vmem>> -> memref<1x4x80xi32, #tpu.memory_space<vmem>>
    %dma_wait3A_68 = tpu.memref_squeeze %dma_wait3A_67 : memref<1x4x80xi32, #tpu.memory_space<vmem>> -> memref<4x80xi32, #tpu.memory_space<vmem>>
    %dma_wait3A_69 = arith.constant 0 : i32
    %dma_wait3A_70 = tpu.memref_slice %dma_wait3A_68[%dma_wait3A_59, %dma_wait3A_69] : memref<4x80xi32, #tpu.memory_space<vmem>> -> memref<1x80xi32, #tpu.memory_space<vmem>>
    %dma_wait3A_71 = tpu.memref_squeeze %dma_wait3A_70 : memref<1x80xi32, #tpu.memory_space<vmem>> -> memref<80xi32, #tpu.memory_space<vmem>>
    %dma_wait3A_72 = arith.constant 0 : i32
    %dma_wait3A_73 = arith.constant 0 : i32
    %dma_wait3A_74 = tpu.memref_slice %arg9[%dma_wait3A_72, %dma_wait3A_73] : memref<10000x128xf32, #tpu.memory_space<vmem_shared>> -> memref<10000x128xf32, #tpu.memory_space<vmem_shared>>
    %dma_wait3A_75 = tpu.memref_slice %arg11[%dma_wait3A_60] : memref<4x!tpu.dma_semaphore, #tpu.memory_space<semaphore_mem>> -> memref<1x!tpu.dma_semaphore, #tpu.memory_space<semaphore_mem>>
    %dma_wait3A_76 = tpu.memref_squeeze %dma_wait3A_75 : memref<1x!tpu.dma_semaphore, #tpu.memory_space<semaphore_mem>> -> memref<!tpu.dma_semaphore, #tpu.memory_space<semaphore_mem>>
    tpu.wait_indirect_dma semaphore(%dma_wait3A_76 : memref<!tpu.dma_semaphore, #tpu.memory_space<semaphore_mem>>) src(%dma_wait3A_64 : memref<80x128xf32, #tpu.memory_space<vmem>>) dst(%dma_wait3A_74 : memref<10000x128xf32, #tpu.memory_space<vmem_shared>>)
    %dma_wait3A_77 = arith.constant 3 : i32
    %dma_wait3A_78 = arith.constant 0 : i32
    %dma_wait3A_79 = arith.constant 0 : i32
    %dma_wait3A_80 = arith.constant 3 : i32
    %dma_wait3A_81 = arith.constant 0 : i32
    %dma_wait3A_82 = arith.constant 0 : i32
    %dma_wait3A_83 = tpu.memref_slice %arg8[%dma_wait3A_77, %dma_wait3A_81, %dma_wait3A_82] : memref<4x80x128xf32, #tpu.memory_space<vmem>> -> memref<1x80x128xf32, #tpu.memory_space<vmem>>
    %dma_wait3A_84 = tpu.memref_squeeze %dma_wait3A_83 : memref<1x80x128xf32, #tpu.memory_space<vmem>> -> memref<80x128xf32, #tpu.memory_space<vmem>>
    %dma_wait3A_85 = arith.constant 0 : i32
    %dma_wait3A_86 = arith.constant 0 : i32
    %dma_wait3A_87 = tpu.memref_slice %arg7[%dma_wait3A_78, %dma_wait3A_85, %dma_wait3A_86] : memref<2x4x80xi32, #tpu.memory_space<vmem>> -> memref<1x4x80xi32, #tpu.memory_space<vmem>>
    %dma_wait3A_88 = tpu.memref_squeeze %dma_wait3A_87 : memref<1x4x80xi32, #tpu.memory_space<vmem>> -> memref<4x80xi32, #tpu.memory_space<vmem>>
    %dma_wait3A_89 = arith.constant 0 : i32
    %dma_wait3A_90 = tpu.memref_slice %dma_wait3A_88[%dma_wait3A_79, %dma_wait3A_89] : memref<4x80xi32, #tpu.memory_space<vmem>> -> memref<1x80xi32, #tpu.memory_space<vmem>>
    %dma_wait3A_91 = tpu.memref_squeeze %dma_wait3A_90 : memref<1x80xi32, #tpu.memory_space<vmem>> -> memref<80xi32, #tpu.memory_space<vmem>>
    %dma_wait3A_92 = arith.constant 0 : i32
    %dma_wait3A_93 = arith.constant 0 : i32
    %dma_wait3A_94 = tpu.memref_slice %arg9[%dma_wait3A_92, %dma_wait3A_93] : memref<10000x128xf32, #tpu.memory_space<vmem_shared>> -> memref<10000x128xf32, #tpu.memory_space<vmem_shared>>
    %dma_wait3A_95 = tpu.memref_slice %arg11[%dma_wait3A_80] : memref<4x!tpu.dma_semaphore, #tpu.memory_space<semaphore_mem>> -> memref<1x!tpu.dma_semaphore, #tpu.memory_space<semaphore_mem>>
    %dma_wait3A_96 = tpu.memref_squeeze %dma_wait3A_95 : memref<1x!tpu.dma_semaphore, #tpu.memory_space<semaphore_mem>> -> memref<!tpu.dma_semaphore, #tpu.memory_space<semaphore_mem>>
    tpu.wait_indirect_dma semaphore(%dma_wait3A_96 : memref<!tpu.dma_semaphore, #tpu.memory_space<semaphore_mem>>) src(%dma_wait3A_84 : memref<80x128xf32, #tpu.memory_space<vmem>>) dst(%dma_wait3A_94 : memref<10000x128xf32, #tpu.memory_space<vmem_shared>>)
    %add3A_97 = arith.constant 124 : i32
    %add3A_98 = arith.addi %add3A_97, %mul3A_2 : i32
    %run_scoped3A_99 = arith.constant 0 : i32
    %run_scoped3A_100 = arith.constant 0 : i32
    %run_scoped3A_101 = arith.constant 0 : i32
    "tpu.region"() ({
      %run_scoped3A_159 = tpu.sem_alloc : memref<!tpu.dma_semaphore, #tpu.memory_space<semaphore_mem>>
      %dma_start3A_160 = arith.constant 0 : i32
      %dma_start3A_161 = arith.constant 0 : i32
      %dma_start3A_162 = tpu.memref_slice %arg6[%run_scoped3A_100, %dma_start3A_160, %dma_start3A_161] : memref<2x4x80xi32, #tpu.memory_space<vmem>> -> memref<1x4x80xi32, #tpu.memory_space<vmem>>
      %dma_start3A_163 = tpu.memref_squeeze %dma_start3A_162 : memref<1x4x80xi32, #tpu.memory_space<vmem>> -> memref<4x80xi32, #tpu.memory_space<vmem>>
      %dma_start3A_164 = arith.constant 0 : i32
      %dma_start3A_165 = tpu.memref_slice %dma_start3A_163[%run_scoped3A_101, %dma_start3A_164] : memref<4x80xi32, #tpu.memory_space<vmem>> -> memref<1x80xi32, #tpu.memory_space<vmem>>
      %dma_start3A_166 = tpu.memref_squeeze %dma_start3A_165 : memref<1x80xi32, #tpu.memory_space<vmem>> -> memref<80xi32, #tpu.memory_space<vmem>>
      %dma_start3A_167 = arith.constant 0 : i32
      %dma_start3A_168 = arith.constant 0 : i32
      %dma_start3A_169 = tpu.memref_slice %arg3[%run_scoped3A_99, %dma_start3A_167, %dma_start3A_168] : memref<2x4000x80xi32, #tpu.memory_space<hbm>> -> memref<1x4000x80xi32, #tpu.memory_space<hbm>>
      %dma_start3A_170 = tpu.memref_squeeze %dma_start3A_169 : memref<1x4000x80xi32, #tpu.memory_space<hbm>> -> memref<4000x80xi32, #tpu.memory_space<hbm>>
      %dma_start3A_171 = arith.constant 0 : i32
      %dma_start3A_172 = tpu.memref_slice %dma_start3A_170[%add3A_98, %dma_start3A_171] : memref<4000x80xi32, #tpu.memory_space<hbm>> -> memref<1x80xi32, #tpu.memory_space<hbm>>
      %dma_start3A_173 = tpu.memref_squeeze %dma_start3A_172 : memref<1x80xi32, #tpu.memory_space<hbm>> -> memref<80xi32, #tpu.memory_space<hbm>>
      %dma_start3A_174 = arith.constant 0 : i32
      %dma_start3A_175 = arith.constant 0 : i32
      %dma_start3A_176 = tpu.memref_slice %arg6[%run_scoped3A_100, %dma_start3A_174, %dma_start3A_175] : memref<2x4x80xi32, #tpu.memory_space<vmem>> -> memref<1x4x80xi32, #tpu.memory_space<vmem>>
      %dma_start3A_177 = tpu.memref_squeeze %dma_start3A_176 : memref<1x4x80xi32, #tpu.memory_space<vmem>> -> memref<4x80xi32, #tpu.memory_space<vmem>>
      %dma_start3A_178 = arith.constant 0 : i32
      %dma_start3A_179 = tpu.memref_slice %dma_start3A_177[%run_scoped3A_101, %dma_start3A_178] : memref<4x80xi32, #tpu.memory_space<vmem>> -> memref<1x80xi32, #tpu.memory_space<vmem>>
      %dma_start3A_180 = tpu.memref_squeeze %dma_start3A_179 : memref<1x80xi32, #tpu.memory_space<vmem>> -> memref<80xi32, #tpu.memory_space<vmem>>
      %dma_start3A_181 = arith.constant 0 : i32
      %dma_start3A_182 = arith.constant 0 : i32
      %dma_start3A_183 = tpu.memref_slice %arg3[%run_scoped3A_99, %dma_start3A_181, %dma_start3A_182] : memref<2x4000x80xi32, #tpu.memory_space<hbm>> -> memref<1x4000x80xi32, #tpu.memory_space<hbm>>
      %dma_start3A_184 = tpu.memref_squeeze %dma_start3A_183 : memref<1x4000x80xi32, #tpu.memory_space<hbm>> -> memref<4000x80xi32, #tpu.memory_space<hbm>>
      %dma_start3A_185 = arith.constant 0 : i32
      %dma_start3A_186 = tpu.memref_slice %dma_start3A_184[%add3A_98, %dma_start3A_185] : memref<4000x80xi32, #tpu.memory_space<hbm>> -> memref<1x80xi32, #tpu.memory_space<hbm>>
      %dma_start3A_187 = tpu.memref_squeeze %dma_start3A_186 : memref<1x80xi32, #tpu.memory_space<hbm>> -> memref<80xi32, #tpu.memory_space<hbm>>
      tpu.enqueue_dma source(%dma_start3A_187 : memref<80xi32, #tpu.memory_space<hbm>>) target(%dma_start3A_180 : memref<80xi32, #tpu.memory_space<vmem>>) target_semaphore(%run_scoped3A_159 : memref<!tpu.dma_semaphore, #tpu.memory_space<semaphore_mem>>)
      %dma_wait3A_188 = arith.constant 0 : i32
      %dma_wait3A_189 = arith.constant 0 : i32
      %dma_wait3A_190 = tpu.memref_slice %arg6[%run_scoped3A_100, %dma_wait3A_188, %dma_wait3A_189] : memref<2x4x80xi32, #tpu.memory_space<vmem>> -> memref<1x4x80xi32, #tpu.memory_space<vmem>>
      %dma_wait3A_191 = tpu.memref_squeeze %dma_wait3A_190 : memref<1x4x80xi32, #tpu.memory_space<vmem>> -> memref<4x80xi32, #tpu.memory_space<vmem>>
      %dma_wait3A_192 = arith.constant 0 : i32
      %dma_wait3A_193 = tpu.memref_slice %dma_wait3A_191[%run_scoped3A_101, %dma_wait3A_192] : memref<4x80xi32, #tpu.memory_space<vmem>> -> memref<1x80xi32, #tpu.memory_space<vmem>>
      %dma_wait3A_194 = tpu.memref_squeeze %dma_wait3A_193 : memref<1x80xi32, #tpu.memory_space<vmem>> -> memref<80xi32, #tpu.memory_space<vmem>>
      %dma_wait3A_195 = arith.constant 0 : i32
      %dma_wait3A_196 = arith.constant 0 : i32
      %dma_wait3A_197 = tpu.memref_slice %arg3[%run_scoped3A_99, %dma_wait3A_195, %dma_wait3A_196] : memref<2x4000x80xi32, #tpu.memory_space<hbm>> -> memref<1x4000x80xi32, #tpu.memory_space<hbm>>
      %dma_wait3A_198 = tpu.memref_squeeze %dma_wait3A_197 : memref<1x4000x80xi32, #tpu.memory_space<hbm>> -> memref<4000x80xi32, #tpu.memory_space<hbm>>
      %dma_wait3A_199 = arith.constant 0 : i32
      %dma_wait3A_200 = tpu.memref_slice %dma_wait3A_198[%add3A_98, %dma_wait3A_199] : memref<4000x80xi32, #tpu.memory_space<hbm>> -> memref<1x80xi32, #tpu.memory_space<hbm>>
      %dma_wait3A_201 = tpu.memref_squeeze %dma_wait3A_200 : memref<1x80xi32, #tpu.memory_space<hbm>> -> memref<80xi32, #tpu.memory_space<hbm>>
      %dma_wait3A_202 = arith.constant 0 : i32
      %dma_wait3A_203 = arith.constant 0 : i32
      %dma_wait3A_204 = tpu.memref_slice %arg6[%run_scoped3A_100, %dma_wait3A_202, %dma_wait3A_203] : memref<2x4x80xi32, #tpu.memory_space<vmem>> -> memref<1x4x80xi32, #tpu.memory_space<vmem>>
      %dma_wait3A_205 = tpu.memref_squeeze %dma_wait3A_204 : memref<1x4x80xi32, #tpu.memory_space<vmem>> -> memref<4x80xi32, #tpu.memory_space<vmem>>
      %dma_wait3A_206 = arith.constant 0 : i32
      %dma_wait3A_207 = tpu.memref_slice %dma_wait3A_205[%run_scoped3A_101, %dma_wait3A_206] : memref<4x80xi32, #tpu.memory_space<vmem>> -> memref<1x80xi32, #tpu.memory_space<vmem>>
      %dma_wait3A_208 = tpu.memref_squeeze %dma_wait3A_207 : memref<1x80xi32, #tpu.memory_space<vmem>> -> memref<80xi32, #tpu.memory_space<vmem>>
      %dma_wait3A_209 = arith.constant 0 : i32
      %dma_wait3A_210 = arith.constant 0 : i32
      %dma_wait3A_211 = tpu.memref_slice %arg3[%run_scoped3A_99, %dma_wait3A_209, %dma_wait3A_210] : memref<2x4000x80xi32, #tpu.memory_space<hbm>> -> memref<1x4000x80xi32, #tpu.memory_space<hbm>>
      %dma_wait3A_212 = tpu.memref_squeeze %dma_wait3A_211 : memref<1x4000x80xi32, #tpu.memory_space<hbm>> -> memref<4000x80xi32, #tpu.memory_space<hbm>>
      %dma_wait3A_213 = arith.constant 0 : i32
      %dma_wait3A_214 = tpu.memref_slice %dma_wait3A_212[%add3A_98, %dma_wait3A_213] : memref<4000x80xi32, #tpu.memory_space<hbm>> -> memref<1x80xi32, #tpu.memory_space<hbm>>
      %dma_wait3A_215 = tpu.memref_squeeze %dma_wait3A_214 : memref<1x80xi32, #tpu.memory_space<hbm>> -> memref<80xi32, #tpu.memory_space<hbm>>
      tpu.wait_dma2 semaphore(%run_scoped3A_159 : memref<!tpu.dma_semaphore, #tpu.memory_space<semaphore_mem>>) src(%dma_wait3A_215 : memref<80xi32, #tpu.memory_space<hbm>>) dst(%dma_wait3A_208 : memref<80xi32, #tpu.memory_space<vmem>>)
      tpu.yield
    }) : () -> ()
    %add3A_102 = arith.constant 124 : i32
    %add3A_103 = arith.addi %add3A_102, %mul3A_2 : i32
    %run_scoped3A_104 = arith.constant 1 : i32
    %run_scoped3A_105 = arith.constant 0 : i32
    %run_scoped3A_106 = arith.constant 0 : i32
    "tpu.region"() ({
      %run_scoped3A_159 = tpu.sem_alloc : memref<!tpu.dma_semaphore, #tpu.memory_space<semaphore_mem>>
      %dma_start3A_160 = arith.constant 0 : i32
      %dma_start3A_161 = arith.constant 0 : i32
      %dma_start3A_162 = tpu.memref_slice %arg7[%run_scoped3A_105, %dma_start3A_160, %dma_start3A_161] : memref<2x4x80xi32, #tpu.memory_space<vmem>> -> memref<1x4x80xi32, #tpu.memory_space<vmem>>
      %dma_start3A_163 = tpu.memref_squeeze %dma_start3A_162 : memref<1x4x80xi32, #tpu.memory_space<vmem>> -> memref<4x80xi32, #tpu.memory_space<vmem>>
      %dma_start3A_164 = arith.constant 0 : i32
      %dma_start3A_165 = tpu.memref_slice %dma_start3A_163[%run_scoped3A_106, %dma_start3A_164] : memref<4x80xi32, #tpu.memory_space<vmem>> -> memref<1x80xi32, #tpu.memory_space<vmem>>
      %dma_start3A_166 = tpu.memref_squeeze %dma_start3A_165 : memref<1x80xi32, #tpu.memory_space<vmem>> -> memref<80xi32, #tpu.memory_space<vmem>>
      %dma_start3A_167 = arith.constant 0 : i32
      %dma_start3A_168 = arith.constant 0 : i32
      %dma_start3A_169 = tpu.memref_slice %arg3[%run_scoped3A_104, %dma_start3A_167, %dma_start3A_168] : memref<2x4000x80xi32, #tpu.memory_space<hbm>> -> memref<1x4000x80xi32, #tpu.memory_space<hbm>>
      %dma_start3A_170 = tpu.memref_squeeze %dma_start3A_169 : memref<1x4000x80xi32, #tpu.memory_space<hbm>> -> memref<4000x80xi32, #tpu.memory_space<hbm>>
      %dma_start3A_171 = arith.constant 0 : i32
      %dma_start3A_172 = tpu.memref_slice %dma_start3A_170[%add3A_103, %dma_start3A_171] : memref<4000x80xi32, #tpu.memory_space<hbm>> -> memref<1x80xi32, #tpu.memory_space<hbm>>
      %dma_start3A_173 = tpu.memref_squeeze %dma_start3A_172 : memref<1x80xi32, #tpu.memory_space<hbm>> -> memref<80xi32, #tpu.memory_space<hbm>>
      %dma_start3A_174 = arith.constant 0 : i32
      %dma_start3A_175 = arith.constant 0 : i32
      %dma_start3A_176 = tpu.memref_slice %arg7[%run_scoped3A_105, %dma_start3A_174, %dma_start3A_175] : memref<2x4x80xi32, #tpu.memory_space<vmem>> -> memref<1x4x80xi32, #tpu.memory_space<vmem>>
      %dma_start3A_177 = tpu.memref_squeeze %dma_start3A_176 : memref<1x4x80xi32, #tpu.memory_space<vmem>> -> memref<4x80xi32, #tpu.memory_space<vmem>>
      %dma_start3A_178 = arith.constant 0 : i32
      %dma_start3A_179 = tpu.memref_slice %dma_start3A_177[%run_scoped3A_106, %dma_start3A_178] : memref<4x80xi32, #tpu.memory_space<vmem>> -> memref<1x80xi32, #tpu.memory_space<vmem>>
      %dma_start3A_180 = tpu.memref_squeeze %dma_start3A_179 : memref<1x80xi32, #tpu.memory_space<vmem>> -> memref<80xi32, #tpu.memory_space<vmem>>
      %dma_start3A_181 = arith.constant 0 : i32
      %dma_start3A_182 = arith.constant 0 : i32
      %dma_start3A_183 = tpu.memref_slice %arg3[%run_scoped3A_104, %dma_start3A_181, %dma_start3A_182] : memref<2x4000x80xi32, #tpu.memory_space<hbm>> -> memref<1x4000x80xi32, #tpu.memory_space<hbm>>
      %dma_start3A_184 = tpu.memref_squeeze %dma_start3A_183 : memref<1x4000x80xi32, #tpu.memory_space<hbm>> -> memref<4000x80xi32, #tpu.memory_space<hbm>>
      %dma_start3A_185 = arith.constant 0 : i32
      %dma_start3A_186 = tpu.memref_slice %dma_start3A_184[%add3A_103, %dma_start3A_185] : memref<4000x80xi32, #tpu.memory_space<hbm>> -> memref<1x80xi32, #tpu.memory_space<hbm>>
      %dma_start3A_187 = tpu.memref_squeeze %dma_start3A_186 : memref<1x80xi32, #tpu.memory_space<hbm>> -> memref<80xi32, #tpu.memory_space<hbm>>
      tpu.enqueue_dma source(%dma_start3A_187 : memref<80xi32, #tpu.memory_space<hbm>>) target(%dma_start3A_180 : memref<80xi32, #tpu.memory_space<vmem>>) target_semaphore(%run_scoped3A_159 : memref<!tpu.dma_semaphore, #tpu.memory_space<semaphore_mem>>)
      %dma_wait3A_188 = arith.constant 0 : i32
      %dma_wait3A_189 = arith.constant 0 : i32
      %dma_wait3A_190 = tpu.memref_slice %arg7[%run_scoped3A_105, %dma_wait3A_188, %dma_wait3A_189] : memref<2x4x80xi32, #tpu.memory_space<vmem>> -> memref<1x4x80xi32, #tpu.memory_space<vmem>>
      %dma_wait3A_191 = tpu.memref_squeeze %dma_wait3A_190 : memref<1x4x80xi32, #tpu.memory_space<vmem>> -> memref<4x80xi32, #tpu.memory_space<vmem>>
      %dma_wait3A_192 = arith.constant 0 : i32
      %dma_wait3A_193 = tpu.memref_slice %dma_wait3A_191[%run_scoped3A_106, %dma_wait3A_192] : memref<4x80xi32, #tpu.memory_space<vmem>> -> memref<1x80xi32, #tpu.memory_space<vmem>>
      %dma_wait3A_194 = tpu.memref_squeeze %dma_wait3A_193 : memref<1x80xi32, #tpu.memory_space<vmem>> -> memref<80xi32, #tpu.memory_space<vmem>>
      %dma_wait3A_195 = arith.constant 0 : i32
      %dma_wait3A_196 = arith.constant 0 : i32
      %dma_wait3A_197 = tpu.memref_slice %arg3[%run_scoped3A_104, %dma_wait3A_195, %dma_wait3A_196] : memref<2x4000x80xi32, #tpu.memory_space<hbm>> -> memref<1x4000x80xi32, #tpu.memory_space<hbm>>
      %dma_wait3A_198 = tpu.memref_squeeze %dma_wait3A_197 : memref<1x4000x80xi32, #tpu.memory_space<hbm>> -> memref<4000x80xi32, #tpu.memory_space<hbm>>
      %dma_wait3A_199 = arith.constant 0 : i32
      %dma_wait3A_200 = tpu.memref_slice %dma_wait3A_198[%add3A_103, %dma_wait3A_199] : memref<4000x80xi32, #tpu.memory_space<hbm>> -> memref<1x80xi32, #tpu.memory_space<hbm>>
      %dma_wait3A_201 = tpu.memref_squeeze %dma_wait3A_200 : memref<1x80xi32, #tpu.memory_space<hbm>> -> memref<80xi32, #tpu.memory_space<hbm>>
      %dma_wait3A_202 = arith.constant 0 : i32
      %dma_wait3A_203 = arith.constant 0 : i32
      %dma_wait3A_204 = tpu.memref_slice %arg7[%run_scoped3A_105, %dma_wait3A_202, %dma_wait3A_203] : memref<2x4x80xi32, #tpu.memory_space<vmem>> -> memref<1x4x80xi32, #tpu.memory_space<vmem>>
      %dma_wait3A_205 = tpu.memref_squeeze %dma_wait3A_204 : memref<1x4x80xi32, #tpu.memory_space<vmem>> -> memref<4x80xi32, #tpu.memory_space<vmem>>
      %dma_wait3A_206 = arith.constant 0 : i32
      %dma_wait3A_207 = tpu.memref_slice %dma_wait3A_205[%run_scoped3A_106, %dma_wait3A_206] : memref<4x80xi32, #tpu.memory_space<vmem>> -> memref<1x80xi32, #tpu.memory_space<vmem>>
      %dma_wait3A_208 = tpu.memref_squeeze %dma_wait3A_207 : memref<1x80xi32, #tpu.memory_space<vmem>> -> memref<80xi32, #tpu.memory_space<vmem>>
      %dma_wait3A_209 = arith.constant 0 : i32
      %dma_wait3A_210 = arith.constant 0 : i32
      %dma_wait3A_211 = tpu.memref_slice %arg3[%run_scoped3A_104, %dma_wait3A_209, %dma_wait3A_210] : memref<2x4000x80xi32, #tpu.memory_space<hbm>> -> memref<1x4000x80xi32, #tpu.memory_space<hbm>>
      %dma_wait3A_212 = tpu.memref_squeeze %dma_wait3A_211 : memref<1x4000x80xi32, #tpu.memory_space<hbm>> -> memref<4000x80xi32, #tpu.memory_space<hbm>>
      %dma_wait3A_213 = arith.constant 0 : i32
      %dma_wait3A_214 = tpu.memref_slice %dma_wait3A_212[%add3A_103, %dma_wait3A_213] : memref<4000x80xi32, #tpu.memory_space<hbm>> -> memref<1x80xi32, #tpu.memory_space<hbm>>
      %dma_wait3A_215 = tpu.memref_squeeze %dma_wait3A_214 : memref<1x80xi32, #tpu.memory_space<hbm>> -> memref<80xi32, #tpu.memory_space<hbm>>
      tpu.wait_dma2 semaphore(%run_scoped3A_159 : memref<!tpu.dma_semaphore, #tpu.memory_space<semaphore_mem>>) src(%dma_wait3A_215 : memref<80xi32, #tpu.memory_space<hbm>>) dst(%dma_wait3A_208 : memref<80xi32, #tpu.memory_space<vmem>>)
      tpu.yield
    }) : () -> ()
    %dma_start3A = arith.constant 0 : i32
    %dma_start3A_107 = arith.constant 0 : i32
    %dma_start3A_108 = arith.constant 0 : i32
    %dma_start3A_109 = arith.constant 0 : i32
    %dma_start3A_110 = arith.constant 0 : i32
    %dma_start3A_111 = arith.constant 0 : i32
    %dma_start3A_112 = tpu.memref_slice %arg8[%dma_start3A_108, %dma_start3A_110, %dma_start3A_111] : memref<4x80x128xf32, #tpu.memory_space<vmem>> -> memref<1x80x128xf32, #tpu.memory_space<vmem>>
    %dma_start3A_113 = tpu.memref_squeeze %dma_start3A_112 : memref<1x80x128xf32, #tpu.memory_space<vmem>> -> memref<80x128xf32, #tpu.memory_space<vmem>>
    %dma_start3A_114 = arith.constant 0 : i32
    %dma_start3A_115 = arith.constant 0 : i32
    %dma_start3A_116 = tpu.memref_slice %arg6[%dma_start3A, %dma_start3A_114, %dma_start3A_115] : memref<2x4x80xi32, #tpu.memory_space<vmem>> -> memref<1x4x80xi32, #tpu.memory_space<vmem>>
    %dma_start3A_117 = tpu.memref_squeeze %dma_start3A_116 : memref<1x4x80xi32, #tpu.memory_space<vmem>> -> memref<4x80xi32, #tpu.memory_space<vmem>>
    %dma_start3A_118 = arith.constant 0 : i32
    %dma_start3A_119 = tpu.memref_slice %dma_start3A_117[%dma_start3A_107, %dma_start3A_118] : memref<4x80xi32, #tpu.memory_space<vmem>> -> memref<1x80xi32, #tpu.memory_space<vmem>>
    %dma_start3A_120 = tpu.memref_squeeze %dma_start3A_119 : memref<1x80xi32, #tpu.memory_space<vmem>> -> memref<80xi32, #tpu.memory_space<vmem>>
    %dma_start3A_121 = arith.constant 0 : i32
    %dma_start3A_122 = arith.constant 0 : i32
    %dma_start3A_123 = tpu.memref_slice %arg2[%dma_start3A_121, %dma_start3A_122] : memref<10000x128xf32, #tpu.memory_space<hbm>> -> memref<10000x128xf32, #tpu.memory_space<hbm>>
    %dma_start3A_124 = tpu.memref_slice %arg10[%dma_start3A_109] : memref<4x!tpu.dma_semaphore, #tpu.memory_space<semaphore_mem>> -> memref<1x!tpu.dma_semaphore, #tpu.memory_space<semaphore_mem>>
    %dma_start3A_125 = tpu.memref_squeeze %dma_start3A_124 : memref<1x!tpu.dma_semaphore, #tpu.memory_space<semaphore_mem>> -> memref<!tpu.dma_semaphore, #tpu.memory_space<semaphore_mem>>
    tpu.enqueue_indirect_dma source(%dma_start3A_123 : memref<10000x128xf32, #tpu.memory_space<hbm>>) target(%dma_start3A_113 : memref<80x128xf32, #tpu.memory_space<vmem>>) offsets(%dma_start3A_120 : memref<80xi32, #tpu.memory_space<vmem>>) semaphore(%dma_start3A_125 : memref<!tpu.dma_semaphore, #tpu.memory_space<semaphore_mem>>)
    %dma_wait3A_126 = arith.constant 0 : i32
    %dma_wait3A_127 = arith.constant 0 : i32
    %dma_wait3A_128 = arith.constant 0 : i32
    %dma_wait3A_129 = arith.constant 0 : i32
    %dma_wait3A_130 = arith.constant 0 : i32
    %dma_wait3A_131 = arith.constant 0 : i32
    %dma_wait3A_132 = tpu.memref_slice %arg8[%dma_wait3A_128, %dma_wait3A_130, %dma_wait3A_131] : memref<4x80x128xf32, #tpu.memory_space<vmem>> -> memref<1x80x128xf32, #tpu.memory_space<vmem>>
    %dma_wait3A_133 = tpu.memref_squeeze %dma_wait3A_132 : memref<1x80x128xf32, #tpu.memory_space<vmem>> -> memref<80x128xf32, #tpu.memory_space<vmem>>
    %dma_wait3A_134 = arith.constant 0 : i32
    %dma_wait3A_135 = arith.constant 0 : i32
    %dma_wait3A_136 = tpu.memref_slice %arg6[%dma_wait3A_126, %dma_wait3A_134, %dma_wait3A_135] : memref<2x4x80xi32, #tpu.memory_space<vmem>> -> memref<1x4x80xi32, #tpu.memory_space<vmem>>
    %dma_wait3A_137 = tpu.memref_squeeze %dma_wait3A_136 : memref<1x4x80xi32, #tpu.memory_space<vmem>> -> memref<4x80xi32, #tpu.memory_space<vmem>>
    %dma_wait3A_138 = arith.constant 0 : i32
    %dma_wait3A_139 = tpu.memref_slice %dma_wait3A_137[%dma_wait3A_127, %dma_wait3A_138] : memref<4x80xi32, #tpu.memory_space<vmem>> -> memref<1x80xi32, #tpu.memory_space<vmem>>
    %dma_wait3A_140 = tpu.memref_squeeze %dma_wait3A_139 : memref<1x80xi32, #tpu.memory_space<vmem>> -> memref<80xi32, #tpu.memory_space<vmem>>
    %dma_wait3A_141 = arith.constant 0 : i32
    %dma_wait3A_142 = arith.constant 0 : i32
    %dma_wait3A_143 = tpu.memref_slice %arg2[%dma_wait3A_141, %dma_wait3A_142] : memref<10000x128xf32, #tpu.memory_space<hbm>> -> memref<10000x128xf32, #tpu.memory_space<hbm>>
    %dma_wait3A_144 = tpu.memref_slice %arg10[%dma_wait3A_129] : memref<4x!tpu.dma_semaphore, #tpu.memory_space<semaphore_mem>> -> memref<1x!tpu.dma_semaphore, #tpu.memory_space<semaphore_mem>>
    %dma_wait3A_145 = tpu.memref_squeeze %dma_wait3A_144 : memref<1x!tpu.dma_semaphore, #tpu.memory_space<semaphore_mem>> -> memref<!tpu.dma_semaphore, #tpu.memory_space<semaphore_mem>>
    tpu.wait_indirect_dma semaphore(%dma_wait3A_145 : memref<!tpu.dma_semaphore, #tpu.memory_space<semaphore_mem>>) src(%dma_wait3A_143 : memref<10000x128xf32, #tpu.memory_space<hbm>>) dst(%dma_wait3A_133 : memref<80x128xf32, #tpu.memory_space<vmem>>)
    %run_scoped3A_146 = arith.constant 0 : i32
    %run_scoped3A_147 = arith.constant 0 : i32
    %run_scoped3A_148 = arith.constant 0 : i32
    "tpu.region"() ({
      %run_scoped3A_159 = tpu.sem_alloc : memref<!tpu.dma_semaphore, #tpu.memory_space<semaphore_mem>>
      %dma_start3A_160 = arith.constant 0 : i32
      %dma_start3A_161 = arith.constant 0 : i32
      %dma_start3A_162 = tpu.memref_slice %arg8[%run_scoped3A_146, %dma_start3A_160, %dma_start3A_161] : memref<4x80x128xf32, #tpu.memory_space<vmem>> -> memref<1x80x128xf32, #tpu.memory_space<vmem>>
      %dma_start3A_163 = tpu.memref_squeeze %dma_start3A_162 : memref<1x80x128xf32, #tpu.memory_space<vmem>> -> memref<80x128xf32, #tpu.memory_space<vmem>>
      %dma_start3A_164 = arith.constant 0 : i32
      %dma_start3A_165 = arith.constant 0 : i32
      %dma_start3A_166 = tpu.memref_slice %arg7[%run_scoped3A_147, %dma_start3A_164, %dma_start3A_165] : memref<2x4x80xi32, #tpu.memory_space<vmem>> -> memref<1x4x80xi32, #tpu.memory_space<vmem>>
      %dma_start3A_167 = tpu.memref_squeeze %dma_start3A_166 : memref<1x4x80xi32, #tpu.memory_space<vmem>> -> memref<4x80xi32, #tpu.memory_space<vmem>>
      %dma_start3A_168 = arith.constant 0 : i32
      %dma_start3A_169 = tpu.memref_slice %dma_start3A_167[%run_scoped3A_148, %dma_start3A_168] : memref<4x80xi32, #tpu.memory_space<vmem>> -> memref<1x80xi32, #tpu.memory_space<vmem>>
      %dma_start3A_170 = tpu.memref_squeeze %dma_start3A_169 : memref<1x80xi32, #tpu.memory_space<vmem>> -> memref<80xi32, #tpu.memory_space<vmem>>
      %dma_start3A_171 = arith.constant 0 : i32
      %dma_start3A_172 = arith.constant 0 : i32
      %dma_start3A_173 = tpu.memref_slice %arg9[%dma_start3A_171, %dma_start3A_172] : memref<10000x128xf32, #tpu.memory_space<vmem_shared>> -> memref<10000x128xf32, #tpu.memory_space<vmem_shared>>
      tpu.enqueue_indirect_dma source(%dma_start3A_163 : memref<80x128xf32, #tpu.memory_space<vmem>>) target(%dma_start3A_173 : memref<10000x128xf32, #tpu.memory_space<vmem_shared>>) offsets(%dma_start3A_170 : memref<80xi32, #tpu.memory_space<vmem>>) semaphore(%run_scoped3A_159 : memref<!tpu.dma_semaphore, #tpu.memory_space<semaphore_mem>>) {add = true}
      %dma_wait3A_174 = arith.constant 0 : i32
      %dma_wait3A_175 = arith.constant 0 : i32
      %dma_wait3A_176 = tpu.memref_slice %arg8[%run_scoped3A_146, %dma_wait3A_174, %dma_wait3A_175] : memref<4x80x128xf32, #tpu.memory_space<vmem>> -> memref<1x80x128xf32, #tpu.memory_space<vmem>>
      %dma_wait3A_177 = tpu.memref_squeeze %dma_wait3A_176 : memref<1x80x128xf32, #tpu.memory_space<vmem>> -> memref<80x128xf32, #tpu.memory_space<vmem>>
      %dma_wait3A_178 = arith.constant 0 : i32
      %dma_wait3A_179 = arith.constant 0 : i32
      %dma_wait3A_180 = tpu.memref_slice %arg7[%run_scoped3A_147, %dma_wait3A_178, %dma_wait3A_179] : memref<2x4x80xi32, #tpu.memory_space<vmem>> -> memref<1x4x80xi32, #tpu.memory_space<vmem>>
      %dma_wait3A_181 = tpu.memref_squeeze %dma_wait3A_180 : memref<1x4x80xi32, #tpu.memory_space<vmem>> -> memref<4x80xi32, #tpu.memory_space<vmem>>
      %dma_wait3A_182 = arith.constant 0 : i32
      %dma_wait3A_183 = tpu.memref_slice %dma_wait3A_181[%run_scoped3A_148, %dma_wait3A_182] : memref<4x80xi32, #tpu.memory_space<vmem>> -> memref<1x80xi32, #tpu.memory_space<vmem>>
      %dma_wait3A_184 = tpu.memref_squeeze %dma_wait3A_183 : memref<1x80xi32, #tpu.memory_space<vmem>> -> memref<80xi32, #tpu.memory_space<vmem>>
      %dma_wait3A_185 = arith.constant 0 : i32
      %dma_wait3A_186 = arith.constant 0 : i32
      %dma_wait3A_187 = tpu.memref_slice %arg9[%dma_wait3A_185, %dma_wait3A_186] : memref<10000x128xf32, #tpu.memory_space<vmem_shared>> -> memref<10000x128xf32, #tpu.memory_space<vmem_shared>>
      tpu.wait_indirect_dma semaphore(%run_scoped3A_159 : memref<!tpu.dma_semaphore, #tpu.memory_space<semaphore_mem>>) src(%dma_wait3A_177 : memref<80x128xf32, #tpu.memory_space<vmem>>) dst(%dma_wait3A_187 : memref<10000x128xf32, #tpu.memory_space<vmem_shared>>)
      tpu.yield
    }) : () -> ()
    %barrier3A_149 = arith.constant 0 : index
    tpu.barrier barrier_id(%barrier3A_149)
    %mul3A_150 = arith.constant 624 : i32
    %mul3A_151 = arith.muli %arg1, %mul3A_150 : i32
    %mul3A_152 = arith.constant 624 : i32
    %mul3A_153 = arith.muli %arg1, %mul3A_152 : i32
    "tpu.region"() ({
      %run_scoped3A_159 = tpu.sem_alloc : memref<!tpu.dma_semaphore, #tpu.memory_space<semaphore_mem>>
      %dma_start3A_160 = arith.constant 0 : i32
      %dma_start3A_161 = arith.constant 0 : i32
      %dma_start3A_162 = tpu.memref_slice %arg5[%arg0, %dma_start3A_160, %dma_start3A_161] : memref<2x10000x128xf32, #tpu.memory_space<hbm>> -> memref<1x10000x128xf32, #tpu.memory_space<hbm>>
      %dma_start3A_163 = tpu.memref_squeeze %dma_start3A_162 : memref<1x10000x128xf32, #tpu.memory_space<hbm>> -> memref<10000x128xf32, #tpu.memory_space<hbm>>
      %dma_start3A_164 = arith.constant 0 : i32
      %dma_start3A_165 = tpu.memref_slice %dma_start3A_163[%mul3A_153, %dma_start3A_164] : memref<10000x128xf32, #tpu.memory_space<hbm>> -> memref<624x128xf32, #tpu.memory_space<hbm>>
      %dma_start3A_166 = arith.constant 0 : i32
      %dma_start3A_167 = tpu.memref_slice %arg9[%mul3A_151, %dma_start3A_166] : memref<10000x128xf32, #tpu.memory_space<vmem_shared>> -> memref<624x128xf32, #tpu.memory_space<vmem_shared>>
      tpu.enqueue_dma source(%dma_start3A_167 : memref<624x128xf32, #tpu.memory_space<vmem_shared>>) target(%dma_start3A_165 : memref<624x128xf32, #tpu.memory_space<hbm>>) target_semaphore(%run_scoped3A_159 : memref<!tpu.dma_semaphore, #tpu.memory_space<semaphore_mem>>)
      %dma_wait3A_168 = arith.constant 0 : i32
      %dma_wait3A_169 = arith.constant 0 : i32
      %dma_wait3A_170 = tpu.memref_slice %arg5[%arg0, %dma_wait3A_168, %dma_wait3A_169] : memref<2x10000x128xf32, #tpu.memory_space<hbm>> -> memref<1x10000x128xf32, #tpu.memory_space<hbm>>
      %dma_wait3A_171 = tpu.memref_squeeze %dma_wait3A_170 : memref<1x10000x128xf32, #tpu.memory_space<hbm>> -> memref<10000x128xf32, #tpu.memory_space<hbm>>
      %dma_wait3A_172 = arith.constant 0 : i32
      %dma_wait3A_173 = tpu.memref_slice %dma_wait3A_171[%mul3A_153, %dma_wait3A_172] : memref<10000x128xf32, #tpu.memory_space<hbm>> -> memref<624x128xf32, #tpu.memory_space<hbm>>
      %dma_wait3A_174 = arith.constant 0 : i32
      %dma_wait3A_175 = tpu.memref_slice %arg9[%mul3A_151, %dma_wait3A_174] : memref<10000x128xf32, #tpu.memory_space<vmem_shared>> -> memref<624x128xf32, #tpu.memory_space<vmem_shared>>
      tpu.wait_dma2 semaphore(%run_scoped3A_159 : memref<!tpu.dma_semaphore, #tpu.memory_space<semaphore_mem>>) src(%dma_wait3A_175 : memref<624x128xf32, #tpu.memory_space<vmem_shared>>) dst(%dma_wait3A_173 : memref<624x128xf32, #tpu.memory_space<hbm>>)
      tpu.yield
    }) : () -> ()
    %eq3A_154 = arith.constant 15 : i32
    %eq3A_155 = arith.cmpi eq, %arg1, %eq3A_154 : i32
    %convert_element_type3A_156 = arith.extui %eq3A_155 : i1 to i32
    %cond3A_157 = arith.constant 0 : i32
    %cond3A_158 = arith.cmpi ne, %convert_element_type3A_156, %cond3A_157 : i32
    scf.if %cond3A_158 {
      "tpu.region"() ({
        %run_scoped3A_159 = tpu.sem_alloc : memref<!tpu.dma_semaphore, #tpu.memory_space<semaphore_mem>>
        %dma_start3A_160 = arith.constant 0 : i32
        %dma_start3A_161 = arith.constant 0 : i32
        %dma_start3A_162 = tpu.memref_slice %arg5[%arg0, %dma_start3A_160, %dma_start3A_161] : memref<2x10000x128xf32, #tpu.memory_space<hbm>> -> memref<1x10000x128xf32, #tpu.memory_space<hbm>>
        %dma_start3A_163 = tpu.memref_squeeze %dma_start3A_162 : memref<1x10000x128xf32, #tpu.memory_space<hbm>> -> memref<10000x128xf32, #tpu.memory_space<hbm>>
        %dma_start3A_164 = arith.constant 9984 : i32
        %dma_start3A_165 = arith.constant 0 : i32
        %dma_start3A_166 = tpu.memref_slice %dma_start3A_163[%dma_start3A_164, %dma_start3A_165] : memref<10000x128xf32, #tpu.memory_space<hbm>> -> memref<16x128xf32, #tpu.memory_space<hbm>>
        %dma_start3A_167 = arith.constant 9984 : i32
        %dma_start3A_168 = arith.constant 0 : i32
        %dma_start3A_169 = tpu.memref_slice %arg9[%dma_start3A_167, %dma_start3A_168] : memref<10000x128xf32, #tpu.memory_space<vmem_shared>> -> memref<16x128xf32, #tpu.memory_space<vmem_shared>>
        tpu.enqueue_dma source(%dma_start3A_169 : memref<16x128xf32, #tpu.memory_space<vmem_shared>>) target(%dma_start3A_166 : memref<16x128xf32, #tpu.memory_space<hbm>>) target_semaphore(%run_scoped3A_159 : memref<!tpu.dma_semaphore, #tpu.memory_space<semaphore_mem>>)
        %dma_wait3A_170 = arith.constant 0 : i32
        %dma_wait3A_171 = arith.constant 0 : i32
        %dma_wait3A_172 = tpu.memref_slice %arg5[%arg0, %dma_wait3A_170, %dma_wait3A_171] : memref<2x10000x128xf32, #tpu.memory_space<hbm>> -> memref<1x10000x128xf32, #tpu.memory_space<hbm>>
        %dma_wait3A_173 = tpu.memref_squeeze %dma_wait3A_172 : memref<1x10000x128xf32, #tpu.memory_space<hbm>> -> memref<10000x128xf32, #tpu.memory_space<hbm>>
        %dma_wait3A_174 = arith.constant 9984 : i32
        %dma_wait3A_175 = arith.constant 0 : i32
        %dma_wait3A_176 = tpu.memref_slice %dma_wait3A_173[%dma_wait3A_174, %dma_wait3A_175] : memref<10000x128xf32, #tpu.memory_space<hbm>> -> memref<16x128xf32, #tpu.memory_space<hbm>>
        %dma_wait3A_177 = arith.constant 9984 : i32
        %dma_wait3A_178 = arith.constant 0 : i32
        %dma_wait3A_179 = tpu.memref_slice %arg9[%dma_wait3A_177, %dma_wait3A_178] : memref<10000x128xf32, #tpu.memory_space<vmem_shared>> -> memref<16x128xf32, #tpu.memory_space<vmem_shared>>
        tpu.wait_dma2 semaphore(%run_scoped3A_159 : memref<!tpu.dma_semaphore, #tpu.memory_space<semaphore_mem>>) src(%dma_wait3A_179 : memref<16x128xf32, #tpu.memory_space<vmem_shared>>) dst(%dma_wait3A_176 : memref<16x128xf32, #tpu.memory_space<hbm>>)
        tpu.yield
      }) : () -> ()
    } else {
    }
    return
  }
}

module attributes {stable_mosaic.version = 14 : i64} {
  func.func @_mm_scale_body(%arg0: i32, %arg1: memref<2000x128xf32, #tpu.memory_space<vmem>>, %arg2: memref<128x128xf32, #tpu.memory_space<vmem>>, %arg3: memref<2x2000x16xf32, #tpu.memory_space<vmem>>, %arg4: memref<2000x128xf32, #tpu.memory_space<vmem>>, %arg5: memref<2000x1xf32, #tpu.memory_space<vmem>>) attributes {dimension_semantics = [#tpu.dimension_semantics<arbitrary>], iteration_bounds = array<i64: 5>, scalar_prefetch = 0 : i64, scratch_operands = 0 : i64, tpu.core_type = #tpu.core_type<tc>, window_params = [{transform_indices = @transform_0, window_bounds = array<i64: 2000, 128>}, {pipeline_mode = #tpu.pipeline_mode<synchronous>, transform_indices = @transform_1, window_bounds = array<i64: 128, 128>}, {transform_indices = @transform_2, window_bounds = array<i64: 2, 2000, 16>}, {transform_indices = @transform_3, window_bounds = array<i64: 2000, 128>}, {transform_indices = @transform_4, window_bounds = array<i64: 2000, 1>}]} {
    %get3A = arith.constant 0 : index
    %get3A_0 = arith.constant 0 : index
    %get3A_1 = arith.constant 0 : index
    %get3A_2 = vector.load %arg3[%get3A, %get3A_0, %get3A_1] : memref<2x2000x16xf32, #tpu.memory_space<vmem>>, vector<1x2000x16xf32>
    %get3A_3 = vector.shape_cast %get3A_2 : vector<1x2000x16xf32> to vector<2000x16xf32>
    %get3A_4 = arith.constant 1 : index
    %get3A_5 = arith.constant 0 : index
    %get3A_6 = arith.constant 0 : index
    %get3A_7 = vector.load %arg3[%get3A_4, %get3A_5, %get3A_6] : memref<2x2000x16xf32, #tpu.memory_space<vmem>>, vector<1x2000x16xf32>
    %get3A_8 = vector.shape_cast %get3A_7 : vector<1x2000x16xf32> to vector<2000x16xf32>
    %add3A = arith.addf %get3A_3, %get3A_8 : vector<2000x16xf32>
    %slice3A = vector.extract_strided_slice %add3A {offsets = [0, 0], sizes = [2000, 1], strides = [1, 1]} : vector<2000x16xf32> to vector<2000x1xf32>
    %add3A_9 = arith.constant 1.000000e+00 : f32
    %add3A_10 = vector.broadcast %add3A_9 : f32 to vector<2000x1xf32>
    %add3A_11 = arith.addf %slice3A, %add3A_10 : vector<2000x1xf32>
    %rsqrt3A = math.rsqrt %add3A_11 : vector<2000x1xf32>
    %swap3A = arith.constant 0 : index
    %swap3A_12 = arith.constant 0 : index
    %swap3A_13 = vector.load %arg5[%swap3A, %swap3A_12] : memref<2000x1xf32, #tpu.memory_space<vmem>>, vector<2000x1xf32>
    tpu.vector_store %arg5[%swap3A, %swap3A_12], %rsqrt3A {strides = array<i32>} : memref<2000x1xf32, #tpu.memory_space<vmem>>, vector<2000x1xf32>,
    %get3A_14 = arith.constant 0 : index
    %get3A_15 = arith.constant 0 : index
    %get3A_16 = vector.load %arg1[%get3A_14, %get3A_15] : memref<2000x128xf32, #tpu.memory_space<vmem>>, vector<2000x128xf32>
    %get3A_17 = arith.constant 0 : index
    %get3A_18 = arith.constant 0 : index
    %get3A_19 = vector.load %arg2[%get3A_17, %get3A_18] : memref<128x128xf32, #tpu.memory_space<vmem>>, vector<128x128xf32>
    %dot_general3A = arith.constant dense<0.000000e+00> : vector<2000x128xf32>
    %dot_general3A_20 = tpu.matmul %get3A_16, %get3A_19, %dot_general3A {dimension_numbers = #tpu.dot_dimension_numbers<[1], [0], [0], [1], [0, 0, 1, 1], [], []>, precision = #tpu.contract_precision<fp32>, transpose_lhs_hint = false} : vector<2000x128xf32>, vector<128x128xf32>, vector<2000x128xf32> -> vector<2000x128xf32>
    %mul3A = vector.broadcast %rsqrt3A : vector<2000x1xf32> to vector<2000x128xf32>
    %mul3A_21 = arith.mulf %dot_general3A_20, %mul3A : vector<2000x128xf32>
    %swap3A_22 = arith.constant 0 : index
    %swap3A_23 = arith.constant 0 : index
    %swap3A_24 = vector.load %arg4[%swap3A_22, %swap3A_23] : memref<2000x128xf32, #tpu.memory_space<vmem>>, vector<2000x128xf32>
    tpu.vector_store %arg4[%swap3A_22, %swap3A_23], %mul3A_21 {strides = array<i32>} : memref<2000x128xf32, #tpu.memory_space<vmem>>, vector<2000x128xf32>,
    return
  }
  func.func @transform_0(%arg0: i32) -> (i32, i32) {
    %c0_i32 = arith.constant 0 : i32
    %c0_i32_0 = arith.constant 0 : i32
    return %arg0, %c0_i32 : i32, i32
  }
  func.func @transform_1(%arg0: i32) -> (i32, i32) {
    %c0_i32 = arith.constant 0 : i32
    %c0_i32_0 = arith.constant 0 : i32
    %c0_i32_1 = arith.constant 0 : i32
    return %c0_i32, %c0_i32_0 : i32, i32
  }
  func.func @transform_2(%arg0: i32) -> (i32, i32, i32) {
    %c0_i32 = arith.constant 0 : i32
    %c0_i32_0 = arith.constant 0 : i32
    %c0_i32_1 = arith.constant 0 : i32
    return %c0_i32, %arg0, %c0_i32_0 : i32, i32, i32
  }
  func.func @transform_3(%arg0: i32) -> (i32, i32) {
    %c0_i32 = arith.constant 0 : i32
    %c0_i32_0 = arith.constant 0 : i32
    return %arg0, %c0_i32 : i32, i32
  }
  func.func @transform_4(%arg0: i32) -> (i32, i32) {
    %c0_i32 = arith.constant 0 : i32
    %c0_i32_0 = arith.constant 0 : i32
    return %arg0, %c0_i32 : i32, i32
  }
}

module attributes {stable_mosaic.version = 14 : i64} {
  func.func @_epi1_body(%arg0: i32, %arg1: memref<2x2000x128xf32, #tpu.memory_space<vmem>>, %arg2: memref<2000x128xf32, #tpu.memory_space<vmem>>, %arg3: memref<2000x1xf32, #tpu.memory_space<vmem>>, %arg4: memref<1x128xf32, #tpu.memory_space<vmem>>, %arg5: memref<128x64xf32, #tpu.memory_space<vmem>>, %arg6: memref<2000x64xf32, #tpu.memory_space<vmem>>) attributes {dimension_semantics = [#tpu.dimension_semantics<arbitrary>], iteration_bounds = array<i64: 5>, scalar_prefetch = 0 : i64, scratch_operands = 0 : i64, tpu.core_type = #tpu.core_type<tc>, window_params = [{transform_indices = @transform_0, window_bounds = array<i64: 2, 2000, 128>}, {transform_indices = @transform_1, window_bounds = array<i64: 2000, 128>}, {transform_indices = @transform_2, window_bounds = array<i64: 2000, 1>}, {pipeline_mode = #tpu.pipeline_mode<synchronous>, transform_indices = @transform_3, window_bounds = array<i64: 1, 128>}, {pipeline_mode = #tpu.pipeline_mode<synchronous>, transform_indices = @transform_4, window_bounds = array<i64: 128, 64>}, {transform_indices = @transform_5, window_bounds = array<i64: 2000, 64>}]} {
    %get3A = arith.constant 0 : index
    %get3A_0 = arith.constant 0 : index
    %get3A_1 = vector.load %arg3[%get3A, %get3A_0] : memref<2000x1xf32, #tpu.memory_space<vmem>>, vector<2000x1xf32>
    %get3A_2 = arith.constant 0 : index
    %get3A_3 = arith.constant 0 : index
    %get3A_4 = arith.constant 0 : index
    %get3A_5 = vector.load %arg1[%get3A_2, %get3A_3, %get3A_4] : memref<2x2000x128xf32, #tpu.memory_space<vmem>>, vector<1x2000x128xf32>
    %get3A_6 = vector.shape_cast %get3A_5 : vector<1x2000x128xf32> to vector<2000x128xf32>
    %get3A_7 = arith.constant 1 : index
    %get3A_8 = arith.constant 0 : index
    %get3A_9 = arith.constant 0 : index
    %get3A_10 = vector.load %arg1[%get3A_7, %get3A_8, %get3A_9] : memref<2x2000x128xf32, #tpu.memory_space<vmem>>, vector<1x2000x128xf32>
    %get3A_11 = vector.shape_cast %get3A_10 : vector<1x2000x128xf32> to vector<2000x128xf32>
    %add3A = arith.addf %get3A_6, %get3A_11 : vector<2000x128xf32>
    %get3A_12 = arith.constant 0 : index
    %get3A_13 = arith.constant 0 : index
    %get3A_14 = vector.load %arg2[%get3A_12, %get3A_13] : memref<2000x128xf32, #tpu.memory_space<vmem>>, vector<2000x128xf32>
    %add3A_15 = arith.addf %add3A, %get3A_14 : vector<2000x128xf32>
    %mul3A = vector.broadcast %get3A_1 : vector<2000x1xf32> to vector<2000x128xf32>
    %mul3A_16 = arith.mulf %mul3A, %add3A_15 : vector<2000x128xf32>
    %get3A_17 = arith.constant 0 : index
    %get3A_18 = arith.constant 0 : index
    %get3A_19 = vector.load %arg4[%get3A_17, %get3A_18] : memref<1x128xf32, #tpu.memory_space<vmem>>, vector<1x128xf32>
    %add3A_20 = vector.broadcast %get3A_19 : vector<1x128xf32> to vector<2000x128xf32>
    %add3A_21 = arith.addf %mul3A_16, %add3A_20 : vector<2000x128xf32>
    %max3A = arith.constant 0.000000e+00 : f32
    %max3A_22 = vector.broadcast %max3A : f32 to vector<2000x128xf32>
    %max3A_23 = arith.maximumf %add3A_21, %max3A_22 : vector<2000x128xf32>
    %get3A_24 = arith.constant 0 : index
    %get3A_25 = arith.constant 0 : index
    %get3A_26 = vector.load %arg5[%get3A_24, %get3A_25] : memref<128x64xf32, #tpu.memory_space<vmem>>, vector<128x64xf32>
    %dot_general3A = arith.constant dense<0.000000e+00> : vector<2000x64xf32>
    %dot_general3A_27 = tpu.matmul %max3A_23, %get3A_26, %dot_general3A {dimension_numbers = #tpu.dot_dimension_numbers<[1], [0], [0], [1], [0, 0, 1, 1], [], []>, precision = #tpu.contract_precision<fp32>, transpose_lhs_hint = false} : vector<2000x128xf32>, vector<128x64xf32>, vector<2000x64xf32> -> vector<2000x64xf32>
    %mul3A_28 = vector.broadcast %get3A_1 : vector<2000x1xf32> to vector<2000x64xf32>
    %mul3A_29 = arith.mulf %dot_general3A_27, %mul3A_28 : vector<2000x64xf32>
    %swap3A = arith.constant 0 : index
    %swap3A_30 = arith.constant 0 : index
    %swap3A_31 = vector.load %arg6[%swap3A, %swap3A_30] : memref<2000x64xf32, #tpu.memory_space<vmem>>, vector<2000x64xf32>
    tpu.vector_store %arg6[%swap3A, %swap3A_30], %mul3A_29 {strides = array<i32>} : memref<2000x64xf32, #tpu.memory_space<vmem>>, vector<2000x64xf32>,
    return
  }
  func.func @transform_0(%arg0: i32) -> (i32, i32, i32) {
    %c0_i32 = arith.constant 0 : i32
    %c0_i32_0 = arith.constant 0 : i32
    %c0_i32_1 = arith.constant 0 : i32
    return %c0_i32, %arg0, %c0_i32_0 : i32, i32, i32
  }
  func.func @transform_1(%arg0: i32) -> (i32, i32) {
    %c0_i32 = arith.constant 0 : i32
    %c0_i32_0 = arith.constant 0 : i32
    return %arg0, %c0_i32 : i32, i32
  }
  func.func @transform_2(%arg0: i32) -> (i32, i32) {
    %c0_i32 = arith.constant 0 : i32
    %c0_i32_0 = arith.constant 0 : i32
    return %arg0, %c0_i32 : i32, i32
  }
  func.func @transform_3(%arg0: i32) -> (i32, i32) {
    %c0_i32 = arith.constant 0 : i32
    %c0_i32_0 = arith.constant 0 : i32
    %c0_i32_1 = arith.constant 0 : i32
    return %c0_i32, %c0_i32_0 : i32, i32
  }
  func.func @transform_4(%arg0: i32) -> (i32, i32) {
    %c0_i32 = arith.constant 0 : i32
    %c0_i32_0 = arith.constant 0 : i32
    %c0_i32_1 = arith.constant 0 : i32
    return %c0_i32, %c0_i32_0 : i32, i32
  }
  func.func @transform_5(%arg0: i32) -> (i32, i32) {
    %c0_i32 = arith.constant 0 : i32
    %c0_i32_0 = arith.constant 0 : i32
    return %arg0, %c0_i32 : i32, i32
  }
}

module attributes {stable_mosaic.version = 14 : i64} {
  func.func @_epi2_body(%arg0: i32, %arg1: memref<2x2000x64xf32, #tpu.memory_space<vmem>>, %arg2: memref<2000x64xf32, #tpu.memory_space<vmem>>, %arg3: memref<2000x1xf32, #tpu.memory_space<vmem>>, %arg4: memref<1x64xf32, #tpu.memory_space<vmem>>, %arg5: memref<2000x64xf32, #tpu.memory_space<vmem>>) attributes {dimension_semantics = [#tpu.dimension_semantics<arbitrary>], iteration_bounds = array<i64: 5>, scalar_prefetch = 0 : i64, scratch_operands = 0 : i64, tpu.core_type = #tpu.core_type<tc>, window_params = [{transform_indices = @transform_0, window_bounds = array<i64: 2, 2000, 64>}, {transform_indices = @transform_1, window_bounds = array<i64: 2000, 64>}, {transform_indices = @transform_2, window_bounds = array<i64: 2000, 1>}, {pipeline_mode = #tpu.pipeline_mode<synchronous>, transform_indices = @transform_3, window_bounds = array<i64: 1, 64>}, {transform_indices = @transform_4, window_bounds = array<i64: 2000, 64>}]} {
    %get3A = arith.constant 0 : index
    %get3A_0 = arith.constant 0 : index
    %get3A_1 = vector.load %arg3[%get3A, %get3A_0] : memref<2000x1xf32, #tpu.memory_space<vmem>>, vector<2000x1xf32>
    %get3A_2 = arith.constant 0 : index
    %get3A_3 = arith.constant 0 : index
    %get3A_4 = arith.constant 0 : index
    %get3A_5 = vector.load %arg1[%get3A_2, %get3A_3, %get3A_4] : memref<2x2000x64xf32, #tpu.memory_space<vmem>>, vector<1x2000x64xf32>
    %get3A_6 = vector.shape_cast %get3A_5 : vector<1x2000x64xf32> to vector<2000x64xf32>
    %get3A_7 = arith.constant 1 : index
    %get3A_8 = arith.constant 0 : index
    %get3A_9 = arith.constant 0 : index
    %get3A_10 = vector.load %arg1[%get3A_7, %get3A_8, %get3A_9] : memref<2x2000x64xf32, #tpu.memory_space<vmem>>, vector<1x2000x64xf32>
    %get3A_11 = vector.shape_cast %get3A_10 : vector<1x2000x64xf32> to vector<2000x64xf32>
    %add3A = arith.addf %get3A_6, %get3A_11 : vector<2000x64xf32>
    %get3A_12 = arith.constant 0 : index
    %get3A_13 = arith.constant 0 : index
    %get3A_14 = vector.load %arg2[%get3A_12, %get3A_13] : memref<2000x64xf32, #tpu.memory_space<vmem>>, vector<2000x64xf32>
    %add3A_15 = arith.addf %add3A, %get3A_14 : vector<2000x64xf32>
    %mul3A = vector.broadcast %get3A_1 : vector<2000x1xf32> to vector<2000x64xf32>
    %mul3A_16 = arith.mulf %mul3A, %add3A_15 : vector<2000x64xf32>
    %get3A_17 = arith.constant 0 : index
    %get3A_18 = arith.constant 0 : index
    %get3A_19 = vector.load %arg4[%get3A_17, %get3A_18] : memref<1x64xf32, #tpu.memory_space<vmem>>, vector<1x64xf32>
    %add3A_20 = vector.broadcast %get3A_19 : vector<1x64xf32> to vector<2000x64xf32>
    %add3A_21 = arith.addf %mul3A_16, %add3A_20 : vector<2000x64xf32>
    %swap3A = arith.constant 0 : index
    %swap3A_22 = arith.constant 0 : index
    %swap3A_23 = vector.load %arg5[%swap3A, %swap3A_22] : memref<2000x64xf32, #tpu.memory_space<vmem>>, vector<2000x64xf32>
    tpu.vector_store %arg5[%swap3A, %swap3A_22], %add3A_21 {strides = array<i32>} : memref<2000x64xf32, #tpu.memory_space<vmem>>, vector<2000x64xf32>,
    return
  }
  func.func @transform_0(%arg0: i32) -> (i32, i32, i32) {
    %c0_i32 = arith.constant 0 : i32
    %c0_i32_0 = arith.constant 0 : i32
    %c0_i32_1 = arith.constant 0 : i32
    return %c0_i32, %arg0, %c0_i32_0 : i32, i32, i32
  }
  func.func @transform_1(%arg0: i32) -> (i32, i32) {
    %c0_i32 = arith.constant 0 : i32
    %c0_i32_0 = arith.constant 0 : i32
    return %arg0, %c0_i32 : i32, i32
  }
  func.func @transform_2(%arg0: i32) -> (i32, i32) {
    %c0_i32 = arith.constant 0 : i32
    %c0_i32_0 = arith.constant 0 : i32
    return %arg0, %c0_i32 : i32, i32
  }
  func.func @transform_3(%arg0: i32) -> (i32, i32) {
    %c0_i32 = arith.constant 0 : i32
    %c0_i32_0 = arith.constant 0 : i32
    %c0_i32_1 = arith.constant 0 : i32
    return %c0_i32, %c0_i32_0 : i32, i32
  }
  func.func @transform_4(%arg0: i32) -> (i32, i32) {
    %c0_i32 = arith.constant 0 : i32
    %c0_i32_0 = arith.constant 0 : i32
    return %arg0, %c0_i32 : i32, i32
  }
}

</mosaic_0001>

<sc_bundles>
// kernel: kernel.11.cloned.1.call-start
scs
__scs_entry_jumppad:
0x0: {  	(pc) =	sbr.rel $0x88, $3  }
0x1: {  	(tag) =	ssettag $0x0;
	lr =	simm.s32 $0x1  }
0x2: {  	[smem:$0x3F9B] =	sst lr;
	_ =	strace $0xD0000000  }
0x3: {  	_ = 	snop  }
0x4: {  	_ = 	snop  }
0x5: {  	_ = 	snop  }
0x6: {  	_ = 	snop  }
0x7: {  	_ = 	snop  }
__scs_overlays_trampoline_lowered:
0x8: {  	[smem:$0x3FAA] =	sst s0  }
0x9: {  	[smem:$0x3FAB] =	sst s1  }
0xa: {  	[smem:$0x3FAC] =	sst s2  }
0xb: {  	[smem:$0x3FAD] =	sst s3  }
0xc: {  	[smem:$0x3FAE] =	sst s4  }
0xd: {  	[smem:$0x3FAF] =	sst s5  }
0xe: {  	[smem:$0x3FB0] =	sst s6  }
0xf: {  	[smem:$0x3FB1] =	sst s7  }
0x10: {  	[smem:$0x3FB2] =	sst s8  }
0x11: {  	[smem:$0x3FB3] =	sst s9;
	s0 =	simm.s32 @!p0 $0x0  }
0x12: {  	s1 =	sld [smem:$0x3F99];
	s0 =	simm.s32 @p0 $0x1  }
0x13: {  	[smem:$0x3FB4] =	sst s0;
	s0 =	simm.s32 @!p1 $0x0  }
0x14: {  	s2 =	sld [smem:$0x3F98];
	s0 =	simm.s32 @p1 $0x1  }
0x15: {  	[smem:$0x3FB5] =	sst s0;
	s0 =	simm.s32 @!p2 $0x0  }
0x16: {  	s3 =	sld [smem:$0x3FDB];
	s0 =	simm.s32 @p2 $0x1  }
0x17: {  	s4 =	simm.s32 $0x1BF5;
	[smem:$0x3FB7] =	sst s0  }
0x18: {  	s0 =	sld [smem:$0x3F9A];
	_ =	swait.ge [sflag:s4], $0x0  }
0x19: {  	s7 =	sld [smem:$0x3F9B]  }
0x1a: {  	s8 =	sadd.s32 $0xFFFFE003, lr  }
0x1b: {  	s9 =	sadd.s32 $0xFFFFFEF7, lr;
	s5 =	simm.s32 $0xFFFFFFFF;
	p2 =	slt.u32 s8, $0xFFFFF086  }
0x1c: {  	p1 =	slt.u32 s9, $0xF7A;
	s5 =	simm.s32 @!p2 $0x0  }
0x1d: {  	s5 =	simm.s32 @p1 $0x1;
	p0 =	seq.s32 s7, s2  }
0x1e: {  	s7 =	smul.u32 @!p0 $0xF7A, s2;
	p2 =	seq.s32 @!p0 s5, $0x0  }
0x1f: {  	s9 =	smul.u32 $0xF7A, s1;
	s8 =	simm.s32 @!p0 $0x1BF5;
	p2 =	por !p2, p0  }
0x20: {  	[sflag:s8] =	ssyncset.s32 @!p0 $0xFFFFF086;
	s6 =	sadd.s32 @!p0 s3, s7;
	s7 =	simm.s32 @!p0 $0x108  }
0x21: {  	s3 =	sadd.s32 s3, s9;
	s6 =	sadd.s32 @!p0 $0x88, s6;
	s7 =	simm.s32 @p2 $0x1082  }
0x22: {  	[simem:s7], [sflag:s8] =	dma.local @!p0 [hbm:s6], $0xF7A  }
0x23: {  	s9 =	sor.u32 $0xD0000000, s2;
	s6 =	simm.s32 $0x108;
	_ =	swait.ge @!p0 [sflag:s8], $0x0  }
0x24: {  	s3 =	sadd.s32 $0x88, s3;
	s6 =	simm.s32 @!p1 $0x1082;
	[sflag:s4] =	ssyncset.s32 $0xFFFFF086  }
0x25: {  	[simem:s6], [sflag:s4] =	dma.local [hbm:s3], $0xF7A  }
0x26: {  	[smem:$0x3F9B] =	sst s1;
	(tag) =	ssettag s2;
	_ =	strace s9  }
0x27: {  	s1 =	sld [smem:$0x3FAB]  }
0x28: {  	s2 =	sld [smem:$0x3FAC]  }
0x29: {  	s4 =	sld [smem:$0x3FAE]  }
0x2a: {  	p0 =	seq.s32 s5, $0x0;
	s5 =	sld [smem:$0x3FAF]  }
0x2b: {  	s6 =	sld [smem:$0x3FB0]  }
0x2c: {  	s7 =	sld [smem:$0x3FB1]  }
0x2d: {  	s3 =	simm.s32 $0x108;
	s8 =	sld [smem:$0x3FB2]  }
0x2e: {  	s3 =	simm.s32 @!p0 $0x1082;
	s9 =	sld [smem:$0x3FB3]  }
0x2f: {  	lr =	sadd.s32 s0, s3;
	s0 =	sld [smem:$0x3FAA]  }
0x30: {  	s3 =	sld [smem:$0x3FAD]  }
0x31: {  	[smem:$0x3FB6] =	sst s10  }
0x32: {  	s10 =	sld [smem:$0x3FB4];
	_ =	sdelay $0x3  }
0x33: {  	p0 =	seq.s32 s10, $0x1;
	s10 =	sld [smem:$0x3FB6];
	_ =	sdelay $0x3  }
0x34: {  	[smem:$0x3FB6] =	sst s10  }
0x35: {  	s10 =	sld [smem:$0x3FB5];
	_ =	sdelay $0x3  }
0x36: {  	p1 =	seq.s32 s10, $0x1;
	s10 =	sld [smem:$0x3FB6];
	_ =	sdelay $0x3  }
0x37: {  	[smem:$0x3FB6] =	sst s10  }
0x38: {  	s10 =	sld [smem:$0x3FB7]  }
0x39: {  	_ = 	snop;
	(pc) =	sbr.ind lr, $3  }
0x3a: {  	_ = 	snop  }
0x3b: {  	_ = 	snop  }
0x3c: {  	p2 =	seq.s32 s10, $0x1;
	s10 =	sld [smem:$0x3FB6]  }
0x3d: {  	_ =	shalt  }
0x3e: {  	_ =	shalt  }
0x3f: {  	_ =	shalt  }
0x40: {  	_ =	shalt  }
0x41: {  	_ =	shalt  }
0x42: {  	_ =	shalt  }
0x43: {  	_ =	shalt  }
0x44: {  	_ =	shalt  }
0x45: {  	_ =	shalt  }
0x46: {  	_ =	shalt  }
0x47: {  	_ =	shalt  }
0x48: {  	_ =	shalt  }
0x49: {  	_ =	shalt  }
0x4a: {  	_ =	shalt  }
0x4b: {  	_ =	shalt  }
0x4c: {  	_ =	shalt  }
0x4d: {  	_ =	shalt  }
0x4e: {  	_ =	shalt  }
0x4f: {  	_ =	shalt  }
0x50: {  	_ =	shalt  }
0x51: {  	_ =	shalt  }
0x52: {  	_ =	shalt  }
0x53: {  	_ =	shalt  }
0x54: {  	_ =	shalt  }
0x55: {  	_ =	shalt  }
0x56: {  	_ =	shalt  }
0x57: {  	_ =	shalt  }
0x58: {  	_ =	shalt  }
0x59: {  	_ =	shalt  }
0x5a: {  	_ =	shalt  }
0x5b: {  	_ =	shalt  }
0x5c: {  	_ =	shalt  }
0x5d: {  	_ =	shalt  }
0x5e: {  	_ =	shalt  }
0x5f: {  	_ =	shalt  }
0x60: {  	_ =	shalt  }
0x61: {  	_ =	shalt  }
0x62: {  	_ =	shalt  }
0x63: {  	_ =	shalt  }
0x64: {  	_ =	shalt  }
0x65: {  	_ =	shalt  }
0x66: {  	_ =	shalt  }
0x67: {  	_ =	shalt  }
0x68: {  	_ =	shalt  }
0x69: {  	_ =	shalt  }
0x6a: {  	_ =	shalt  }
0x6b: {  	_ =	shalt  }
0x6c: {  	_ =	shalt  }
0x6d: {  	_ =	shalt  }
0x6e: {  	_ =	shalt  }
0x6f: {  	_ =	shalt  }
0x70: {  	_ =	shalt  }
0x71: {  	_ =	shalt  }
0x72: {  	_ =	shalt  }
0x73: {  	_ =	shalt  }
0x74: {  	_ =	shalt  }
0x75: {  	_ =	shalt  }
0x76: {  	_ =	shalt  }
0x77: {  	_ =	shalt  }
0x78: {  	_ =	shalt  }
0x79: {  	_ =	shalt  }
0x7a: {  	_ =	shalt  }
0x7b: {  	_ =	shalt  }
0x7c: {  	_ =	shalt  }
0x7d: {  	_ =	shalt  }
0x7e: {  	_ =	shalt  }
0x7f: {  	_ =	shalt  }
0x80: {  	_ =	shalt  }
0x81: {  	_ =	shalt  }
0x82: {  	_ =	shalt  }
0x83: {  	_ =	shalt  }
0x84: {  	_ =	shalt  }
0x85: {  	_ =	shalt  }
0x86: {  	_ =	shalt  }
0x87: {  	_ =	shalt  }
.Lfunc_end0:
.L_simem_size_0:
called_computation.1_lowered:
.L_overlay_start_0:
0x88: {  	s2 =	sld [smem:$0x3FD9]  }
0x89: {  	s3 =	sld [smem:$0x3FFE];
	_ =	sdelay $0x1  }
0x8a: {  	s1 =	srdreg.scid  }
0x8b: {  	s0 =	sand.u32 $0x1, s1  }
0x8c: {  	s17 =	sshll.u32 s0, $0xA;
	s2 =	sadd.s32 s3, s2  }
0x8d: {  	s2 =	sadd.s32 s2, s17  }
0x8e: {  	[smem:$0x3FC2] =	sst s2  }
0x8f: {  	_ = 	snop  }
0x90: {  	s2 =	sld [smem:$0x3FD0];
	(tm) =	ssettm $0x1  }
0x91: {  	s18 =	sld [smem:$0x3FFB];
	_ =	sdelay $0x3  }
0x92: {  	_ =	strace s18  }
0x93: {  	s3 =	sld [smem:$0x3FFC];
	_ =	sdelay $0x3  }
0x94: {  	_ =	strace s3  }
0x95: {  	s3 =	sld [smem:$0x3FFD];
	_ =	sdelay $0x3  }
0x96: {  	_ =	strace s3  }
0x97: {  	_ =	strace $0x8FFFFFFF  }
0x98: {  	s19 =	sld [smem:$0x3FDB];
	_ =	sdelay $0x1  }
0x99: {  	s4 =	simm.s32 $_scs_section_size  }
0x9a: {  	s5 =	simm.s32 $_size__tile_overlayer_lowered;
	s6 =	simm.s32 $_tile_overlayer_lowered  }
0x9b: {  	s22 =	simm.s32 $0x1BFF;
	s21 =	sshll.u32 s6, $0x1;
	s3 =	sadd.s32 s4, s19  }
0x9c: {  	s7 =	simm.s32 $0x0;
	s20 =	sshll.u32 s5, $0x1;
	s5 =	sadd.s32 s21, s3  }
0x9d: {  	[timem:s7], [sflag:s22] =	dma.local [hbm:s5], s20  }
0x9e: {  	_ =	swait.ge [sflag:s22], s20  }
0x9f: {  	s4 =	ssub.s32 $0x0, s20;
	[sflag:s22] =	ssyncset.done $0x0  }
0xa0: {  	[sflag:s22] =	ssyncadd.s32 s4;
	_ =	sdelay $0x1  }
0xa1: {  	s23 =	simm.s32 $0x1B8B  }
0xa2: {  	_ =	swait.ge [sflag:s23], $0x1  }
0xa3: {  	[sflag:s23] =	ssyncset.done $0x0  }
0xa4: {  	s25 =	simm.s32 $0x1B8E;
	s24 =	sld [smem:$0x3FFE];
	[sflag:s23] =	ssyncadd.s32 $0xFFFFFFFF  }
0xa5: {  	s26 =	simm.s32 $execute0_lowered;
	[smem:$0x3FD2] =	sst s25  }
0xa6: {  	s5 =	sshll.u32 s26, $0x1;
	_ =	strace $0x80000049;
	[dreg:$0x1] =	wrdreg $0xFFFFFFFF  }
0xa7: {  	s28 =	simm.s32 $_size_execute0_lowered;
	s3 =	sadd.s32 s3, s5;
	[dreg:$0x0] =	wrdreg $0x0  }
0xa8: {  	s5 =	sshll.u32 s28, $0x1;
	[dreg:$0x2] =	wrdreg s3  }
0xa9: {  	[dreg:$0x3] =	wrdreg s5  }
0xaa: {  	[dreg:$0x4] =	wrdreg $0xC0  }
0xab: {  	_ =	task [dreg:s7], $0x5FFFF  }
0xac: {  	[dreg:$0x1] =	wrdreg $0xFFFFFFFF  }
0xad: {  	[dreg:$0x0] =	wrdreg $0x60  }
0xae: {  	[dreg:$0x2] =	wrdreg s24  }
0xaf: {  	[dreg:$0x3] =	wrdreg s2  }
0xb0: {  	[dreg:$0x4] =	wrdreg $0xA5000  }
0xb1: {  	[dreg:$0x5] =	wrdreg $0x9  }
0xb2: {  	_ =	task.clear_ibuf [dreg:s7], $0x6FFFF;
	_ =	strace $0x90000049  }
0xb3: {  	s29 =	simm.s32 $0x9;
	_ =	strace $0x8000004B  }
0xb4: {  	_ =	swait.ge [sflag:s29], $0x1  }
0xb5: {  	[sflag:s29] =	ssyncadd.s32 $0xFFFFFFFF  }
0xb6: {  	_ =	strace $0x9000004B  }
0xb7: {  	_ =	sfence  }
0xb8: {  	s30 =	sld [smem:$0x0];
	_ =	sdelay $0x2  }
0xb9: {  	s31 =	sshll.u32 s1, $0xD;
	s1 =	sshrl.u32 s1, $0x2  }
0xba: {  	s3 =	sand.u32 $0x4000, s31;
	s1 =	sadd.s32 s1, s30  }
0xbb: {  	s0 =	sor.u32 s3, s0;
	s1 =	sshll.u32 s1, $0x11  }
0xbc: {  	s0 =	sor.u32 s1, s0  }
0xbd: {  	s0 =	sadd.s32 $0x8F2B, s0  }
0xbe: {  	[sflag:s0] =	ssyncadd.remote.s32 $0x1  }
0xbf: {  	_ =	sfence.sel $0xFFFF  }
0xc0: {  	[dreg:$0x0] =	wrdreg $0xFFFFFFFF;
	(pc) =	sbr.abs _section_cstart, $3  }
0xc1: {  	[dreg:$0x1] =	wrdreg $0xFFFFFFFF  }
0xc2: {  	_ =	task.clear_ibuf [dreg:s7], $0x2FFFF;
	_ =	strace $0x9FFFFFFF  }
0xc3: {  	(tm) =	ssettm $0x7FFFFFFF  }
tec
execute0_lowered:
.L_overlay_start_1:
0x0: {  	(tag) =	ssettag $0x1  }
0x1: {  	s0 =	rddreg [dreg:$0x0]  }
0x2: {  	s1 =	rddreg [dreg:$0x1]  }
0x3: {  	s2 =	rddreg [dreg:$0x2]  }
0x4: {  	s4 =	simm.s32 $0x0;
	s3 =	srdreg.scid;
	s13 =	stileid.u32  }
0x5: {  	s16 =	simm.s32 $0xD;
	s28 =	simm.s32 $0x1;
	s29 =	simm.s32 $0x2  }
0x6: {  	s30 =	simm.s32 $0x3;
	s31 =	simm.s32 $0x4;
	[smem:$0x7FF] =	sst s4  }
0x7: {  	s3 =	sand.u32 $0x1, s3;
	s6 =	smul.u32 $0x13800, s13;
	s5 =	sadd.s32 $0x2200, s0  }
0x8: {  	p0 =	sne.s32 s13, $0xF;
	s26 =	sshll.u32 s13, $0x6;
	_ =	strace $0x8000004A  }
0x9: {  	s7 =	sshll.u32 s3, $0x4;
	s8 =	smul.u32 $0x27100, s3;
	s3 =	ssub.s32 $0x2, s3  }
0xa: {  	s19 =	sor.u32 $0x1C0D, s26;
	s26 =	simm.s32 $0x7D00;
	s7 =	sor.u32 s13, s7  }
0xb: {  	s9 =	sshrl.u32 s6, $0x3;
	s20 =	sshrl.u32 s3, $0x1;
	s6 =	sadd.s32 s6, s2  }
0xc: {  	s13 =	simm.s32 $0x280;
	s10 =	smul.u32 $0x4E2, s7;
	[dreg:$0x4] =	wrdreg s9  }
0xd: {  	s11 =	sadd.s32 s9, s0;
	s12 =	smul.u32 $0x2710, s7;
	s8 =	sadd.s32 s8, s0  }
0xe: {  	s3 =	ssub.s32 s3, s20;
	s7 =	smul.u32 $0x7D, s7;
	s9 =	sadd.s32 $0x9C40, s1  }
0xf: {  	s0 =	sadd.s32 $0x50400, s0;
	s20 =	sshrl.u32 s6, $0x3;
	s6 =	simm.s32 $0x7  }
0x10: {  	s11 =	sadd.s32 $0x29400, s11;
	[dreg:$0x8] =	wrdreg s0;
	s23 =	sadd.s32 $0x50600, s8  }
0x11: {  	s24 =	smax.u32 s3, $0x1;
	s0 =	simm.s32 $0x5;
	s3 =	simm.s32 $0x6  }
0x12: {  	s8 =	simm.s32 $0x8;
	s21 =	sadd.s32 s1, s10;
	[dreg:$0x6] =	wrdreg s11  }
0x13: {  	s12 =	sshrl.u32 s12, $0x3;
	s11 =	sadd.s32 $0x138000, s2;
	[dreg:$0xa] =	wrdreg s23  }
.Ltmp0:
0x14: {  	[dreg:$0xb] =	wrdreg s24;
	s25 =	sadd.s32 s10, s9;
	(pc) =	sbr.rel .LBB2_1-.Ltmp0, $4  }
0x15: {  	s23 =	simm.s32 $0x500;
	s24 =	simm.s32 $0x2D00;
	[dreg:$0x5] =	wrdreg s21  }
0x16: {  	s10 =	simm.s32 $0x0;
	s12 =	sadd.s32 $0x4D8, s12;
	[dreg:$0xc] =	wrdreg s25  }
0x17: {  	s21 =	sshrl.u32 @!p0 s11, $0x3;
	[dreg:$0x7] =	wrdreg s12;
	s22 =	sadd.s32 s1, s12  }
0x18: {  	s25 =	simm.s32 $0x5500;
	[dreg:$0x9] =	wrdreg s22;
	s22 =	simm.s32 $0x50  }
.LBB2_8:
0x19: {  	_ =	swait.ge [sflag:s0], $0x2800  }
0x1a: {  	[sflag:s0] =	ssyncset.done $0x0  }
0x1b: {  	[sflag:s0] =	ssyncadd.s32 $0xFFFFD800  }
0x1c: {  	_ =	swait.ge [sflag:s3], $0x2800  }
0x1d: {  	[sflag:s3] =	ssyncset.done $0x0  }
0x1e: {  	[sflag:s3] =	ssyncadd.s32 $0xFFFFD800  }
0x1f: {  	_ =	swait.ge [sflag:s6], $0x2800  }
0x20: {  	[sflag:s6] =	ssyncset.done $0x0  }
0x21: {  	[sflag:s6] =	ssyncadd.s32 $0xFFFFD800  }
0x22: {  	_ =	swait.ge [sflag:s8], $0x2800  }
0x23: {  	[sflag:s8] =	ssyncset.done $0x0  }
0x24: {  	s11 =	rddreg [dreg:$0x9];
	[sflag:s8] =	ssyncadd.s32 $0xFFFFD800  }
0x25: {  	[tilespmem:s4], [sflag:$0xD] =	stream.linear.gather [hbm4b:s11+s4], $0x50, $0x38;
	[tilespmem:$0x1DD80] =	vst v63  }
0x26: {  	_ =	swait.ge [sflag:s16], $0x50  }
0x27: {  	[sflag:s16] =	ssyncset.done $0x0;
	s15 =	rddreg [dreg:$0x7]  }
0x28: {  	s13 =	simm.s32 $0x280;
	[sflag:s16] =	ssyncadd.s32 $0xFFFFFFB0;
	s11 =	sadd.s32 s15, s9  }
0x29: {  	[tilespmem:s13], [sflag:$0xD] =	stream.linear.gather [hbm4b:s11+s4], $0x50, $0x38;
	[tilespmem:$0x1DD80] =	vst v63  }
0x2a: {  	_ =	swait.ge [sflag:s16], $0x50  }
0x2b: {  	[sflag:s16] =	ssyncset.done $0x0  }
0x2c: {  	[sflag:s16] =	ssyncadd.s32 $0xFFFFFFB0  }
0x2d: {  	[tilespmem:s23], [sflag:$0x1] =	stream.indirect.gather [hbm4b:s5+s22], $0x80, s4, s22, $0xb8;
	[tilespmem:$0x1DD80] =	vst v63  }
0x2e: {  	_ =	swait.ge [sflag:s28], $0x2800  }
0x2f: {  	[sflag:s28] =	ssyncset.done $0x0  }
0x30: {  	[sflag:s28] =	ssyncadd.s32 $0xFFFFD800  }
0x31: {  	[spmem:s2] =	stream.indirect.scatter.add.f32 [tilespmem:s23], [sflag:$0xD], $0x80, s13, s22, $0xb8;
	[tilespmem:$0x1DD80] =	vst v63  }
0x32: {  	_ =	swait.ge [sflag:s16], $0x2800  }
0x33: {  	[sflag:s16] =	ssyncset.done $0x0  }
0x34: {  	[sflag:s16] =	ssyncadd.s32 $0xFFFFD800  }
0x35: {  	[bflag:$0x0] =	sbarrier.arrive $0xFFFF  }
0x36: {  	s17 =	rddreg [dreg:$0x4]  }
0x37: {  	s12 =	rddreg [dreg:$0xa]  }
0x38: {  	s11 =	sadd.s32 s17, s12  }
0x39: {  	[hbm:s11], [sflag:s19] =	dma.local [spmem:s20], $0x2700  }
0x3a: {  	_ =	swait.ge [sflag:s16], $0x2700  }
0x3b: {  	[sflag:s16] =	ssyncset.done $0x0  }
0x3c: {  	s11 =	sadd.s32 @!p0 $0x27000, s12;
	[sflag:s16] =	ssyncadd.s32 $0xFFFFD900  }
0x3d: {  	[hbm:s11], [sflag:s19] =	dma.local @!p0 [spmem:s21], $0x100  }
0x3e: {  	s11 =	simm.s32 @!p0 $0xD  }
0x3f: {  	_ =	swait.ge @!p0 [sflag:s11], $0x100  }
0x40: {  	s10 =	sadd.s32 $0x1, s10;
	s18 =	rddreg [dreg:$0xb]  }
0x41: {  	p1 =	sne.s32 s10, s18  }
.Ltmp1:
0x42: {  	_ = 	snop;
	(pc) =	sbr.rel @!p1 .LBB2_9-.Ltmp1, $3  }
0x43: {  	_ =	sdelay $0x1  }
0x44: {  	[sflag:s11] =	ssyncset.done @!p0 $0x0  }
0x45: {  	[sflag:s11] =	ssyncadd.s32 @!p0 $0xFFFFFF00  }
.LBB2_1:
0x46: {  	s11 =	rddreg [dreg:$0x5]  }
0x47: {  	[tilespmem:s4], [sflag:$0xD] =	stream.linear.gather [hbm4b:s11+s4], $0x140, $0x38;
	[tilespmem:$0x1DD80] =	vst v63  }
0x48: {  	_ =	swait.ge [sflag:s16], $0x140  }
0x49: {  	[sflag:s16] =	ssyncset.done $0x0  }
0x4a: {  	s17 =	rddreg [dreg:$0xc];
	[sflag:s16] =	ssyncadd.s32 $0xFFFFFEC0  }
0x4b: {  	[tilespmem:s13], [sflag:$0xD] =	stream.linear.gather [hbm4b:s17+s4], $0x140, $0x38;
	[tilespmem:$0x1DD80] =	vst v63  }
0x4c: {  	_ =	swait.ge [sflag:s16], $0x140  }
0x4d: {  	[sflag:s16] =	ssyncset.done $0x0  }
0x4e: {  	s18 =	rddreg [dreg:$0x6];
	[sflag:s16] =	ssyncadd.s32 $0xFFFFFEC0  }
0x4f: {  	[spmem:s20], [sflag:s19] =	dma.local [hbm:s18], $0x2700  }
0x50: {  	_ =	swait.ge [sflag:s16], $0x2700  }
0x51: {  	[sflag:s16] =	ssyncset.done $0x0  }
0x52: {  	s11 =	rddreg [dreg:$0x8];
	[sflag:s16] =	ssyncadd.s32 $0xFFFFD900  }
0x53: {  	[spmem:s21], [sflag:s19] =	dma.local @!p0 [hbm:s11], $0x100  }
0x54: {  	s11 =	simm.s32 @!p0 $0xD  }
.Ltmp2:
0x55: {  	_ =	swait.ge @!p0 [sflag:s11], $0x100;
	(pc) =	sbr.rel .LBB2_2-.Ltmp2, $4  }
0x56: {  	[sflag:s11] =	ssyncset.done @!p0 $0x0  }
0x57: {  	[sflag:s11] =	ssyncadd.s32 @!p0 $0xFFFFFF00  }
0x58: {  	[bflag:$0x0] =	sbarrier.arrive $0xFFFF  }
0x59: {  	s13 =	simm.s32 $0x0  }
.LBB2_3:
0x5a: {  	s11 =	smul.u32 $0x500, s15;
	_ =	sdelay $0x1  }
0x5b: {  	s11 =	sshrl.u32 s11, $0x2  }
0x5c: {  	[tilespmem:s23], [sflag:$0x1] =	stream.indirect.gather [hbm4b:s5+s22], $0x80, s11, s22, $0xb8;
	[tilespmem:$0x1DD80] =	vst v63  }
0x5d: {  	s12 =	sadd.s32 $0x50, s11  }
0x5e: {  	[tilespmem:s24], [sflag:$0x2] =	stream.indirect.gather [hbm4b:s5+s22], $0x80, s12, s22, $0xb8;
	[tilespmem:$0x1DD80] =	vst v63  }
0x5f: {  	s18 =	sadd.s32 $0xA0, s11  }
0x60: {  	[tilespmem:s25], [sflag:$0x3] =	stream.indirect.gather [hbm4b:s5+s22], $0x80, s18, s22, $0xb8;
	[tilespmem:$0x1DD80] =	vst v63  }
0x61: {  	s11 =	sadd.s32 $0xF0, s11  }
0x62: {  	[tilespmem:s26], [sflag:$0x4] =	stream.indirect.gather [hbm4b:s5+s22], $0x80, s11, s22, $0xb8;
	[tilespmem:$0x1DD80] =	vst v63  }
0x63: {  	s12 =	simm.s32 $0x0;
	s11 =	simm.s32 $0x1  }
.LBB2_6:
0x64: {  	s13 =	sshll.u32 s13, $0x2  }
0x65: {  	s13 =	sadd.s32 s7, s13  }
0x66: {  	s13 =	smul.u32 $0x50, s13;
	_ =	sdelay $0x1  }
0x67: {  	s15 =	sxor.u32 $0x1, s15;
	s13 =	sshrl.u32 s13, $0x3  }
0x68: {  	s17 =	smul.u32 $0x140, s15;
	s13 =	sadd.s32 $0x28, s13  }
0x69: {  	s18 =	sadd.s32 $0x9, s15;
	s14 =	sadd.s32 s1, s13  }
0x6a: {  	[tilespmem:s17], [sflag:s18] =	stream.linear.gather [hbm4b:s14+s4], $0x140, $0x38;
	[tilespmem:$0x1DD80] =	vst v63  }
0x6b: {  	s15 =	sadd.s32 $0xB, s15;
	s13 =	sadd.s32 s9, s13;
	s18 =	sadd.s32 $0x280, s17  }
0x6c: {  	[tilespmem:s18], [sflag:s15] =	stream.linear.gather [hbm4b:s13+s4], $0x140, $0x38;
	[tilespmem:$0x1DD80] =	vst v63  }
.LBB2_7:
0x6d: {  	_ =	swait.ge [sflag:s28], $0x2800  }
0x6e: {  	[sflag:s28] =	ssyncset.done $0x0  }
0x6f: {  	s13 =	sadd.s32 $0x280, s12;
	[sflag:s28] =	ssyncadd.s32 $0xFFFFD800  }
0x70: {  	[spmem:s2] =	stream.indirect.scatter.add.f32 [tilespmem:s23], [sflag:$0x5], $0x80, s13, s22, $0xb8;
	[tilespmem:$0x1DD80] =	vst v63  }
0x71: {  	_ =	swait.ge [sflag:s29], $0x2800  }
0x72: {  	[sflag:s29] =	ssyncset.done $0x0  }
0x73: {  	s15 =	sadd.s32 $0x2D0, s12;
	[sflag:s29] =	ssyncadd.s32 $0xFFFFD800  }
0x74: {  	[spmem:s2] =	stream.indirect.scatter.add.f32 [tilespmem:s24], [sflag:$0x6], $0x80, s15, s22, $0xb8;
	[tilespmem:$0x1DD80] =	vst v63  }
0x75: {  	_ =	swait.ge [sflag:s30], $0x2800  }
0x76: {  	[sflag:s30] =	ssyncset.done $0x0  }
0x77: {  	s17 =	sadd.s32 $0x320, s12;
	p1 =	slt.u32 s11, $0x1F;
	[sflag:s30] =	ssyncadd.s32 $0xFFFFD800  }
0x78: {  	[spmem:s2] =	stream.indirect.scatter.add.f32 [tilespmem:s25], [sflag:$0x7], $0x80, s17, s22, $0xb8;
	[tilespmem:$0x1DD80] =	vst v63  }
.Ltmp3:
0x79: {  	_ = 	snop;
	(pc) =	sbr.rel @!p1 .LBB2_8-.Ltmp3, $4  }
0x7a: {  	_ =	swait.ge [sflag:s31], $0x2800  }
0x7b: {  	[sflag:s31] =	ssyncset.done $0x0  }
0x7c: {  	s18 =	sadd.s32 $0x370, s12;
	s13 =	smov.u32 s11;
	[sflag:s31] =	ssyncadd.s32 $0xFFFFD800  }
0x7d: {  	[spmem:s2] =	stream.indirect.scatter.add.f32 [tilespmem:s26], [sflag:$0x8], $0x80, s18, s22, $0xb8;
	[tilespmem:$0x1DD80] =	vst v63  }
.LBB2_2:
0x7e: {  	p1 =	sne.s32 s13, $0x0  }
.Ltmp4:
0x7f: {  	_ = 	snop;
	(pc) =	sbr.rel @!p1 .LBB2_3-.Ltmp4, $2  }
0x80: {  	_ =	sdelay $0x2  }
0x81: {  	s15 =	sand.u32 $0x1, s13  }
0x82: {  	s11 =	sadd.s32 $0x9, s15  }
0x83: {  	_ =	swait.ge [sflag:s11], $0x140  }
0x84: {  	[sflag:s11] =	ssyncset.done $0x0  }
0x85: {  	s12 =	sadd.s32 $0xB, s15;
	[sflag:s11] =	ssyncadd.s32 $0xFFFFFEC0  }
0x86: {  	_ =	swait.ge [sflag:s12], $0x140  }
0x87: {  	[sflag:s12] =	ssyncset.done $0x0  }
0x88: {  	[sflag:s12] =	ssyncadd.s32 $0xFFFFFEC0  }
0x89: {  	_ =	swait.ge [sflag:s0], $0x2800  }
0x8a: {  	s12 =	smul.u32 $0x140, s15;
	[sflag:s0] =	ssyncset.done $0x0  }
0x8b: {  	[sflag:s0] =	ssyncadd.s32 $0xFFFFD800  }
0x8c: {  	[tilespmem:s23], [sflag:$0x1] =	stream.indirect.gather [hbm4b:s5+s22], $0x80, s12, s22, $0xb8;
	[tilespmem:$0x1DD80] =	vst v63  }
0x8d: {  	_ =	swait.ge [sflag:s3], $0x2800  }
0x8e: {  	[sflag:s3] =	ssyncset.done $0x0  }
0x8f: {  	s14 =	sadd.s32 $0x50, s12;
	[sflag:s3] =	ssyncadd.s32 $0xFFFFD800  }
0x90: {  	[tilespmem:s24], [sflag:$0x2] =	stream.indirect.gather [hbm4b:s5+s22], $0x80, s14, s22, $0xb8;
	[tilespmem:$0x1DD80] =	vst v63  }
0x91: {  	_ =	swait.ge [sflag:s6], $0x2800  }
0x92: {  	[sflag:s6] =	ssyncset.done $0x0  }
0x93: {  	p1 =	seq.s32 s13, $0x1E;
	s17 =	sadd.s32 $0xA0, s12;
	[sflag:s6] =	ssyncadd.s32 $0xFFFFD800  }
0x94: {  	[tilespmem:s25], [sflag:$0x3] =	stream.indirect.gather [hbm4b:s5+s22], $0x80, s17, s22, $0xb8;
	[tilespmem:$0x1DD80] =	vst v63  }
.Ltmp5:
0x95: {  	_ = 	snop;
	(pc) =	sbr.rel @p1 .LBB2_7-.Ltmp5, $4  }
0x96: {  	_ =	swait.ge [sflag:s8], $0x2800  }
0x97: {  	[sflag:s8] =	ssyncset.done $0x0  }
0x98: {  	s11 =	simm.s32 $0x1F;
	s18 =	sadd.s32 $0xF0, s12;
	[sflag:s8] =	ssyncadd.s32 $0xFFFFD800  }
0x99: {  	[tilespmem:s26], [sflag:$0x4] =	stream.indirect.gather [hbm4b:s5+s22], $0x80, s18, s22, $0xb8;
	[tilespmem:$0x1DD80] =	vst v63  }
.Ltmp6:
0x9a: {  	(pc) =	sbr.rel .LBB2_6-.Ltmp6, $2  }
0x9b: {  	_ =	sdelay $0x2  }
0x9c: {  	s11 =	sadd.s32 $0x1, s13  }
.LBB2_9:
0x9d: {  	_ =	sfence.sel $0x180000  }
0x9e: {  	[bflag:$0x0] =	sbarrier.arrive $0xFFFF  }
0x9f: {  	_ =	strace $0x9000004A  }
0xa0: {  	s0 =	stileid.u32;
	[bflag:$0x2] =	sbarrier.arrive $0xFFFF  }
0xa1: {  	p0 =	sne.s32 s0, $0x0;
	s0 =	rddreg [dreg:$0x3]  }
0xa2: {  	s0 =	sadd.s32 @!p0 $0x100000, s0  }
0xa3: {  	[sflag:s0] =	ssyncadd.tile.s32 @!p0 $0x1;
	_ =	shalt  }
.Lfunc_end2:
_tile_overlayer_lowered:
.L_overlay_start_2:
0xa4: {  	(tag) =	ssettag $0x2  }
0xa5: {  	s0 =	rddreg [dreg:$0x0];
	s2 =	stileid.u32  }
0xa6: {  	s1 =	rddreg [dreg:$0x1];
	p0 =	sne.s32 s2, $0x0  }
0xa7: {  	s3 =	rddreg [dreg:$0x2];
	[bflag:$0x3] =	sbarrier.arrive $0xFFFF;
	s2 =	simm.s32 @!p0 $0x1C0D  }
0xa8: {  	[timem:s3], [sflag:s2] =	dma.local @!p0 [hbm:s0], s1  }
0xa9: {  	s0 =	simm.s32 @!p0 $0xD  }
0xaa: {  	_ =	swait.ge @!p0 [sflag:s0], s1  }
0xab: {  	s1 =	ssub.s32 @!p0 $0x0, s1;
	[sflag:s0] =	ssyncset.done @!p0 $0x0  }
0xac: {  	[sflag:s0] =	ssyncadd.s32 @!p0 s1  }
0xad: {  	[bflag:$0x3] =	sbarrier.arrive $0xFFFF  }
0xae: {  	_ =	shalt  }

// kernel: kernel.14.cloned.1.call-start
scs
__scs_entry_jumppad:
0x0: {  	(pc) =	sbr.rel $0x88, $3  }
0x1: {  	(tag) =	ssettag $0x0;
	lr =	simm.s32 $0x1  }
0x2: {  	[smem:$0x3F9B] =	sst lr;
	_ =	strace $0xD0000000  }
0x3: {  	_ = 	snop  }
0x4: {  	_ = 	snop  }
0x5: {  	_ = 	snop  }
0x6: {  	_ = 	snop  }
0x7: {  	_ = 	snop  }
__scs_overlays_trampoline_lowered:
0x8: {  	[smem:$0x3FAA] =	sst s0  }
0x9: {  	[smem:$0x3FAB] =	sst s1  }
0xa: {  	[smem:$0x3FAC] =	sst s2  }
0xb: {  	[smem:$0x3FAD] =	sst s3  }
0xc: {  	[smem:$0x3FAE] =	sst s4  }
0xd: {  	[smem:$0x3FAF] =	sst s5  }
0xe: {  	[smem:$0x3FB0] =	sst s6  }
0xf: {  	[smem:$0x3FB1] =	sst s7  }
0x10: {  	[smem:$0x3FB2] =	sst s8  }
0x11: {  	[smem:$0x3FB3] =	sst s9;
	s0 =	simm.s32 @!p0 $0x0  }
0x12: {  	s1 =	sld [smem:$0x3F99];
	s0 =	simm.s32 @p0 $0x1  }
0x13: {  	[smem:$0x3FB4] =	sst s0;
	s0 =	simm.s32 @!p1 $0x0  }
0x14: {  	s2 =	sld [smem:$0x3F98];
	s0 =	simm.s32 @p1 $0x1  }
0x15: {  	[smem:$0x3FB5] =	sst s0;
	s0 =	simm.s32 @!p2 $0x0  }
0x16: {  	s3 =	sld [smem:$0x3FDB];
	s0 =	simm.s32 @p2 $0x1  }
0x17: {  	s4 =	simm.s32 $0x1BF5;
	[smem:$0x3FB7] =	sst s0  }
0x18: {  	s0 =	sld [smem:$0x3F9A];
	_ =	swait.ge [sflag:s4], $0x0  }
0x19: {  	s7 =	sld [smem:$0x3F9B]  }
0x1a: {  	s8 =	sadd.s32 $0xFFFFE003, lr  }
0x1b: {  	s9 =	sadd.s32 $0xFFFFFEF7, lr;
	s5 =	simm.s32 $0xFFFFFFFF;
	p2 =	slt.u32 s8, $0xFFFFF086  }
0x1c: {  	p1 =	slt.u32 s9, $0xF7A;
	s5 =	simm.s32 @!p2 $0x0  }
0x1d: {  	s5 =	simm.s32 @p1 $0x1;
	p0 =	seq.s32 s7, s2  }
0x1e: {  	s7 =	smul.u32 @!p0 $0xF7A, s2;
	p2 =	seq.s32 @!p0 s5, $0x0  }
0x1f: {  	s9 =	smul.u32 $0xF7A, s1;
	s8 =	simm.s32 @!p0 $0x1BF5;
	p2 =	por !p2, p0  }
0x20: {  	[sflag:s8] =	ssyncset.s32 @!p0 $0xFFFFF086;
	s6 =	sadd.s32 @!p0 s3, s7;
	s7 =	simm.s32 @!p0 $0x108  }
0x21: {  	s3 =	sadd.s32 s3, s9;
	s6 =	sadd.s32 @!p0 $0x88, s6;
	s7 =	simm.s32 @p2 $0x1082  }
0x22: {  	[simem:s7], [sflag:s8] =	dma.local @!p0 [hbm:s6], $0xF7A  }
0x23: {  	s9 =	sor.u32 $0xD0000000, s2;
	s6 =	simm.s32 $0x108;
	_ =	swait.ge @!p0 [sflag:s8], $0x0  }
0x24: {  	s3 =	sadd.s32 $0x88, s3;
	s6 =	simm.s32 @!p1 $0x1082;
	[sflag:s4] =	ssyncset.s32 $0xFFFFF086  }
0x25: {  	[simem:s6], [sflag:s4] =	dma.local [hbm:s3], $0xF7A  }
0x26: {  	[smem:$0x3F9B] =	sst s1;
	(tag) =	ssettag s2;
	_ =	strace s9  }
0x27: {  	s1 =	sld [smem:$0x3FAB]  }
0x28: {  	s2 =	sld [smem:$0x3FAC]  }
0x29: {  	s4 =	sld [smem:$0x3FAE]  }
0x2a: {  	p0 =	seq.s32 s5, $0x0;
	s5 =	sld [smem:$0x3FAF]  }
0x2b: {  	s6 =	sld [smem:$0x3FB0]  }
0x2c: {  	s7 =	sld [smem:$0x3FB1]  }
0x2d: {  	s3 =	simm.s32 $0x108;
	s8 =	sld [smem:$0x3FB2]  }
0x2e: {  	s3 =	simm.s32 @!p0 $0x1082;
	s9 =	sld [smem:$0x3FB3]  }
0x2f: {  	lr =	sadd.s32 s0, s3;
	s0 =	sld [smem:$0x3FAA]  }
0x30: {  	s3 =	sld [smem:$0x3FAD]  }
0x31: {  	[smem:$0x3FB6] =	sst s10  }
0x32: {  	s10 =	sld [smem:$0x3FB4];
	_ =	sdelay $0x3  }
0x33: {  	p0 =	seq.s32 s10, $0x1;
	s10 =	sld [smem:$0x3FB6];
	_ =	sdelay $0x3  }
0x34: {  	[smem:$0x3FB6] =	sst s10  }
0x35: {  	s10 =	sld [smem:$0x3FB5];
	_ =	sdelay $0x3  }
0x36: {  	p1 =	seq.s32 s10, $0x1;
	s10 =	sld [smem:$0x3FB6];
	_ =	sdelay $0x3  }
0x37: {  	[smem:$0x3FB6] =	sst s10  }
0x38: {  	s10 =	sld [smem:$0x3FB7]  }
0x39: {  	_ = 	snop;
	(pc) =	sbr.ind lr, $3  }
0x3a: {  	_ = 	snop  }
0x3b: {  	_ = 	snop  }
0x3c: {  	p2 =	seq.s32 s10, $0x1;
	s10 =	sld [smem:$0x3FB6]  }
0x3d: {  	_ =	shalt  }
0x3e: {  	_ =	shalt  }
0x3f: {  	_ =	shalt  }
0x40: {  	_ =	shalt  }
0x41: {  	_ =	shalt  }
0x42: {  	_ =	shalt  }
0x43: {  	_ =	shalt  }
0x44: {  	_ =	shalt  }
0x45: {  	_ =	shalt  }
0x46: {  	_ =	shalt  }
0x47: {  	_ =	shalt  }
0x48: {  	_ =	shalt  }
0x49: {  	_ =	shalt  }
0x4a: {  	_ =	shalt  }
0x4b: {  	_ =	shalt  }
0x4c: {  	_ =	shalt  }
0x4d: {  	_ =	shalt  }
0x4e: {  	_ =	shalt  }
0x4f: {  	_ =	shalt  }
0x50: {  	_ =	shalt  }
0x51: {  	_ =	shalt  }
0x52: {  	_ =	shalt  }
0x53: {  	_ =	shalt  }
0x54: {  	_ =	shalt  }
0x55: {  	_ =	shalt  }
0x56: {  	_ =	shalt  }
0x57: {  	_ =	shalt  }
0x58: {  	_ =	shalt  }
0x59: {  	_ =	shalt  }
0x5a: {  	_ =	shalt  }
0x5b: {  	_ =	shalt  }
0x5c: {  	_ =	shalt  }
0x5d: {  	_ =	shalt  }
0x5e: {  	_ =	shalt  }
0x5f: {  	_ =	shalt  }
0x60: {  	_ =	shalt  }
0x61: {  	_ =	shalt  }
0x62: {  	_ =	shalt  }
0x63: {  	_ =	shalt  }
0x64: {  	_ =	shalt  }
0x65: {  	_ =	shalt  }
0x66: {  	_ =	shalt  }
0x67: {  	_ =	shalt  }
0x68: {  	_ =	shalt  }
0x69: {  	_ =	shalt  }
0x6a: {  	_ =	shalt  }
0x6b: {  	_ =	shalt  }
0x6c: {  	_ =	shalt  }
0x6d: {  	_ =	shalt  }
0x6e: {  	_ =	shalt  }
0x6f: {  	_ =	shalt  }
0x70: {  	_ =	shalt  }
0x71: {  	_ =	shalt  }
0x72: {  	_ =	shalt  }
0x73: {  	_ =	shalt  }
0x74: {  	_ =	shalt  }
0x75: {  	_ =	shalt  }
0x76: {  	_ =	shalt  }
0x77: {  	_ =	shalt  }
0x78: {  	_ =	shalt  }
0x79: {  	_ =	shalt  }
0x7a: {  	_ =	shalt  }
0x7b: {  	_ =	shalt  }
0x7c: {  	_ =	shalt  }
0x7d: {  	_ =	shalt  }
0x7e: {  	_ =	shalt  }
0x7f: {  	_ =	shalt  }
0x80: {  	_ =	shalt  }
0x81: {  	_ =	shalt  }
0x82: {  	_ =	shalt  }
0x83: {  	_ =	shalt  }
0x84: {  	_ =	shalt  }
0x85: {  	_ =	shalt  }
0x86: {  	_ =	shalt  }
0x87: {  	_ =	shalt  }
.Lfunc_end0:
.L_simem_size_0:
called_computation.2_lowered:
.L_overlay_start_0:
0x88: {  	s2 =	sld [smem:$0x3FD9]  }
0x89: {  	s3 =	sld [smem:$0x3FFE];
	_ =	sdelay $0x1  }
0x8a: {  	s1 =	srdreg.scid  }
0x8b: {  	s0 =	sand.u32 $0x1, s1  }
0x8c: {  	s17 =	sshll.u32 s0, $0xA;
	s2 =	sadd.s32 s3, s2  }
0x8d: {  	s2 =	sadd.s32 s2, s17  }
0x8e: {  	[smem:$0x3FC2] =	sst s2  }
0x8f: {  	_ = 	snop  }
0x90: {  	s2 =	sld [smem:$0x3FD0];
	(tm) =	ssettm $0x1  }
0x91: {  	s18 =	sld [smem:$0x3FFB];
	_ =	sdelay $0x3  }
0x92: {  	_ =	strace s18  }
0x93: {  	s3 =	sld [smem:$0x3FFC];
	_ =	sdelay $0x3  }
0x94: {  	_ =	strace s3  }
0x95: {  	s3 =	sld [smem:$0x3FFD];
	_ =	sdelay $0x3  }
0x96: {  	_ =	strace s3  }
0x97: {  	_ =	strace $0x8FFFFFFF  }
0x98: {  	s19 =	sld [smem:$0x3FDB];
	_ =	sdelay $0x1  }
0x99: {  	s4 =	simm.s32 $_scs_section_size  }
0x9a: {  	s5 =	simm.s32 $_size__tile_overlayer_lowered;
	s6 =	simm.s32 $_tile_overlayer_lowered  }
0x9b: {  	s22 =	simm.s32 $0x1BFF;
	s21 =	sshll.u32 s6, $0x1;
	s3 =	sadd.s32 s4, s19  }
0x9c: {  	s7 =	simm.s32 $0x0;
	s20 =	sshll.u32 s5, $0x1;
	s5 =	sadd.s32 s21, s3  }
0x9d: {  	[timem:s7], [sflag:s22] =	dma.local [hbm:s5], s20  }
0x9e: {  	_ =	swait.ge [sflag:s22], s20  }
0x9f: {  	s4 =	ssub.s32 $0x0, s20;
	[sflag:s22] =	ssyncset.done $0x0  }
0xa0: {  	[sflag:s22] =	ssyncadd.s32 s4;
	_ =	sdelay $0x1  }
0xa1: {  	s23 =	simm.s32 $0x1B8B  }
0xa2: {  	_ =	swait.ge [sflag:s23], $0x1  }
0xa3: {  	[sflag:s23] =	ssyncset.done $0x0  }
0xa4: {  	s25 =	simm.s32 $0x1B8E;
	s24 =	sld [smem:$0x3FFE];
	[sflag:s23] =	ssyncadd.s32 $0xFFFFFFFF  }
0xa5: {  	s26 =	simm.s32 $execute0_lowered;
	[smem:$0x3FD2] =	sst s25  }
0xa6: {  	s5 =	sshll.u32 s26, $0x1;
	_ =	strace $0x8000004C;
	[dreg:$0x1] =	wrdreg $0xFFFFFFFF  }
0xa7: {  	s28 =	simm.s32 $_size_execute0_lowered;
	s3 =	sadd.s32 s3, s5;
	[dreg:$0x0] =	wrdreg $0x0  }
0xa8: {  	s5 =	sshll.u32 s28, $0x1;
	[dreg:$0x2] =	wrdreg s3  }
0xa9: {  	[dreg:$0x3] =	wrdreg s5  }
0xaa: {  	[dreg:$0x4] =	wrdreg $0xC0  }
0xab: {  	_ =	task [dreg:s7], $0x5FFFF  }
0xac: {  	[dreg:$0x1] =	wrdreg $0xFFFFFFFF  }
0xad: {  	[dreg:$0x0] =	wrdreg $0x60  }
0xae: {  	[dreg:$0x2] =	wrdreg s24  }
0xaf: {  	[dreg:$0x3] =	wrdreg s2  }
0xb0: {  	[dreg:$0x4] =	wrdreg $0xB2200  }
0xb1: {  	[dreg:$0x5] =	wrdreg $0x9  }
0xb2: {  	_ =	task.clear_ibuf [dreg:s7], $0x6FFFF;
	_ =	strace $0x9000004C  }
0xb3: {  	s29 =	simm.s32 $0x9;
	_ =	strace $0x8000004E  }
0xb4: {  	_ =	swait.ge [sflag:s29], $0x1  }
0xb5: {  	[sflag:s29] =	ssyncadd.s32 $0xFFFFFFFF  }
0xb6: {  	_ =	strace $0x9000004E  }
0xb7: {  	_ =	sfence  }
0xb8: {  	s30 =	sld [smem:$0x0];
	_ =	sdelay $0x2  }
0xb9: {  	s31 =	sshll.u32 s1, $0xD;
	s1 =	sshrl.u32 s1, $0x2  }
0xba: {  	s3 =	sand.u32 $0x4000, s31;
	s1 =	sadd.s32 s1, s30  }
0xbb: {  	s0 =	sor.u32 s3, s0;
	s1 =	sshll.u32 s1, $0x11  }
0xbc: {  	s0 =	sor.u32 s1, s0  }
0xbd: {  	s0 =	sadd.s32 $0x8F2B, s0  }
0xbe: {  	[sflag:s0] =	ssyncadd.remote.s32 $0x1  }
0xbf: {  	_ =	sfence.sel $0xFFFF  }
0xc0: {  	[dreg:$0x0] =	wrdreg $0xFFFFFFFF;
	(pc) =	sbr.abs _section_cstart, $3  }
0xc1: {  	[dreg:$0x1] =	wrdreg $0xFFFFFFFF  }
0xc2: {  	_ =	task.clear_ibuf [dreg:s7], $0x2FFFF;
	_ =	strace $0x9FFFFFFF  }
0xc3: {  	(tm) =	ssettm $0x7FFFFFFF  }
tec
execute0_lowered:
.L_overlay_start_1:
0x0: {  	(tag) =	ssettag $0x1  }
0x1: {  	s0 =	rddreg [dreg:$0x0]  }
0x2: {  	s1 =	rddreg [dreg:$0x1]  }
0x3: {  	s2 =	rddreg [dreg:$0x2];
	s4 =	srdreg.scid  }
0x4: {  	s3 =	simm.s32 $0x0;
	s14 =	stileid.u32;
	s11 =	simm.s32 $0xB  }
0x5: {  	s13 =	simm.s32 $0x2710;
	s17 =	simm.s32 $0x50;
	s18 =	simm.s32 $0x4E20  }
0x6: {  	s19 =	simm.s32 $0x6220;
	s21 =	simm.s32 $0x7620;
	s23 =	simm.s32 $0x8A20  }
0x7: {  	s28 =	simm.s32 $0x2;
	s30 =	simm.s32 $0x3;
	s20 =	simm.s32 $0x5  }
0x8: {  	s24 =	simm.s32 $0x6;
	s29 =	simm.s32 $0x7;
	s31 =	simm.s32 $0x8  }
0x9: {  	s22 =	simm.s32 $0xA;
	s4 =	sand.u32 $0x1, s4;
	[smem:$0x7FF] =	sst s3  }
0xa: {  	s6 =	smul.u32 $0x9C00, s14;
	s16 =	sadd.s32 $0x9C000, s2;
	p0 =	sne.s32 s14, $0xF  }
0xb: {  	s26 =	sshll.u32 s14, $0x6;
	s5 =	sshll.u32 s4, $0x4;
	_ =	strace $0x8000004D  }
0xc: {  	s7 =	smul.u32 $0x13880, s4;
	s4 =	ssub.s32 $0x2, s4;
	s16 =	sshrl.u32 @!p0 s16, $0x3  }
0xd: {  	s5 =	sor.u32 s14, s5;
	s8 =	sshrl.u32 s6, $0x3;
	s9 =	sshrl.u32 s4, $0x1  }
0xe: {  	s6 =	sadd.s32 s6, s2;
	s14 =	sor.u32 $0x1C0B, s26;
	s26 =	simm.s32 $0x1  }
0xf: {  	s12 =	smul.u32 $0x4E2, s5;
	s5 =	sadd.s32 $0x2200, s0;
	[dreg:$0x4] =	wrdreg s8  }
0x10: {  	s8 =	sadd.s32 s8, s0;
	s7 =	sadd.s32 s7, s0;
	s4 =	ssub.s32 s4, s9  }
0x11: {  	s0 =	sadd.s32 $0x29400, s0;
	s15 =	sshrl.u32 s6, $0x3;
	s6 =	simm.s32 $0x0  }
0x12: {  	s8 =	sadd.s32 $0x15C00, s8;
	[dreg:$0x7] =	wrdreg s0;
	s9 =	sadd.s32 $0x29600, s7  }
0x13: {  	s10 =	smax.u32 s4, $0x1;
	s25 =	sadd.s32 s1, s12;
	[dreg:$0x6] =	wrdreg s8  }
0x14: {  	s0 =	simm.s32 $0x4;
	s1 =	sadd.s32 $0x9C40, s1;
	[dreg:$0x5] =	wrdreg s25  }
0x15: {  	s12 =	sadd.s32 s12, s1;
	s25 =	simm.s32 $0x9E20;
	s1 =	simm.s32 $0x9  }
.LBB2_1:
0x16: {  	s4 =	rddreg [dreg:$0x5]  }
0x17: {  	[tilespmem:s3], [sflag:$0xB] =	stream.linear.gather [hbm4b:s4+s3], $0x2710, $0x38;
	[tilespmem:$0x14E60] =	vst v63  }
0x18: {  	_ =	swait.ge [sflag:s11], $0x2710  }
0x19: {  	[sflag:s11] =	ssyncset.done $0x0  }
0x1a: {  	[sflag:s11] =	ssyncadd.s32 $0xFFFFD8F0  }
0x1b: {  	[tilespmem:s13], [sflag:$0xB] =	stream.linear.gather [hbm4b:s12+s3], $0x2710, $0x38;
	[tilespmem:$0x14E60] =	vst v63  }
0x1c: {  	_ =	swait.ge [sflag:s11], $0x2710  }
0x1d: {  	[sflag:s11] =	ssyncset.done $0x0  }
0x1e: {  	s8 =	rddreg [dreg:$0x6];
	[sflag:s11] =	ssyncadd.s32 $0xFFFFD8F0  }
0x1f: {  	[spmem:s15], [sflag:s14] =	dma.local [hbm:s8], $0x1380  }
0x20: {  	_ =	swait.ge [sflag:s11], $0x1380  }
0x21: {  	[sflag:s11] =	ssyncset.done $0x0  }
0x22: {  	s4 =	rddreg [dreg:$0x7];
	[sflag:s11] =	ssyncadd.s32 $0xFFFFEC80  }
0x23: {  	[spmem:s16], [sflag:s14] =	dma.local @!p0 [hbm:s4], $0x80  }
0x24: {  	s4 =	simm.s32 @!p0 $0xB  }
0x25: {  	_ =	swait.ge @!p0 [sflag:s4], $0x80  }
0x26: {  	[sflag:s4] =	ssyncset.done @!p0 $0x0  }
0x27: {  	[sflag:s4] =	ssyncadd.s32 @!p0 $0xFFFFFF80  }
0x28: {  	[bflag:$0x0] =	sbarrier.arrive $0xFFFF  }
0x29: {  	[tilespmem:s18], [sflag:$0x1] =	stream.indirect.gather [hbm4b:s5+s17], $0x40, s3, s17, $0xb8;
	[tilespmem:$0x14E60] =	vst v63  }
0x2a: {  	_ = 	snop  }
0x2b: {  	[tilespmem:s19], [sflag:$0x2] =	stream.indirect.gather [hbm4b:s5+s17], $0x40, s17, s17, $0xb8;
	[tilespmem:$0x14E60] =	vst v63  }
0x2c: {  	s7 =	simm.s32 $0xA0  }
0x2d: {  	[tilespmem:s21], [sflag:$0x3] =	stream.indirect.gather [hbm4b:s5+s17], $0x40, s7, s17, $0xb8;
	[tilespmem:$0x14E60] =	vst v63  }
0x2e: {  	s8 =	simm.s32 $0xF0  }
0x2f: {  	[tilespmem:s23], [sflag:$0x4] =	stream.indirect.gather [hbm4b:s5+s17], $0x40, s8, s17, $0xb8;
	[tilespmem:$0x14E60] =	vst v63  }
0x30: {  	s7 =	simm.s32 $0x140  }
0x31: {  	[tilespmem:s25], [sflag:$0x5] =	stream.indirect.gather [hbm4b:s5+s17], $0x40, s7, s17, $0xb8;
	[tilespmem:$0x14E60] =	vst v63  }
0x32: {  	_ =	swait.ge [sflag:s26], $0x1400  }
0x33: {  	[sflag:s26] =	ssyncset.done $0x0  }
0x34: {  	[sflag:s26] =	ssyncadd.s32 $0xFFFFEC00  }
0x35: {  	[spmem:s2] =	stream.indirect.scatter.add.f32 [tilespmem:s18], [sflag:$0x6], $0x40, s13, s17, $0xb8;
	[tilespmem:$0x14E60] =	vst v63  }
0x36: {  	_ =	swait.ge [sflag:s28], $0x1400  }
0x37: {  	[sflag:s28] =	ssyncset.done $0x0  }
0x38: {  	s8 =	simm.s32 $0x2760;
	[sflag:s28] =	ssyncadd.s32 $0xFFFFEC00  }
0x39: {  	[spmem:s2] =	stream.indirect.scatter.add.f32 [tilespmem:s19], [sflag:$0x7], $0x40, s8, s17, $0xb8;
	[tilespmem:$0x14E60] =	vst v63  }
0x3a: {  	_ =	swait.ge [sflag:s30], $0x1400  }
0x3b: {  	[sflag:s30] =	ssyncset.done $0x0  }
0x3c: {  	s7 =	simm.s32 $0x27B0;
	[sflag:s30] =	ssyncadd.s32 $0xFFFFEC00  }
0x3d: {  	[spmem:s2] =	stream.indirect.scatter.add.f32 [tilespmem:s21], [sflag:$0x8], $0x40, s7, s17, $0xb8;
	[tilespmem:$0x14E60] =	vst v63  }
0x3e: {  	_ =	swait.ge [sflag:s0], $0x1400  }
0x3f: {  	[sflag:s0] =	ssyncset.done $0x0  }
0x40: {  	s8 =	simm.s32 $0x2800;
	[sflag:s0] =	ssyncadd.s32 $0xFFFFEC00  }
0x41: {  	[spmem:s2] =	stream.indirect.scatter.add.f32 [tilespmem:s23], [sflag:$0x9], $0x40, s8, s17, $0xb8;
	[tilespmem:$0x14E60] =	vst v63  }
0x42: {  	_ =	swait.ge [sflag:s20], $0x1400  }
0x43: {  	[sflag:s20] =	ssyncset.done $0x0  }
0x44: {  	s7 =	simm.s32 $0x2850;
	[sflag:s20] =	ssyncadd.s32 $0xFFFFEC00  }
0x45: {  	[spmem:s2] =	stream.indirect.scatter.add.f32 [tilespmem:s25], [sflag:$0xA], $0x40, s7, s17, $0xb8;
	[tilespmem:$0x14E60] =	vst v63  }
0x46: {  	_ =	swait.ge [sflag:s24], $0x1400  }
0x47: {  	[sflag:s24] =	ssyncset.done $0x0  }
0x48: {  	s8 =	simm.s32 $0x190;
	[sflag:s24] =	ssyncadd.s32 $0xFFFFEC00  }
0x49: {  	[tilespmem:s18], [sflag:$0x1] =	stream.indirect.gather [hbm4b:s5+s17], $0x40, s8, s17, $0xb8;
	[tilespmem:$0x14E60] =	vst v63  }
0x4a: {  	_ =	swait.ge [sflag:s29], $0x1400  }
0x4b: {  	[sflag:s29] =	ssyncset.done $0x0  }
0x4c: {  	s7 =	simm.s32 $0x1E0;
	[sflag:s29] =	ssyncadd.s32 $0xFFFFEC00  }
0x4d: {  	[tilespmem:s19], [sflag:$0x2] =	stream.indirect.gather [hbm4b:s5+s17], $0x40, s7, s17, $0xb8;
	[tilespmem:$0x14E60] =	vst v63  }
0x4e: {  	_ =	swait.ge [sflag:s31], $0x1400  }
0x4f: {  	[sflag:s31] =	ssyncset.done $0x0  }
0x50: {  	s8 =	simm.s32 $0x230;
	[sflag:s31] =	ssyncadd.s32 $0xFFFFEC00  }
0x51: {  	[tilespmem:s21], [sflag:$0x3] =	stream.indirect.gather [hbm4b:s5+s17], $0x40, s8, s17, $0xb8;
	[tilespmem:$0x14E60] =	vst v63  }
0x52: {  	_ =	swait.ge [sflag:s1], $0x1400  }
0x53: {  	[sflag:s1] =	ssyncset.done $0x0  }
0x54: {  	s7 =	simm.s32 $0x280;
	[sflag:s1] =	ssyncadd.s32 $0xFFFFEC00  }
0x55: {  	[tilespmem:s23], [sflag:$0x4] =	stream.indirect.gather [hbm4b:s5+s17], $0x40, s7, s17, $0xb8;
	[tilespmem:$0x14E60] =	vst v63  }
0x56: {  	_ =	swait.ge [sflag:s22], $0x1400  }
0x57: {  	[sflag:s22] =	ssyncset.done $0x0  }
0x58: {  	s8 =	simm.s32 $0x2D0;
	[sflag:s22] =	ssyncadd.s32 $0xFFFFEC00  }
0x59: {  	[tilespmem:s25], [sflag:$0x5] =	stream.indirect.gather [hbm4b:s5+s17], $0x40, s8, s17, $0xb8;
	[tilespmem:$0x14E60] =	vst v63  }
0x5a: {  	_ =	swait.ge [sflag:s26], $0x1400  }
0x5b: {  	[sflag:s26] =	ssyncset.done $0x0  }
0x5c: {  	s7 =	simm.s32 $0x28A0;
	[sflag:s26] =	ssyncadd.s32 $0xFFFFEC00  }
0x5d: {  	[spmem:s2] =	stream.indirect.scatter.add.f32 [tilespmem:s18], [sflag:$0x6], $0x40, s7, s17, $0xb8;
	[tilespmem:$0x14E60] =	vst v63  }
0x5e: {  	_ =	swait.ge [sflag:s28], $0x1400  }
0x5f: {  	[sflag:s28] =	ssyncset.done $0x0  }
0x60: {  	s8 =	simm.s32 $0x28F0;
	[sflag:s28] =	ssyncadd.s32 $0xFFFFEC00  }
0x61: {  	[spmem:s2] =	stream.indirect.scatter.add.f32 [tilespmem:s19], [sflag:$0x7], $0x40, s8, s17, $0xb8;
	[tilespmem:$0x14E60] =	vst v63  }
0x62: {  	_ =	swait.ge [sflag:s30], $0x1400  }
0x63: {  	[sflag:s30] =	ssyncset.done $0x0  }
0x64: {  	s7 =	simm.s32 $0x2940;
	[sflag:s30] =	ssyncadd.s32 $0xFFFFEC00  }
0x65: {  	[spmem:s2] =	stream.indirect.scatter.add.f32 [tilespmem:s21], [sflag:$0x8], $0x40, s7, s17, $0xb8;
	[tilespmem:$0x14E60] =	vst v63  }
0x66: {  	_ =	swait.ge [sflag:s0], $0x1400  }
0x67: {  	[sflag:s0] =	ssyncset.done $0x0  }
0x68: {  	s8 =	simm.s32 $0x2990;
	[sflag:s0] =	ssyncadd.s32 $0xFFFFEC00  }
0x69: {  	[spmem:s2] =	stream.indirect.scatter.add.f32 [tilespmem:s23], [sflag:$0x9], $0x40, s8, s17, $0xb8;
	[tilespmem:$0x14E60] =	vst v63  }
0x6a: {  	_ =	swait.ge [sflag:s20], $0x1400  }
0x6b: {  	[sflag:s20] =	ssyncset.done $0x0  }
0x6c: {  	s4 =	simm.s32 $0x640;
	s7 =	simm.s32 $0x29E0;
	[sflag:s20] =	ssyncadd.s32 $0xFFFFEC00  }
.LBB2_2:
0x6d: {  	[spmem:s2] =	stream.indirect.scatter.add.f32 [tilespmem:s25], [sflag:$0xA], $0x40, s7, s17, $0xb8;
	[tilespmem:$0x14E60] =	vst v63  }
0x6e: {  	s7 =	smov.u32 s4  }
0x6f: {  	p1 =	sne.s32 s4, $0x8FC0;
	s4 =	sadd.s32 $0x640, s4;
	_ =	swait.ge [sflag:s24], $0x1400  }
0x70: {  	s7 =	sshra.s32 s7, $0x2;
	[sflag:s24] =	ssyncset.done $0x0  }
0x71: {  	s8 =	sadd.s32 $0x190, s7;
	[sflag:s24] =	ssyncadd.s32 $0xFFFFEC00  }
0x72: {  	[tilespmem:s18], [sflag:$0x1] =	stream.indirect.gather [hbm4b:s5+s17], $0x40, s8, s17, $0xb8;
	[tilespmem:$0x14E60] =	vst v63  }
0x73: {  	_ =	swait.ge [sflag:s29], $0x1400  }
0x74: {  	[sflag:s29] =	ssyncset.done $0x0  }
0x75: {  	s8 =	sadd.s32 $0x1E0, s7;
	[sflag:s29] =	ssyncadd.s32 $0xFFFFEC00  }
0x76: {  	[tilespmem:s19], [sflag:$0x2] =	stream.indirect.gather [hbm4b:s5+s17], $0x40, s8, s17, $0xb8;
	[tilespmem:$0x14E60] =	vst v63  }
0x77: {  	_ =	swait.ge [sflag:s31], $0x1400  }
0x78: {  	[sflag:s31] =	ssyncset.done $0x0  }
0x79: {  	s8 =	sadd.s32 $0x230, s7;
	[sflag:s31] =	ssyncadd.s32 $0xFFFFEC00  }
0x7a: {  	[tilespmem:s21], [sflag:$0x3] =	stream.indirect.gather [hbm4b:s5+s17], $0x40, s8, s17, $0xb8;
	[tilespmem:$0x14E60] =	vst v63  }
0x7b: {  	_ =	swait.ge [sflag:s1], $0x1400  }
0x7c: {  	[sflag:s1] =	ssyncset.done $0x0  }
0x7d: {  	s8 =	sadd.s32 $0x280, s7;
	[sflag:s1] =	ssyncadd.s32 $0xFFFFEC00  }
0x7e: {  	[tilespmem:s23], [sflag:$0x4] =	stream.indirect.gather [hbm4b:s5+s17], $0x40, s8, s17, $0xb8;
	[tilespmem:$0x14E60] =	vst v63  }
0x7f: {  	_ =	swait.ge [sflag:s22], $0x1400  }
0x80: {  	[sflag:s22] =	ssyncset.done $0x0  }
0x81: {  	s8 =	sadd.s32 $0x2D0, s7;
	[sflag:s22] =	ssyncadd.s32 $0xFFFFEC00  }
0x82: {  	[tilespmem:s25], [sflag:$0x5] =	stream.indirect.gather [hbm4b:s5+s17], $0x40, s8, s17, $0xb8;
	[tilespmem:$0x14E60] =	vst v63  }
0x83: {  	_ =	swait.ge [sflag:s26], $0x1400  }
0x84: {  	[sflag:s26] =	ssyncset.done $0x0  }
0x85: {  	s8 =	sadd.s32 $0x28A0, s7;
	[sflag:s26] =	ssyncadd.s32 $0xFFFFEC00  }
0x86: {  	[spmem:s2] =	stream.indirect.scatter.add.f32 [tilespmem:s18], [sflag:$0x6], $0x40, s8, s17, $0xb8;
	[tilespmem:$0x14E60] =	vst v63  }
0x87: {  	_ =	swait.ge [sflag:s28], $0x1400  }
0x88: {  	[sflag:s28] =	ssyncset.done $0x0  }
0x89: {  	s8 =	sadd.s32 $0x28F0, s7;
	[sflag:s28] =	ssyncadd.s32 $0xFFFFEC00  }
0x8a: {  	[spmem:s2] =	stream.indirect.scatter.add.f32 [tilespmem:s19], [sflag:$0x7], $0x40, s8, s17, $0xb8;
	[tilespmem:$0x14E60] =	vst v63  }
0x8b: {  	_ =	swait.ge [sflag:s30], $0x1400  }
0x8c: {  	[sflag:s30] =	ssyncset.done $0x0  }
0x8d: {  	s8 =	sadd.s32 $0x2940, s7;
	[sflag:s30] =	ssyncadd.s32 $0xFFFFEC00  }
0x8e: {  	[spmem:s2] =	stream.indirect.scatter.add.f32 [tilespmem:s21], [sflag:$0x8], $0x40, s8, s17, $0xb8;
	[tilespmem:$0x14E60] =	vst v63  }
0x8f: {  	_ =	swait.ge [sflag:s0], $0x1400  }
0x90: {  	[sflag:s0] =	ssyncset.done $0x0  }
.Ltmp0:
0x91: {  	s8 =	sadd.s32 $0x2990, s7;
	[sflag:s0] =	ssyncadd.s32 $0xFFFFEC00;
	(pc) =	sbr.rel @p1 .LBB2_2-.Ltmp0, $4  }
0x92: {  	[spmem:s2] =	stream.indirect.scatter.add.f32 [tilespmem:s23], [sflag:$0x9], $0x40, s8, s17, $0xb8;
	[tilespmem:$0x14E60] =	vst v63  }
0x93: {  	_ =	swait.ge [sflag:s20], $0x1400  }
0x94: {  	[sflag:s20] =	ssyncset.done $0x0  }
0x95: {  	s7 =	sadd.s32 $0x29E0, s7;
	[sflag:s20] =	ssyncadd.s32 $0xFFFFEC00  }
0x96: {  	[spmem:s2] =	stream.indirect.scatter.add.f32 [tilespmem:s25], [sflag:$0xA], $0x40, s7, s17, $0xb8;
	[tilespmem:$0x14E60] =	vst v63  }
0x97: {  	_ =	swait.ge [sflag:s24], $0x1400  }
0x98: {  	[sflag:s24] =	ssyncset.done $0x0  }
0x99: {  	[sflag:s24] =	ssyncadd.s32 $0xFFFFEC00  }
0x9a: {  	_ =	swait.ge [sflag:s29], $0x1400  }
0x9b: {  	[sflag:s29] =	ssyncset.done $0x0  }
0x9c: {  	[sflag:s29] =	ssyncadd.s32 $0xFFFFEC00  }
0x9d: {  	_ =	swait.ge [sflag:s31], $0x1400  }
0x9e: {  	[sflag:s31] =	ssyncset.done $0x0  }
0x9f: {  	[sflag:s31] =	ssyncadd.s32 $0xFFFFEC00  }
0xa0: {  	_ =	swait.ge [sflag:s1], $0x1400  }
0xa1: {  	[sflag:s1] =	ssyncset.done $0x0  }
0xa2: {  	[sflag:s1] =	ssyncadd.s32 $0xFFFFEC00  }
0xa3: {  	_ =	swait.ge [sflag:s22], $0x1400  }
0xa4: {  	[sflag:s22] =	ssyncset.done $0x0  }
0xa5: {  	[sflag:s22] =	ssyncadd.s32 $0xFFFFEC00  }
0xa6: {  	[bflag:$0x0] =	sbarrier.arrive $0xFFFF  }
0xa7: {  	s4 =	rddreg [dreg:$0x4]  }
0xa8: {  	s4 =	sadd.s32 s4, s9  }
0xa9: {  	[hbm:s4], [sflag:s14] =	dma.local [spmem:s15], $0x1380  }
0xaa: {  	_ =	swait.ge [sflag:s11], $0x1380  }
0xab: {  	s6 =	sadd.s32 $0x1, s6;
	[sflag:s11] =	ssyncset.done $0x0  }
0xac: {  	p1 =	sne.s32 s6, s10;
	s4 =	sadd.s32 @!p0 $0x13800, s9;
	[sflag:s11] =	ssyncadd.s32 $0xFFFFEC80  }
0xad: {  	[hbm:s4], [sflag:s14] =	dma.local @!p0 [spmem:s16], $0x80  }
.Ltmp1:
0xae: {  	_ = 	snop;
	(pc) =	sbr.rel @p1 .LBB2_1-.Ltmp1, $4  }
0xaf: {  	s4 =	simm.s32 @!p0 $0xB  }
0xb0: {  	_ =	swait.ge @!p0 [sflag:s4], $0x80  }
0xb1: {  	[sflag:s4] =	ssyncset.done @!p0 $0x0  }
0xb2: {  	[sflag:s4] =	ssyncadd.s32 @!p0 $0xFFFFFF80  }
0xb3: {  	_ =	sfence.sel $0x180000  }
0xb4: {  	[bflag:$0x0] =	sbarrier.arrive $0xFFFF  }
0xb5: {  	_ =	strace $0x9000004D  }
0xb6: {  	s0 =	stileid.u32;
	[bflag:$0x2] =	sbarrier.arrive $0xFFFF  }
0xb7: {  	p0 =	sne.s32 s0, $0x0;
	s0 =	rddreg [dreg:$0x3]  }
0xb8: {  	s0 =	sadd.s32 @!p0 $0x100000, s0  }
0xb9: {  	[sflag:s0] =	ssyncadd.tile.s32 @!p0 $0x1;
	_ =	shalt  }
.Lfunc_end2:
_tile_overlayer_lowered:
.L_overlay_start_2:
0xba: {  	(tag) =	ssettag $0x2  }
0xbb: {  	s0 =	rddreg [dreg:$0x0];
	s2 =	stileid.u32  }
0xbc: {  	s1 =	rddreg [dreg:$0x1];
	p0 =	sne.s32 s2, $0x0  }
0xbd: {  	s3 =	rddreg [dreg:$0x2];
	[bflag:$0x3] =	sbarrier.arrive $0xFFFF;
	s2 =	simm.s32 @!p0 $0x1C0B  }
0xbe: {  	[timem:s3], [sflag:s2] =	dma.local @!p0 [hbm:s0], s1  }
0xbf: {  	s0 =	simm.s32 @!p0 $0xB  }
0xc0: {  	_ =	swait.ge @!p0 [sflag:s0], s1  }
0xc1: {  	s1 =	ssub.s32 @!p0 $0x0, s1;
	[sflag:s0] =	ssyncset.done @!p0 $0x0  }
0xc2: {  	[sflag:s0] =	ssyncadd.s32 @!p0 s1  }
0xc3: {  	[bflag:$0x3] =	sbarrier.arrive $0xFFFF  }
0xc4: {  	_ =	shalt  }

// kernel: kernel.8.cloned.1.call-start
scs
__scs_entry_jumppad:
0x0: {  	(pc) =	sbr.rel $0x88, $3  }
0x1: {  	(tag) =	ssettag $0x0;
	lr =	simm.s32 $0x1  }
0x2: {  	[smem:$0x3F9B] =	sst lr;
	_ =	strace $0xD0000000  }
0x3: {  	_ = 	snop  }
0x4: {  	_ = 	snop  }
0x5: {  	_ = 	snop  }
0x6: {  	_ = 	snop  }
0x7: {  	_ = 	snop  }
__scs_overlays_trampoline_lowered:
0x8: {  	[smem:$0x3FAA] =	sst s0  }
0x9: {  	[smem:$0x3FAB] =	sst s1  }
0xa: {  	[smem:$0x3FAC] =	sst s2  }
0xb: {  	[smem:$0x3FAD] =	sst s3  }
0xc: {  	[smem:$0x3FAE] =	sst s4  }
0xd: {  	[smem:$0x3FAF] =	sst s5  }
0xe: {  	[smem:$0x3FB0] =	sst s6  }
0xf: {  	[smem:$0x3FB1] =	sst s7  }
0x10: {  	[smem:$0x3FB2] =	sst s8  }
0x11: {  	[smem:$0x3FB3] =	sst s9;
	s0 =	simm.s32 @!p0 $0x0  }
0x12: {  	s1 =	sld [smem:$0x3F99];
	s0 =	simm.s32 @p0 $0x1  }
0x13: {  	[smem:$0x3FB4] =	sst s0;
	s0 =	simm.s32 @!p1 $0x0  }
0x14: {  	s2 =	sld [smem:$0x3F98];
	s0 =	simm.s32 @p1 $0x1  }
0x15: {  	[smem:$0x3FB5] =	sst s0;
	s0 =	simm.s32 @!p2 $0x0  }
0x16: {  	s3 =	sld [smem:$0x3FDB];
	s0 =	simm.s32 @p2 $0x1  }
0x17: {  	s4 =	simm.s32 $0x1BF5;
	[smem:$0x3FB7] =	sst s0  }
0x18: {  	s0 =	sld [smem:$0x3F9A];
	_ =	swait.ge [sflag:s4], $0x0  }
0x19: {  	s7 =	sld [smem:$0x3F9B]  }
0x1a: {  	s8 =	sadd.s32 $0xFFFFE003, lr  }
0x1b: {  	s9 =	sadd.s32 $0xFFFFFEF7, lr;
	s5 =	simm.s32 $0xFFFFFFFF;
	p2 =	slt.u32 s8, $0xFFFFF086  }
0x1c: {  	p1 =	slt.u32 s9, $0xF7A;
	s5 =	simm.s32 @!p2 $0x0  }
0x1d: {  	s5 =	simm.s32 @p1 $0x1;
	p0 =	seq.s32 s7, s2  }
0x1e: {  	s7 =	smul.u32 @!p0 $0xF7A, s2;
	p2 =	seq.s32 @!p0 s5, $0x0  }
0x1f: {  	s9 =	smul.u32 $0xF7A, s1;
	s8 =	simm.s32 @!p0 $0x1BF5;
	p2 =	por !p2, p0  }
0x20: {  	[sflag:s8] =	ssyncset.s32 @!p0 $0xFFFFF086;
	s6 =	sadd.s32 @!p0 s3, s7;
	s7 =	simm.s32 @!p0 $0x108  }
0x21: {  	s3 =	sadd.s32 s3, s9;
	s6 =	sadd.s32 @!p0 $0x88, s6;
	s7 =	simm.s32 @p2 $0x1082  }
0x22: {  	[simem:s7], [sflag:s8] =	dma.local @!p0 [hbm:s6], $0xF7A  }
0x23: {  	s9 =	sor.u32 $0xD0000000, s2;
	s6 =	simm.s32 $0x108;
	_ =	swait.ge @!p0 [sflag:s8], $0x0  }
0x24: {  	s3 =	sadd.s32 $0x88, s3;
	s6 =	simm.s32 @!p1 $0x1082;
	[sflag:s4] =	ssyncset.s32 $0xFFFFF086  }
0x25: {  	[simem:s6], [sflag:s4] =	dma.local [hbm:s3], $0xF7A  }
0x26: {  	[smem:$0x3F9B] =	sst s1;
	(tag) =	ssettag s2;
	_ =	strace s9  }
0x27: {  	s1 =	sld [smem:$0x3FAB]  }
0x28: {  	s2 =	sld [smem:$0x3FAC]  }
0x29: {  	s4 =	sld [smem:$0x3FAE]  }
0x2a: {  	p0 =	seq.s32 s5, $0x0;
	s5 =	sld [smem:$0x3FAF]  }
0x2b: {  	s6 =	sld [smem:$0x3FB0]  }
0x2c: {  	s7 =	sld [smem:$0x3FB1]  }
0x2d: {  	s3 =	simm.s32 $0x108;
	s8 =	sld [smem:$0x3FB2]  }
0x2e: {  	s3 =	simm.s32 @!p0 $0x1082;
	s9 =	sld [smem:$0x3FB3]  }
0x2f: {  	lr =	sadd.s32 s0, s3;
	s0 =	sld [smem:$0x3FAA]  }
0x30: {  	s3 =	sld [smem:$0x3FAD]  }
0x31: {  	[smem:$0x3FB6] =	sst s10  }
0x32: {  	s10 =	sld [smem:$0x3FB4];
	_ =	sdelay $0x3  }
0x33: {  	p0 =	seq.s32 s10, $0x1;
	s10 =	sld [smem:$0x3FB6];
	_ =	sdelay $0x3  }
0x34: {  	[smem:$0x3FB6] =	sst s10  }
0x35: {  	s10 =	sld [smem:$0x3FB5];
	_ =	sdelay $0x3  }
0x36: {  	p1 =	seq.s32 s10, $0x1;
	s10 =	sld [smem:$0x3FB6];
	_ =	sdelay $0x3  }
0x37: {  	[smem:$0x3FB6] =	sst s10  }
0x38: {  	s10 =	sld [smem:$0x3FB7]  }
0x39: {  	_ = 	snop;
	(pc) =	sbr.ind lr, $3  }
0x3a: {  	_ = 	snop  }
0x3b: {  	_ = 	snop  }
0x3c: {  	p2 =	seq.s32 s10, $0x1;
	s10 =	sld [smem:$0x3FB6]  }
0x3d: {  	_ =	shalt  }
0x3e: {  	_ =	shalt  }
0x3f: {  	_ =	shalt  }
0x40: {  	_ =	shalt  }
0x41: {  	_ =	shalt  }
0x42: {  	_ =	shalt  }
0x43: {  	_ =	shalt  }
0x44: {  	_ =	shalt  }
0x45: {  	_ =	shalt  }
0x46: {  	_ =	shalt  }
0x47: {  	_ =	shalt  }
0x48: {  	_ =	shalt  }
0x49: {  	_ =	shalt  }
0x4a: {  	_ =	shalt  }
0x4b: {  	_ =	shalt  }
0x4c: {  	_ =	shalt  }
0x4d: {  	_ =	shalt  }
0x4e: {  	_ =	shalt  }
0x4f: {  	_ =	shalt  }
0x50: {  	_ =	shalt  }
0x51: {  	_ =	shalt  }
0x52: {  	_ =	shalt  }
0x53: {  	_ =	shalt  }
0x54: {  	_ =	shalt  }
0x55: {  	_ =	shalt  }
0x56: {  	_ =	shalt  }
0x57: {  	_ =	shalt  }
0x58: {  	_ =	shalt  }
0x59: {  	_ =	shalt  }
0x5a: {  	_ =	shalt  }
0x5b: {  	_ =	shalt  }
0x5c: {  	_ =	shalt  }
0x5d: {  	_ =	shalt  }
0x5e: {  	_ =	shalt  }
0x5f: {  	_ =	shalt  }
0x60: {  	_ =	shalt  }
0x61: {  	_ =	shalt  }
0x62: {  	_ =	shalt  }
0x63: {  	_ =	shalt  }
0x64: {  	_ =	shalt  }
0x65: {  	_ =	shalt  }
0x66: {  	_ =	shalt  }
0x67: {  	_ =	shalt  }
0x68: {  	_ =	shalt  }
0x69: {  	_ =	shalt  }
0x6a: {  	_ =	shalt  }
0x6b: {  	_ =	shalt  }
0x6c: {  	_ =	shalt  }
0x6d: {  	_ =	shalt  }
0x6e: {  	_ =	shalt  }
0x6f: {  	_ =	shalt  }
0x70: {  	_ =	shalt  }
0x71: {  	_ =	shalt  }
0x72: {  	_ =	shalt  }
0x73: {  	_ =	shalt  }
0x74: {  	_ =	shalt  }
0x75: {  	_ =	shalt  }
0x76: {  	_ =	shalt  }
0x77: {  	_ =	shalt  }
0x78: {  	_ =	shalt  }
0x79: {  	_ =	shalt  }
0x7a: {  	_ =	shalt  }
0x7b: {  	_ =	shalt  }
0x7c: {  	_ =	shalt  }
0x7d: {  	_ =	shalt  }
0x7e: {  	_ =	shalt  }
0x7f: {  	_ =	shalt  }
0x80: {  	_ =	shalt  }
0x81: {  	_ =	shalt  }
0x82: {  	_ =	shalt  }
0x83: {  	_ =	shalt  }
0x84: {  	_ =	shalt  }
0x85: {  	_ =	shalt  }
0x86: {  	_ =	shalt  }
0x87: {  	_ =	shalt  }
.Lfunc_end0:
.L_simem_size_0:
called_computation_lowered:
.L_overlay_start_0:
0x88: {  	s2 =	sld [smem:$0x3FD9]  }
0x89: {  	s3 =	sld [smem:$0x3FFE];
	_ =	sdelay $0x1  }
0x8a: {  	s1 =	srdreg.scid  }
0x8b: {  	s0 =	sand.u32 $0x1, s1  }
0x8c: {  	s17 =	sshll.u32 s0, $0xA;
	s2 =	sadd.s32 s3, s2  }
0x8d: {  	s2 =	sadd.s32 s2, s17  }
0x8e: {  	[smem:$0x3FC2] =	sst s2  }
0x8f: {  	_ = 	snop  }
0x90: {  	s2 =	sld [smem:$0x3FD0];
	(tm) =	ssettm $0x1  }
0x91: {  	s18 =	sld [smem:$0x3FFB];
	_ =	sdelay $0x3  }
0x92: {  	_ =	strace s18  }
0x93: {  	s3 =	sld [smem:$0x3FFC];
	_ =	sdelay $0x3  }
0x94: {  	_ =	strace s3  }
0x95: {  	s3 =	sld [smem:$0x3FFD];
	_ =	sdelay $0x3  }
0x96: {  	_ =	strace s3  }
0x97: {  	_ =	strace $0x8FFFFFFF  }
0x98: {  	s19 =	sld [smem:$0x3FDB];
	_ =	sdelay $0x1  }
0x99: {  	s4 =	simm.s32 $_scs_section_size  }
0x9a: {  	s5 =	simm.s32 $_size__tile_overlayer_lowered;
	s6 =	simm.s32 $_tile_overlayer_lowered  }
0x9b: {  	s22 =	simm.s32 $0x1BFF;
	s21 =	sshll.u32 s6, $0x1;
	s3 =	sadd.s32 s4, s19  }
0x9c: {  	s7 =	simm.s32 $0x0;
	s20 =	sshll.u32 s5, $0x1;
	s5 =	sadd.s32 s21, s3  }
0x9d: {  	[timem:s7], [sflag:s22] =	dma.local [hbm:s5], s20  }
0x9e: {  	_ =	swait.ge [sflag:s22], s20  }
0x9f: {  	s4 =	ssub.s32 $0x0, s20;
	[sflag:s22] =	ssyncset.done $0x0  }
0xa0: {  	[sflag:s22] =	ssyncadd.s32 s4;
	_ =	sdelay $0x1  }
0xa1: {  	s23 =	simm.s32 $0x1B8B  }
0xa2: {  	_ =	swait.ge [sflag:s23], $0x1  }
0xa3: {  	[sflag:s23] =	ssyncset.done $0x0  }
0xa4: {  	s25 =	simm.s32 $0x1B8E;
	s24 =	sld [smem:$0x3FFE];
	[sflag:s23] =	ssyncadd.s32 $0xFFFFFFFF  }
0xa5: {  	s26 =	simm.s32 $execute0_lowered;
	[smem:$0x3FD2] =	sst s25  }
0xa6: {  	s5 =	sshll.u32 s26, $0x1;
	_ =	strace $0x80000046;
	[dreg:$0x1] =	wrdreg $0xFFFFFFFF  }
0xa7: {  	s28 =	simm.s32 $_size_execute0_lowered;
	s3 =	sadd.s32 s3, s5;
	[dreg:$0x0] =	wrdreg $0x0  }
0xa8: {  	s5 =	sshll.u32 s28, $0x1;
	[dreg:$0x2] =	wrdreg s3  }
0xa9: {  	[dreg:$0x3] =	wrdreg s5  }
0xaa: {  	[dreg:$0x4] =	wrdreg $0xC0  }
0xab: {  	_ =	task [dreg:s7], $0x5FFFF  }
0xac: {  	[dreg:$0x1] =	wrdreg $0xFFFFFFFF  }
0xad: {  	[dreg:$0x0] =	wrdreg $0x60  }
0xae: {  	[dreg:$0x2] =	wrdreg s2  }
0xaf: {  	[dreg:$0x3] =	wrdreg s24  }
0xb0: {  	[dreg:$0x4] =	wrdreg $0x2C100  }
0xb1: {  	[dreg:$0x5] =	wrdreg $0x9  }
0xb2: {  	_ =	task.clear_ibuf [dreg:s7], $0x6FFFF;
	_ =	strace $0x90000046  }
0xb3: {  	s29 =	simm.s32 $0x9;
	_ =	strace $0x80000048  }
0xb4: {  	_ =	swait.ge [sflag:s29], $0x1  }
0xb5: {  	[sflag:s29] =	ssyncadd.s32 $0xFFFFFFFF  }
0xb6: {  	_ =	strace $0x90000048  }
0xb7: {  	_ =	sfence  }
0xb8: {  	s30 =	sld [smem:$0x0];
	_ =	sdelay $0x2  }
0xb9: {  	s31 =	sshll.u32 s1, $0xD;
	s1 =	sshrl.u32 s1, $0x2  }
0xba: {  	s3 =	sand.u32 $0x4000, s31;
	s1 =	sadd.s32 s1, s30  }
0xbb: {  	s0 =	sor.u32 s3, s0;
	s1 =	sshll.u32 s1, $0x11  }
0xbc: {  	s0 =	sor.u32 s1, s0  }
0xbd: {  	s0 =	sadd.s32 $0x8F2B, s0  }
0xbe: {  	[sflag:s0] =	ssyncadd.remote.s32 $0x1  }
0xbf: {  	_ =	sfence.sel $0xFFFF  }
0xc0: {  	[dreg:$0x0] =	wrdreg $0xFFFFFFFF;
	(pc) =	sbr.abs _section_cstart, $3  }
0xc1: {  	[dreg:$0x1] =	wrdreg $0xFFFFFFFF  }
0xc2: {  	_ =	task.clear_ibuf [dreg:s7], $0x2FFFF;
	_ =	strace $0x9FFFFFFF  }
0xc3: {  	(tm) =	ssettm $0x7FFFFFFF  }
tec
execute0_lowered:
.L_overlay_start_1:
0x0: {  	(tag) =	ssettag $0x1  }
0x1: {  	s5 =	rddreg [dreg:$0x0]  }
0x2: {  	s6 =	rddreg [dreg:$0x1]  }
0x3: {  	s2 =	rddreg [dreg:$0x2]  }
0x4: {  	s1 =	stileid.u32;
	s0 =	rddreg [dreg:$0x3];
	s3 =	simm.s32 $0x0  }
0x5: {  	s4 =	srdreg.scid;
	s18 =	simm.s32 $0x0;
	s7 =	smul.u32 $0x2700, s1  }
0x6: {  	[smem:$0x7FF] =	sst s3;
	s8 =	sand.u32 $0x1, s4;
	s4 =	sadd.s32 $0x7200, s6  }
0x7: {  	s30 =	sadd.s32 $0x9C40, s5;
	s15 =	sadd.s32 $0x27000, s2;
	p0 =	sne.s32 s1, $0xF  }
0x8: {  	s31 =	sshll.u32 s1, $0x6;
	_ =	strace $0x80000047;
	s10 =	smul.u32 $0x4E20, s8  }
0x9: {  	s11 =	ssub.s32 $0x2, s8;
	s8 =	sshll.u32 s8, $0x4;
	s16 =	sshrl.u32 s7, $0x3  }
0xa: {  	s12 =	sshrl.u32 s11, $0x1;
	s8 =	sor.u32 s1, s8;
	s14 =	sadd.s32 s7, s2  }
0xb: {  	s9 =	sadd.s32 s16, s6;
	s10 =	sadd.s32 s10, s6;
	s11 =	ssub.s32 s11, s12  }
0xc: {  	s13 =	smul.u32 $0x4E2, s8;
	s6 =	sadd.s32 $0x7000, s6;
	s8 =	simm.s32 $0x2710  }
0xd: {  	s12 =	sshrl.u32 s14, $0x3;
	s14 =	simm.s32 $0x50;
	s5 =	sadd.s32 $0x2200, s9  }
0xe: {  	s17 =	sadd.s32 $0x7400, s10;
	s7 =	smax.u32 s11, $0x1;
	s9 =	simm.s32 $0x2  }
0xf: {  	s11 =	sor.u32 $0x1C02, s31;
	s10 =	sadd.s32 s13, s30;
	s13 =	sshrl.u32 @!p0 s15, $0x3  }
0x10: {  	s15 =	simm.s32 $0x1;
	s16 =	sadd.s32 s16, s17;
	s17 =	sadd.s32 @!p0 $0x4E00, s17  }
.LBB2_1:
0x11: {  	[tilespmem:s8], [sflag:$0x2] =	stream.linear.gather [hbm4b:s4+s3], $0x500, $0x38;
	[tilespmem:$0x5320] =	vst v63  }
0x12: {  	_ =	swait.ge [sflag:s9], $0x500  }
0x13: {  	[sflag:s9] =	ssyncset.done $0x0  }
0x14: {  	[sflag:s9] =	ssyncadd.s32 $0xFFFFFB00  }
0x15: {  	[tilespmem:s3], [sflag:$0x2] =	stream.linear.gather [hbm4b:s10+s3], $0x2710, $0x38;
	[tilespmem:$0x5320] =	vst v63  }
0x16: {  	_ =	swait.ge [sflag:s9], $0x2710  }
0x17: {  	[sflag:s9] =	ssyncset.done $0x0  }
0x18: {  	[sflag:s9] =	ssyncadd.s32 $0xFFFFD8F0  }
0x19: {  	[spmem:s12], [sflag:s11] =	dma.local [hbm:s5], $0x4E0  }
0x1a: {  	_ =	swait.ge [sflag:s9], $0x4E0  }
0x1b: {  	[sflag:s9] =	ssyncset.done $0x0  }
0x1c: {  	s19 =	simm.s32 @!p0 $0x2;
	[sflag:s9] =	ssyncadd.s32 $0xFFFFFB20  }
0x1d: {  	[spmem:s13], [sflag:s11] =	dma.local @!p0 [hbm:s6], $0x20  }
0x1e: {  	_ =	swait.ge @!p0 [sflag:s19], $0x20  }
0x1f: {  	[sflag:s19] =	ssyncset.done @!p0 $0x0  }
0x20: {  	[sflag:s19] =	ssyncadd.s32 @!p0 $0xFFFFFFE0  }
0x21: {  	s26 =	simm.s32 $0x0;
	[bflag:$0x0] =	sbarrier.arrive $0xFFFF  }
0x22: {  	[spmem:s2] =	stream.indirect.scatter.add.f32 [tilespmem:s8], [sflag:$0x1], $0x10, s26, s14, $0xb8;
	[tilespmem:$0x5320] =	vst v63  }
0x23: {  	s28 =	simm.s32 $0x50  }
0x24: {  	[spmem:s2] =	stream.indirect.scatter.add.f32 [tilespmem:s8], [sflag:$0x1], $0x10, s28, s14, $0xb8;
	[tilespmem:$0x5320] =	vst v63  }
0x25: {  	s29 =	simm.s32 $0xA0  }
0x26: {  	[spmem:s2] =	stream.indirect.scatter.add.f32 [tilespmem:s8], [sflag:$0x1], $0x10, s29, s14, $0xb8;
	[tilespmem:$0x5320] =	vst v63  }
0x27: {  	s30 =	simm.s32 $0xF0  }
0x28: {  	[spmem:s2] =	stream.indirect.scatter.add.f32 [tilespmem:s8], [sflag:$0x1], $0x10, s30, s14, $0xb8;
	[tilespmem:$0x5320] =	vst v63  }
0x29: {  	s31 =	simm.s32 $0x140  }
0x2a: {  	[spmem:s2] =	stream.indirect.scatter.add.f32 [tilespmem:s8], [sflag:$0x1], $0x10, s31, s14, $0xb8;
	[tilespmem:$0x5320] =	vst v63  }
0x2b: {  	_ =	swait.ge [sflag:s15], $0x500  }
0x2c: {  	[sflag:s15] =	ssyncset.done $0x0  }
0x2d: {  	[sflag:s15] =	ssyncadd.s32 $0xFFFFFB00  }
0x2e: {  	_ =	swait.ge [sflag:s15], $0x500  }
0x2f: {  	[sflag:s15] =	ssyncset.done $0x0  }
0x30: {  	[sflag:s15] =	ssyncadd.s32 $0xFFFFFB00  }
0x31: {  	_ =	swait.ge [sflag:s15], $0x500  }
0x32: {  	[sflag:s15] =	ssyncset.done $0x0  }
0x33: {  	[sflag:s15] =	ssyncadd.s32 $0xFFFFFB00  }
0x34: {  	_ =	swait.ge [sflag:s15], $0x500  }
0x35: {  	[sflag:s15] =	ssyncset.done $0x0  }
0x36: {  	[sflag:s15] =	ssyncadd.s32 $0xFFFFFB00  }
0x37: {  	_ =	swait.ge [sflag:s15], $0x500  }
0x38: {  	s20 =	simm.s32 $0xC80;
	s19 =	simm.s32 $0x640;
	[sflag:s15] =	ssyncset.done $0x0  }
.LBB2_2:
0x39: {  	s21 =	sshra.s32 s19, $0x2  }
0x3a: {  	[sflag:s15] =	ssyncadd.s32 $0xFFFFFB00;
	s19 =	smov.u32 s20;
	s22 =	sadd.s32 $0x640, s20  }
0x3b: {  	[spmem:s2] =	stream.indirect.scatter.add.f32 [tilespmem:s8], [sflag:$0x1], $0x10, s21, s14, $0xb8;
	[tilespmem:$0x5320] =	vst v63  }
0x3c: {  	p1 =	sne.s32 s20, $0x9600;
	s20 =	sadd.s32 $0x50, s21  }
0x3d: {  	[spmem:s2] =	stream.indirect.scatter.add.f32 [tilespmem:s8], [sflag:$0x1], $0x10, s20, s14, $0xb8;
	[tilespmem:$0x5320] =	vst v63  }
0x3e: {  	s20 =	sadd.s32 $0xA0, s21  }
0x3f: {  	[spmem:s2] =	stream.indirect.scatter.add.f32 [tilespmem:s8], [sflag:$0x1], $0x10, s20, s14, $0xb8;
	[tilespmem:$0x5320] =	vst v63  }
0x40: {  	s20 =	sadd.s32 $0xF0, s21  }
0x41: {  	[spmem:s2] =	stream.indirect.scatter.add.f32 [tilespmem:s8], [sflag:$0x1], $0x10, s20, s14, $0xb8;
	[tilespmem:$0x5320] =	vst v63  }
0x42: {  	s20 =	sadd.s32 $0x140, s21  }
0x43: {  	[spmem:s2] =	stream.indirect.scatter.add.f32 [tilespmem:s8], [sflag:$0x1], $0x10, s20, s14, $0xb8;
	[tilespmem:$0x5320] =	vst v63  }
0x44: {  	_ =	swait.ge [sflag:s15], $0x500  }
0x45: {  	[sflag:s15] =	ssyncset.done $0x0  }
0x46: {  	[sflag:s15] =	ssyncadd.s32 $0xFFFFFB00  }
0x47: {  	_ =	swait.ge [sflag:s15], $0x500  }
0x48: {  	[sflag:s15] =	ssyncset.done $0x0  }
0x49: {  	[sflag:s15] =	ssyncadd.s32 $0xFFFFFB00  }
0x4a: {  	_ =	swait.ge [sflag:s15], $0x500  }
0x4b: {  	[sflag:s15] =	ssyncset.done $0x0  }
0x4c: {  	[sflag:s15] =	ssyncadd.s32 $0xFFFFFB00  }
.Ltmp0:
0x4d: {  	_ =	swait.ge [sflag:s15], $0x500;
	(pc) =	sbr.rel @p1 .LBB2_2-.Ltmp0, $4  }
0x4e: {  	[sflag:s15] =	ssyncset.done $0x0  }
0x4f: {  	[sflag:s15] =	ssyncadd.s32 $0xFFFFFB00  }
0x50: {  	_ =	swait.ge [sflag:s15], $0x500  }
0x51: {  	s20 =	smov.u32 s22;
	[sflag:s15] =	ssyncset.done $0x0  }
0x52: {  	s19 =	sshra.s32 s19, $0x2;
	[sflag:s15] =	ssyncadd.s32 $0xFFFFFB00  }
0x53: {  	[spmem:s2] =	stream.indirect.scatter.add.f32 [tilespmem:s8], [sflag:$0x1], $0x10, s19, s14, $0xb8;
	[tilespmem:$0x5320] =	vst v63  }
0x54: {  	s20 =	sadd.s32 $0x50, s19  }
0x55: {  	[spmem:s2] =	stream.indirect.scatter.add.f32 [tilespmem:s8], [sflag:$0x1], $0x10, s20, s14, $0xb8;
	[tilespmem:$0x5320] =	vst v63  }
0x56: {  	s30 =	sadd.s32 $0xA0, s19  }
0x57: {  	[spmem:s2] =	stream.indirect.scatter.add.f32 [tilespmem:s8], [sflag:$0x1], $0x10, s30, s14, $0xb8;
	[tilespmem:$0x5320] =	vst v63  }
0x58: {  	s31 =	sadd.s32 $0xF0, s19  }
0x59: {  	[spmem:s2] =	stream.indirect.scatter.add.f32 [tilespmem:s8], [sflag:$0x1], $0x10, s31, s14, $0xb8;
	[tilespmem:$0x5320] =	vst v63  }
0x5a: {  	s19 =	sadd.s32 $0x140, s19  }
0x5b: {  	[spmem:s2] =	stream.indirect.scatter.add.f32 [tilespmem:s8], [sflag:$0x1], $0x10, s19, s14, $0xb8;
	[tilespmem:$0x5320] =	vst v63  }
0x5c: {  	_ =	swait.ge [sflag:s15], $0x500  }
0x5d: {  	[sflag:s15] =	ssyncset.done $0x0  }
0x5e: {  	[sflag:s15] =	ssyncadd.s32 $0xFFFFFB00  }
0x5f: {  	_ =	swait.ge [sflag:s15], $0x500  }
0x60: {  	[sflag:s15] =	ssyncset.done $0x0  }
0x61: {  	[sflag:s15] =	ssyncadd.s32 $0xFFFFFB00  }
0x62: {  	_ =	swait.ge [sflag:s15], $0x500  }
0x63: {  	[sflag:s15] =	ssyncset.done $0x0  }
0x64: {  	[sflag:s15] =	ssyncadd.s32 $0xFFFFFB00  }
0x65: {  	_ =	swait.ge [sflag:s15], $0x500  }
0x66: {  	[sflag:s15] =	ssyncset.done $0x0  }
0x67: {  	[sflag:s15] =	ssyncadd.s32 $0xFFFFFB00  }
0x68: {  	_ =	swait.ge [sflag:s15], $0x500  }
0x69: {  	[sflag:s15] =	ssyncset.done $0x0  }
0x6a: {  	[sflag:s15] =	ssyncadd.s32 $0xFFFFFB00  }
0x6b: {  	[bflag:$0x0] =	sbarrier.arrive $0xFFFF  }
0x6c: {  	[hbm:s16], [sflag:s11] =	dma.local [spmem:s12], $0x4E0  }
0x6d: {  	s18 =	sadd.s32 $0x1, s18;
	_ =	swait.ge [sflag:s9], $0x4E0  }
0x6e: {  	p1 =	sne.s32 s18, s7;
	[sflag:s9] =	ssyncset.done $0x0  }
.Ltmp1:
0x6f: {  	s19 =	simm.s32 @!p0 $0x2;
	[sflag:s9] =	ssyncadd.s32 $0xFFFFFB20;
	(pc) =	sbr.rel @p1 .LBB2_1-.Ltmp1, $4  }
0x70: {  	[hbm:s17], [sflag:s11] =	dma.local @!p0 [spmem:s13], $0x20  }
0x71: {  	_ =	swait.ge @!p0 [sflag:s19], $0x20  }
0x72: {  	[sflag:s19] =	ssyncset.done @!p0 $0x0  }
0x73: {  	[sflag:s19] =	ssyncadd.s32 @!p0 $0xFFFFFFE0  }
0x74: {  	_ =	sfence.sel $0x180000  }
0x75: {  	[bflag:$0x0] =	sbarrier.arrive $0xFFFF  }
0x76: {  	p0 =	sne.s32 s1, $0x0;
	_ =	strace $0x90000047  }
0x77: {  	s0 =	sadd.s32 @!p0 $0x100000, s0;
	[bflag:$0x2] =	sbarrier.arrive $0xFFFF  }
0x78: {  	[sflag:s0] =	ssyncadd.tile.s32 @!p0 $0x1;
	_ =	shalt  }
.Lfunc_end2:
_tile_overlayer_lowered:
.L_overlay_start_2:
0x79: {  	(tag) =	ssettag $0x2  }
0x7a: {  	s0 =	rddreg [dreg:$0x0];
	s2 =	stileid.u32  }
0x7b: {  	s1 =	rddreg [dreg:$0x1];
	p0 =	sne.s32 s2, $0x0  }
0x7c: {  	s3 =	rddreg [dreg:$0x2];
	[bflag:$0x3] =	sbarrier.arrive $0xFFFF;
	s2 =	simm.s32 @!p0 $0x1C02  }
0x7d: {  	[timem:s3], [sflag:s2] =	dma.local @!p0 [hbm:s0], s1  }
0x7e: {  	s0 =	simm.s32 @!p0 $0x2  }
0x7f: {  	_ =	swait.ge @!p0 [sflag:s0], s1  }
0x80: {  	s1 =	ssub.s32 @!p0 $0x0, s1;
	[sflag:s0] =	ssyncset.done @!p0 $0x0  }
0x81: {  	[sflag:s0] =	ssyncadd.s32 @!p0 s1  }
0x82: {  	[bflag:$0x3] =	sbarrier.arrive $0xFFFF  }
0x83: {  	_ =	shalt  }

</sc_bundles>
